<compile_context>
chip_gen: v7x
topology: tpu7x:2x2x1
jax: 0.10.2.dev20260603
libtpu: 0.0.44.dev20260713+nightly
codegen_flags: <defaults>
</compile_context>

<pallas_src>
import functools

import jax
import jax.numpy as jnp
import numpy as np
from jax import lax
from jax.experimental import pallas as pl
from jax.experimental.pallas import tpu as pltpu
from jax.experimental.pallas import tpu_sc as plsc

N = 10000
E = 160000
F = 16
ED = 4
EW = 256
G = 64

NC = 2
NS = 16
L = 16
NW = NC * NS
CH = 125
CHP = 128
NCHUNK = (E // NW) // CH
WPE = NCHUNK * CHP
EP = NW * WPE
NP = N + L
NPS = NP // NS
NWS = N // NS
BE = 4096

def _perm_maps():
    j = np.arange(NW * NCHUNK * CHP)
    u = j % BE
    q = (j // BE) * BE + (BE // 8) * (u % 8) + (u // 8)
    k = q % CHP
    row = np.where(k < CH, (q // CHP) * CH + k, -1).astype(np.int32)
    qe = np.arange(NW * NCHUNK * CHP)
    ke = qe % CHP
    nat = np.where(ke < CH, (qe // CHP) * CH + ke, -1).astype(np.int32)
    return row, nat


_ROWMAP, _NATMAP = _perm_maps()


@functools.cache
def _sc_mesh():
    return plsc.VectorSubcoreMesh(
        core_axis_name="c", subcore_axis_name="s",
        num_cores=NC, num_subcores=NS)



def _zero_acc(zbuf, acc, sid):
    def zrow(i, c):
        zbuf[i, :] = jnp.zeros((L,), jnp.float32)
        return c
    lax.fori_loop(0, NPS, zrow, 0)
    pltpu.sync_copy(zbuf, acc.at[pl.ds(sid * NPS, NPS)])
    plsc.subcore_barrier()


def _writeout_acc(acc, out, cid, sid):
    plsc.subcore_barrier()
    @pl.when(sid == 0)
    def _():
        pltpu.sync_copy(acc.at[pl.ds(0, N)], out.at[cid])


@functools.cache
def _sc_gather_k():
    @functools.partial(
        pl.kernel,
        out_type=jax.ShapeDtypeStruct((EP, F), jnp.float32),
        mesh=_sc_mesh(),
        compiler_params=pltpu.CompilerParams(use_tc_tiling_on_sc=False),
        scratch_types=[
            pltpu.VMEM((NCHUNK, CHP), jnp.int32),
            pltpu.VMEM((WPE, F), jnp.float32),
            pltpu.VMEM_SHARED((N, F), jnp.float32),
            pltpu.SemaphoreType.DMA,
        ],
    )
    def k(table, idx, out, idx_v, rows_v, tsh, sem):
        cid = lax.axis_index("c")
        sid = lax.axis_index("s")
        wid = sid * NC + cid
        pltpu.sync_copy(idx.at[pl.ds(wid * NCHUNK, NCHUNK)], idx_v)

        @pl.when(sid == 0)
        def _():
            pltpu.sync_copy(table, tsh)
        plsc.subcore_barrier()

        def fire(j, c):
            pltpu.make_async_copy(tsh.at[idx_v.at[j]],
                                  rows_v.at[pl.ds(j * CHP, CHP)], sem).start()
            return c
        lax.fori_loop(0, NCHUNK, fire, 0)

        def drain(j, c):
            pltpu.make_async_copy(tsh.at[idx_v.at[j]],
                                  rows_v.at[pl.ds(j * CHP, CHP)], sem).wait()
            return c
        lax.fori_loop(0, NCHUNK, drain, 0)
        pltpu.sync_copy(rows_v, out.at[pl.ds(wid * WPE, WPE)])
    return k


def _sc_gather(table, idxp):
    return _sc_gather_k()(table, idxp)


@functools.cache
def _sc_gather_count_k():
    @functools.partial(
        pl.kernel,
        out_type=(jax.ShapeDtypeStruct((EP, F), jnp.float32),
                  jax.ShapeDtypeStruct((NC, N, F), jnp.float32)),
        mesh=_sc_mesh(),
        compiler_params=pltpu.CompilerParams(use_tc_tiling_on_sc=False),
        scratch_types=[
            pltpu.VMEM((NCHUNK, CHP), jnp.int32),
            pltpu.VMEM((NCHUNK, CHP), jnp.int32),
            pltpu.VMEM((WPE, F), jnp.float32),
            pltpu.VMEM((CHP, F), jnp.float32),
            pltpu.VMEM((NPS, F), jnp.float32),
            pltpu.VMEM_SHARED((N, F), jnp.float32),
            pltpu.VMEM_SHARED((NP, F), jnp.float32),
            pltpu.SemaphoreType.DMA,
            pltpu.SemaphoreType.DMA,
        ],
    )
    def k(table, sidx, didx, out, cnt, sidx_v, didx_v, rows_v, ones_v, zbuf,
          tsh, acc, gsem, csem):
        cid = lax.axis_index("c")
        sid = lax.axis_index("s")
        wid = sid * NC + cid
        pltpu.sync_copy(sidx.at[pl.ds(wid * NCHUNK, NCHUNK)], sidx_v)
        pltpu.sync_copy(didx.at[pl.ds(wid * NCHUNK, NCHUNK)], didx_v)

        def orow(i, c):
            ones_v[i, :] = jnp.ones((L,), jnp.float32)
            return c
        lax.fori_loop(0, CHP, orow, 0)

        @pl.when(sid == 0)
        def _():
            pltpu.sync_copy(table, tsh)
        _zero_acc(zbuf, acc, sid)

        def gfire(j, c):
            pltpu.make_async_copy(tsh.at[sidx_v.at[j]],
                                  rows_v.at[pl.ds(j * CHP, CHP)], gsem).start()
            return c
        lax.fori_loop(0, NCHUNK, gfire, 0)

        def cfire(j, c):
            pltpu.async_copy(ones_v, acc.at[didx_v.at[j]], csem, add=True)
            return c
        lax.fori_loop(0, NCHUNK, cfire, 0)

        def gdrain(j, c):
            pltpu.make_async_copy(tsh.at[sidx_v.at[j]],
                                  rows_v.at[pl.ds(j * CHP, CHP)], gsem).wait()
            return c
        lax.fori_loop(0, NCHUNK, gdrain, 0)
        pltpu.sync_copy(rows_v, out.at[pl.ds(wid * WPE, WPE)])

        def cdrain(j, c):
            pltpu.make_async_copy(ones_v, acc.at[didx_v.at[j]], csem).wait()
            return c
        lax.fori_loop(0, NCHUNK, cdrain, 0)
        _writeout_acc(acc, cnt, cid, sid)
    return k


def _sc_gather_count(table, sidxp, didxp):
    return _sc_gather_count_k()(table, sidxp, didxp)


@functools.cache
def _sc_scatter_k():
    @functools.partial(
        pl.kernel,
        out_type=jax.ShapeDtypeStruct((NC, N, F), jnp.float32),
        mesh=_sc_mesh(),
        compiler_params=pltpu.CompilerParams(use_tc_tiling_on_sc=False),
        scratch_types=[
            pltpu.VMEM((NCHUNK, CHP), jnp.int32),
            pltpu.VMEM((WPE, F), jnp.float32),
            pltpu.VMEM((NPS, F), jnp.float32),
            pltpu.VMEM_SHARED((NP, F), jnp.float32),
            pltpu.SemaphoreType.DMA,
        ],
    )
    def k(msg, idx, out, idx_v, rows_v, zbuf, acc, sem):
        cid = lax.axis_index("c")
        sid = lax.axis_index("s")
        wid = sid * NC + cid
        pltpu.sync_copy(idx.at[pl.ds(wid * NCHUNK, NCHUNK)], idx_v)
        cp = pltpu.make_async_copy(msg.at[pl.ds(wid * WPE, WPE)], rows_v, sem)
        cp.start()
        _zero_acc(zbuf, acc, sid)
        cp.wait()

        def fire(j, c):
            pltpu.async_copy(rows_v.at[pl.ds(j * CHP, CHP)],
                             acc.at[idx_v.at[j]], sem, add=True)
            return c
        lax.fori_loop(0, NCHUNK, fire, 0)

        def drain(j, c):
            pltpu.make_async_copy(rows_v.at[pl.ds(j * CHP, CHP)],
                                  acc.at[idx_v.at[j]], sem).wait()
            return c
        lax.fori_loop(0, NCHUNK, drain, 0)
        _writeout_acc(acc, out, cid, sid)
    return k


def _sc_scatter(msg, idxp):
    return _sc_scatter_k()(msg, idxp)


@functools.cache
def _sc_count_k():
    @functools.partial(
        pl.kernel,
        out_type=jax.ShapeDtypeStruct((NC, N, F), jnp.float32),
        mesh=_sc_mesh(),
        compiler_params=pltpu.CompilerParams(use_tc_tiling_on_sc=False),
        scratch_types=[
            pltpu.VMEM((NCHUNK, CHP), jnp.int32),
            pltpu.VMEM((CHP, F), jnp.float32),
            pltpu.VMEM((NPS, F), jnp.float32),
            pltpu.VMEM_SHARED((NP, F), jnp.float32),
            pltpu.SemaphoreType.DMA,
        ],
    )
    def k(idx, out, idx_v, ones_v, zbuf, acc, sem):
        cid = lax.axis_index("c")
        sid = lax.axis_index("s")
        wid = sid * NC + cid
        pltpu.sync_copy(idx.at[pl.ds(wid * NCHUNK, NCHUNK)], idx_v)

        def orow(i, c):
            ones_v[i, :] = jnp.ones((L,), jnp.float32)
            return c
        lax.fori_loop(0, CHP, orow, 0)
        _zero_acc(zbuf, acc, sid)

        def body(j, c):
            pltpu.sync_copy(ones_v, acc.at[idx_v.at[j]], add=True)
            return c
        lax.fori_loop(0, NCHUNK, body, 0)
        _writeout_acc(acc, out, cid, sid)
    return k


def _sc_count(idxp):
    return _sc_count_k()(idxp)



def _leaky(x):
    return jnp.where(x > 0, x, 0.01 * x)


def _edge_math(ea, xg, w1, b1, w2, b2):
    h = jnp.dot(ea, w1, preferred_element_type=jnp.float32) + b1
    h = _leaky(h)
    h = jnp.dot(h, w2, preferred_element_type=jnp.float32) + b2
    acc = h[:, 0:F] * xg[:, 0:1]
    for i in range(1, F):
        acc = acc + h[:, i * F:(i + 1) * F] * xg[:, i:i + 1]
    return acc


GRP = BE // 8


def _edge_math_t(eaTp, xg128, w1T, b1T, w2T, b2T):
    h = jnp.dot(w1T, eaTp, preferred_element_type=jnp.float32) + b1T
    h = _leaky(h)
    h = jnp.dot(w2T, h.astype(jnp.bfloat16),
                preferred_element_type=jnp.float32) + b2T
    blkT = jnp.transpose(xg128)
    pieces = []
    for p in range(8):
        acc = None
        for i in range(F):
            t = (h[i * F:(i + 1) * F, p * GRP:(p + 1) * GRP]
                 * blkT[16 * p + i:16 * p + i + 1, :])
            acc = t if acc is None else acc + t
        pieces.append(acc)
    out_pre = jnp.concatenate(pieces, axis=0)
    return jnp.transpose(out_pre)


def _bn_rows(u, g, b):
    m = jnp.mean(u, axis=0, keepdims=True)
    v = jnp.mean((u - m) ** 2, axis=0, keepdims=True)
    return (u - m) / jnp.sqrt(v + 1e-5) * g + b


def _node_math(x, sums, cnt16, root, bias, g, b):
    s = sums[0] + sums[1]
    c = cnt16[0] + cnt16[1]
    agg = s / jnp.maximum(c, 1.0)
    out = jnp.dot(x, root, preferred_element_type=jnp.float32) + agg + bias
    return _bn_rows(out, g, b)


def _final_math(h1, sums, cnt16, root, bias, g, b, mask, batch, te,
                w1a, w1b, b1, mg, mb, w2, b2):
    h = _node_math(h1, sums, cnt16, root, bias, g, b)
    gi = lax.broadcasted_iota(jnp.int32, (G, N), 0)
    bm = jnp.broadcast_to(batch, (G, N))
    mm = jnp.broadcast_to(mask, (G, N))
    p = jnp.where(gi == bm, mm, 0.0)
    pooled_s = jnp.dot(p, h, preferred_element_type=jnp.float32)
    cg = jnp.sum(p, axis=1, keepdims=True)
    pooled = pooled_s / jnp.maximum(cg, 1.0)
    u = (jnp.dot(pooled, w1a, preferred_element_type=jnp.float32)
         + jnp.dot(te, w1b, preferred_element_type=jnp.float32) + b1)
    u = _leaky(_bn_rows(u, mg, mb))
    return jnp.dot(u, w2, preferred_element_type=jnp.float32) + b2



def _edge_body(eaT_ref, xg_ref, w1T_ref, b1T_ref, w2T_ref, b2T_ref, out_ref):
    out_ref[...] = _edge_math_t(eaT_ref[...], xg_ref[...], w1T_ref[...],
                                b1T_ref[...], w2T_ref[...], b2T_ref[...])


def _edge_mlp(eaTp, xg128, w1, b1, w2, b2):
    return pl.pallas_call(
        _edge_body,
        grid=(EP // BE,),
        in_specs=[
            pl.BlockSpec((ED, BE), lambda i: (0, i)),
            pl.BlockSpec((BE // 8, 128), lambda i: (i, 0)),
            pl.BlockSpec((EW, ED), lambda i: (0, 0)),
            pl.BlockSpec((EW, 1), lambda i: (0, 0)),
            pl.BlockSpec((EW, EW), lambda i: (0, 0)),
            pl.BlockSpec((EW, 1), lambda i: (0, 0)),
        ],
        out_specs=pl.BlockSpec((BE // 8, 128), lambda i: (i, 0)),
        out_shape=jax.ShapeDtypeStruct((EP // 8, 128), jnp.float32),
    )(eaTp, xg128, w1.T, b1.reshape(EW, 1),
      w2.T.astype(jnp.bfloat16), b2.reshape(EW, 1))


def _node_body(x_ref, s_ref, c_ref, root_ref, bias_ref, g_ref, b_ref, o_ref):
    o_ref[...] = _leaky(_node_math(
        x_ref[...], s_ref[...], c_ref[...], root_ref[...], bias_ref[...],
        g_ref[...], b_ref[...]))


def _node_update(x, sums, cnt16, root, bias, g, b):
    return pl.pallas_call(
        _node_body,
        out_shape=jax.ShapeDtypeStruct((N, F), jnp.float32),
    )(x, sums, cnt16, root, bias.reshape(1, F), g.reshape(1, F),
      b.reshape(1, F))


def _final_body(h1_ref, s_ref, c_ref, root_ref, bias_ref, g_ref, b_ref,
                mask_ref, batch_ref, te_ref, w1a_ref, w1b_ref, b1_ref,
                mg_ref, mb_ref, w2_ref, b2_ref, o_ref):
    o_ref[...] = _final_math(
        h1_ref[...], s_ref[...], c_ref[...], root_ref[...], bias_ref[...],
        g_ref[...], b_ref[...], mask_ref[...], batch_ref[...], te_ref[...],
        w1a_ref[...], w1b_ref[...], b1_ref[...], mg_ref[...], mb_ref[...],
        w2_ref[...], b2_ref[...])


def _final(h1, sums, cnt16, root, bias, g, b, mask, batch, te,
           w1a, w1b, b1, mg, mb, w2, b2):
    return pl.pallas_call(
        _final_body,
        out_shape=jax.ShapeDtypeStruct((G, 1), jnp.float32),
    )(h1, sums, cnt16, root, bias.reshape(1, F), g.reshape(1, F),
      b.reshape(1, F), mask, batch, te, w1a, w1b, b1.reshape(1, -1),
      mg.reshape(1, -1), mb.reshape(1, -1), w2, b2.reshape(1, 1))



def kernel(x, edge_index, edge_attr, trip_mask, batch, time_emb, num_graphs,
           root1, bias1, e1_w1, e1_b1, e1_w2, e1_b2, bn1_g, bn1_b,
           root2, bias2, e2_w1, e2_b1, e2_w2, e2_b2, bn2_g, bn2_b,
           m_w1, m_b1, m_bn_g, m_bn_b, m_w2, m_b2):
    srcp = jnp.take(edge_index[0], _ROWMAP, mode='fill',
                    fill_value=0).reshape(NW * NCHUNK, CHP)
    dstp = jnp.take(edge_index[1], _ROWMAP, mode='fill',
                    fill_value=N).reshape(NW * NCHUNK, CHP)
    eaT = jnp.take(edge_attr, _NATMAP, axis=0, mode='fill',
                   fill_value=0.0).T

    xg1, cnt16 = _sc_gather_count(x, srcp, dstp)
    msg1 = _edge_mlp(eaT, xg1.reshape(EP // 8, 128),
                     e1_w1, e1_b1, e1_w2, e1_b2).reshape(EP, F)
    sums1 = _sc_scatter(msg1, dstp)
    h1 = _node_update(x, sums1, cnt16, root1, bias1, bn1_g, bn1_b)
    xg2 = _sc_gather(h1, srcp)
    msg2 = _edge_mlp(eaT, xg2.reshape(EP // 8, 128),
                     e2_w1, e2_b1, e2_w2, e2_b2).reshape(EP, F)
    sums2 = _sc_scatter(msg2, dstp)
    return _final(h1, sums2, cnt16, root2, bias2, bn2_g, bn2_b,
                  trip_mask.astype(jnp.float32).reshape(1, N),
                  batch.reshape(1, N), time_emb,
                  m_w1[:F], m_w1[F:], m_b1, m_bn_g, m_bn_b,
                  m_w2, m_b2)

# --- scband reference (transcript-rebuilt; emitter-appended) ---
"""Pipeline reference for scband-end-of-trip-delay-8899172237732 (READ-ONLY COPY).

The authoritative reference and input builder live on the scoring server;
editing this copy changes nothing except your own understanding.
"""

import jax, jax.numpy as jnp
import numpy as np

N = 10000
E = 160000
IN_DIM = 16
HID = 16
EMB = 16
ED = 4
G = 64

def _leaky(x):
    return jnp.where(x > 0, x, 0.01 * x)

def _bn(x, g, b):
    m = jnp.mean(x, axis=0)
    v = jnp.var(x, axis=0)
    return (x - m) / jnp.sqrt(v + 1e-5) * g + b

def _nnconv(x, edge_index, edge_attr, root, bias, w1, b1, w2, b2, in_c, out_c):
    h = _leaky(edge_attr @ w1 + b1)
    h = h @ w2 + b2
    W = h.reshape(-1, in_c, out_c)
    src = edge_index[0]
    dst = edge_index[1]
    msg = jnp.einsum('ei,eio->eo', x[src], W)
    n = x.shape[0]
    sums = jax.ops.segment_sum(msg, dst, num_segments=n)
    cnt = jax.ops.segment_sum(jnp.ones((msg.shape[0],), msg.dtype), dst, num_segments=n)
    agg = sums / jnp.maximum(cnt, 1.0)[:, None]
    return x @ root + agg + bias

def setup_inputs(seed: int = 0):
    key = jax.random.key(seed)
    ks = jax.random.split(key, 32)
    s = 0.1
    inp = {}
    inp['x'] = jax.random.normal(ks[0], (N, IN_DIM), jnp.float32)
    inp['edge_index'] = jax.random.randint(ks[1], (2, E), 0, N, dtype=jnp.int32)
    inp['edge_attr'] = jax.random.normal(ks[2], (E, ED), jnp.float32)
    inp['trip_mask'] = jax.random.randint(ks[3], (N,), 0, 2, dtype=jnp.int32).astype(bool)
    inp['batch'] = jnp.sort(jax.random.randint(ks[4], (N,), 0, G, dtype=jnp.int32))
    inp['time_emb'] = jax.random.normal(ks[5], (G, 4), jnp.float32)
    inp['num_graphs'] = G
    inp['root1'] = jax.random.normal(ks[6], (IN_DIM, HID), jnp.float32) * s
    inp['bias1'] = jnp.zeros((HID,), jnp.float32)
    inp['e1_w1'] = jax.random.normal(ks[7], (ED, IN_DIM * HID), jnp.float32) * s
    inp['e1_b1'] = jnp.zeros((IN_DIM * HID,), jnp.float32)
    inp['e1_w2'] = jax.random.normal(ks[8], (IN_DIM * HID, IN_DIM * HID), jnp.float32) * 0.001
    inp['e1_b2'] = jnp.zeros((IN_DIM * HID,), jnp.float32)
    inp['bn1_g'] = jnp.ones((HID,), jnp.float32)
    inp['bn1_b'] = jnp.zeros((HID,), jnp.float32)
    inp['root2'] = jax.random.normal(ks[9], (HID, EMB), jnp.float32) * s
    inp['bias2'] = jnp.zeros((EMB,), jnp.float32)
    inp['e2_w1'] = jax.random.normal(ks[10], (ED, HID * EMB), jnp.float32) * s
    inp['e2_b1'] = jnp.zeros((HID * EMB,), jnp.float32)
    inp['e2_w2'] = jax.random.normal(ks[11], (HID * EMB, HID * EMB), jnp.float32) * 0.001
    inp['e2_b2'] = jnp.zeros((HID * EMB,), jnp.float32)
    inp['bn2_g'] = jnp.ones((EMB,), jnp.float32)
    inp['bn2_b'] = jnp.zeros((EMB,), jnp.float32)
    inp['m_w1'] = jax.random.normal(ks[12], (EMB + 4, 32), jnp.float32) * s
    inp['m_b1'] = jnp.zeros((32,), jnp.float32)
    inp['m_bn_g'] = jnp.ones((32,), jnp.float32)
    inp['m_bn_b'] = jnp.zeros((32,), jnp.float32)
    inp['m_w2'] = jax.random.normal(ks[13], (32, 1), jnp.float32) * s
    inp['m_b2'] = jnp.zeros((1,), jnp.float32)
    return inp

def reference(x, edge_index, edge_attr, trip_mask, batch, time_emb, num_graphs, root1, bias1, e1_w1, e1_b1, e1_w2, e1_b2, bn1_g, bn1_b, root2, bias2, e2_w1, e2_b1, e2_w2, e2_b2, bn2_g, bn2_b, m_w1, m_b1, m_bn_g, m_bn_b, m_w2, m_b2):
    h = _nnconv(x, edge_index, edge_attr, root1, bias1, e1_w1, e1_b1, e1_w2, e1_b2, IN_DIM, HID)
    h = _leaky(_bn(h, bn1_g, bn1_b))
    h = _nnconv(h, edge_index, edge_attr, root2, bias2, e2_w1, e2_b1, e2_w2, e2_b2, HID, EMB)
    h = _bn(h, bn2_g, bn2_b)
    m = trip_mask.astype(h.dtype)
    ng = time_emb.shape[0]
    sums = jax.ops.segment_sum(h * m[:, None], batch, num_segments=ng)
    cnt = jax.ops.segment_sum(m, batch, num_segments=ng) + 0 * num_graphs
    pooled = sums / jnp.maximum(cnt, 1.0)[:, None]
    z = jnp.concatenate([pooled, time_emb], axis=-1)
    z = _leaky(_bn(z @ m_w1 + m_b1, m_bn_g, m_bn_b))
    return z @ m_w2 + m_b2

if __name__ == "__main__":
    import jax
    _d = setup_inputs()
    print(jax.jit(kernel)(*tuple(_d.values())))

</pallas_src>

<mosaic_0001>
#map = affine_map<(d0, d1) -> (0, 0)>
#map1 = affine_map<(d0, d1) -> (0, 0, 0)>
module attributes {stable_mosaic.version = 14 : i64} {
  func.func @k(%arg0: i32, %arg1: i32, %arg2: memref<10000x16xf32, #tpu.memory_space<hbm>>, %arg3: memref<1280x128xi32, #tpu.memory_space<hbm>>, %arg4: memref<1280x128xi32, #tpu.memory_space<hbm>>, %arg5: memref<163840x16xf32, #tpu.memory_space<hbm>>, %arg6: memref<2x10000x16xf32, #tpu.memory_space<hbm>>, %arg7: memref<40x128xi32, #tpu.memory_space<vmem>>, %arg8: memref<40x128xi32, #tpu.memory_space<vmem>>, %arg9: memref<5120x16xf32, #tpu.memory_space<vmem>>, %arg10: memref<128x16xf32, #tpu.memory_space<vmem>>, %arg11: memref<626x16xf32, #tpu.memory_space<vmem>>, %arg12: memref<10000x16xf32, #tpu.memory_space<vmem_shared>>, %arg13: memref<10016x16xf32, #tpu.memory_space<vmem_shared>>, %arg14: memref<!tpu.dma_semaphore, #tpu.memory_space<semaphore_mem>>, %arg15: memref<!tpu.dma_semaphore, #tpu.memory_space<semaphore_mem>>) attributes {dimension_semantics = [#tpu.dimension_semantics<core_parallel>, #tpu.dimension_semantics<subcore_parallel>], iteration_bounds = array<i64: 2, 16>, scalar_prefetch = 0 : i64, scratch_operands = 9 : i64, tpu.core_type = #tpu.core_type<sc_vector_subcore>, window_params = [{transform_indices = #map}, {transform_indices = #map}, {transform_indices = #map}, {transform_indices = #map}, {transform_indices = #map1}]} {
    %mul3A = arith.constant 2 : i32
    %mul3A_0 = arith.muli %arg1, %mul3A : i32
    %add3A = arith.addi %mul3A_0, %arg0 : i32
    %mul3A_1 = arith.constant 40 : i32
    %mul3A_2 = arith.muli %add3A, %mul3A_1 : i32
    "tpu.region"() ({
      %run_scoped3A = tpu.sem_alloc : memref<!tpu.dma_semaphore, #tpu.memory_space<semaphore_mem>>
      %dma_start3A = arith.constant 0 : i32
      %dma_start3A_52 = tpu.memref_slice %arg3[%mul3A_2, %dma_start3A] : memref<1280x128xi32, #tpu.memory_space<hbm>> -> memref<40x128xi32, #tpu.memory_space<hbm>>
      %dma_start3A_53 = arith.constant 0 : i32
      %dma_start3A_54 = tpu.memref_slice %arg3[%mul3A_2, %dma_start3A_53] : memref<1280x128xi32, #tpu.memory_space<hbm>> -> memref<40x128xi32, #tpu.memory_space<hbm>>
      tpu.enqueue_dma source(%dma_start3A_54 : memref<40x128xi32, #tpu.memory_space<hbm>>) target(%arg7 : memref<40x128xi32, #tpu.memory_space<vmem>>) target_semaphore(%run_scoped3A : memref<!tpu.dma_semaphore, #tpu.memory_space<semaphore_mem>>)
      %dma_wait3A = arith.constant 0 : i32
      %dma_wait3A_55 = tpu.memref_slice %arg3[%mul3A_2, %dma_wait3A] : memref<1280x128xi32, #tpu.memory_space<hbm>> -> memref<40x128xi32, #tpu.memory_space<hbm>>
      %dma_wait3A_56 = arith.constant 0 : i32
      %dma_wait3A_57 = tpu.memref_slice %arg3[%mul3A_2, %dma_wait3A_56] : memref<1280x128xi32, #tpu.memory_space<hbm>> -> memref<40x128xi32, #tpu.memory_space<hbm>>
      tpu.wait_dma2 semaphore(%run_scoped3A : memref<!tpu.dma_semaphore, #tpu.memory_space<semaphore_mem>>) src(%dma_wait3A_57 : memref<40x128xi32, #tpu.memory_space<hbm>>) dst(%arg7 : memref<40x128xi32, #tpu.memory_space<vmem>>)
      tpu.yield
    }) : () -> ()
    %mul3A_3 = arith.constant 40 : i32
    %mul3A_4 = arith.muli %add3A, %mul3A_3 : i32
    "tpu.region"() ({
      %run_scoped3A = tpu.sem_alloc : memref<!tpu.dma_semaphore, #tpu.memory_space<semaphore_mem>>
      %dma_start3A = arith.constant 0 : i32
      %dma_start3A_52 = tpu.memref_slice %arg4[%mul3A_4, %dma_start3A] : memref<1280x128xi32, #tpu.memory_space<hbm>> -> memref<40x128xi32, #tpu.memory_space<hbm>>
      %dma_start3A_53 = arith.constant 0 : i32
      %dma_start3A_54 = tpu.memref_slice %arg4[%mul3A_4, %dma_start3A_53] : memref<1280x128xi32, #tpu.memory_space<hbm>> -> memref<40x128xi32, #tpu.memory_space<hbm>>
      tpu.enqueue_dma source(%dma_start3A_54 : memref<40x128xi32, #tpu.memory_space<hbm>>) target(%arg8 : memref<40x128xi32, #tpu.memory_space<vmem>>) target_semaphore(%run_scoped3A : memref<!tpu.dma_semaphore, #tpu.memory_space<semaphore_mem>>)
      %dma_wait3A = arith.constant 0 : i32
      %dma_wait3A_55 = tpu.memref_slice %arg4[%mul3A_4, %dma_wait3A] : memref<1280x128xi32, #tpu.memory_space<hbm>> -> memref<40x128xi32, #tpu.memory_space<hbm>>
      %dma_wait3A_56 = arith.constant 0 : i32
      %dma_wait3A_57 = tpu.memref_slice %arg4[%mul3A_4, %dma_wait3A_56] : memref<1280x128xi32, #tpu.memory_space<hbm>> -> memref<40x128xi32, #tpu.memory_space<hbm>>
      tpu.wait_dma2 semaphore(%run_scoped3A : memref<!tpu.dma_semaphore, #tpu.memory_space<semaphore_mem>>) src(%dma_wait3A_57 : memref<40x128xi32, #tpu.memory_space<hbm>>) dst(%arg8 : memref<40x128xi32, #tpu.memory_space<vmem>>)
      tpu.yield
    }) : () -> ()
    %scan3A = arith.constant 0 : i32
    %scan3A_5 = arith.constant 0 : i32
    %scan3A_6 = arith.constant 128 : i32
    %scan3A_7 = arith.addi %scan3A_5, %scan3A_6 : i32
    %scan3A_8 = arith.constant 1 : i32
    scf.for %scan3A_52 = %scan3A_5 to %scan3A_7 step %scan3A_8  : i32 {
      %broadcast_in_dim3A = arith.constant 1.000000e+00 : f32
      %broadcast_in_dim3A_53 = vector.broadcast %broadcast_in_dim3A : f32 to vector<16xf32>
      %swap3A = arith.index_cast %scan3A_52 : i32 to index
      %swap3A_54 = arith.constant 0 : index
      %swap3A_55 = tpu.vector_load %arg10[%swap3A, %swap3A_54] {strides = array<i32>} : memref<128x16xf32, #tpu.memory_space<vmem>>, vector<1x16xf32>,
      %swap3A_56 = vector.shape_cast %swap3A_55 : vector<1x16xf32> to vector<16xf32>
      %swap3A_57 = vector.shape_cast %broadcast_in_dim3A_53 : vector<16xf32> to vector<1x16xf32>
      tpu.vector_store %arg10[%swap3A, %swap3A_54], %swap3A_57 {strides = array<i32>} : memref<128x16xf32, #tpu.memory_space<vmem>>, vector<1x16xf32>,
    }
    %scan3A_9 = arith.constant 128 : i32
    %eq3A = arith.constant 0 : i32
    %eq3A_10 = arith.cmpi eq, %arg1, %eq3A : i32
    %convert_element_type3A = arith.extui %eq3A_10 : i1 to i32
    %cond3A = arith.constant 0 : i32
    %cond3A_11 = arith.cmpi ne, %convert_element_type3A, %cond3A : i32
    scf.if %cond3A_11 {
      "tpu.region"() ({
        %run_scoped3A = tpu.sem_alloc : memref<!tpu.dma_semaphore, #tpu.memory_space<semaphore_mem>>
        tpu.enqueue_dma source(%arg2 : memref<10000x16xf32, #tpu.memory_space<hbm>>) target(%arg12 : memref<10000x16xf32, #tpu.memory_space<vmem_shared>>) target_semaphore(%run_scoped3A : memref<!tpu.dma_semaphore, #tpu.memory_space<semaphore_mem>>)
        tpu.wait_dma2 semaphore(%run_scoped3A : memref<!tpu.dma_semaphore, #tpu.memory_space<semaphore_mem>>) src(%arg2 : memref<10000x16xf32, #tpu.memory_space<hbm>>) dst(%arg12 : memref<10000x16xf32, #tpu.memory_space<vmem_shared>>)
        tpu.yield
      }) : () -> ()
    } else {
    }
    %scan3A_12 = arith.constant 0 : i32
    %scan3A_13 = arith.constant 0 : i32
    %scan3A_14 = arith.constant 626 : i32
    %scan3A_15 = arith.addi %scan3A_13, %scan3A_14 : i32
    %scan3A_16 = arith.constant 1 : i32
    scf.for %scan3A_52 = %scan3A_13 to %scan3A_15 step %scan3A_16  : i32 {
      %broadcast_in_dim3A = arith.constant 0.000000e+00 : f32
      %broadcast_in_dim3A_53 = vector.broadcast %broadcast_in_dim3A : f32 to vector<16xf32>
      %swap3A = arith.index_cast %scan3A_52 : i32 to index
      %swap3A_54 = arith.constant 0 : index
      %swap3A_55 = tpu.vector_load %arg11[%swap3A, %swap3A_54] {strides = array<i32>} : memref<626x16xf32, #tpu.memory_space<vmem>>, vector<1x16xf32>,
      %swap3A_56 = vector.shape_cast %swap3A_55 : vector<1x16xf32> to vector<16xf32>
      %swap3A_57 = vector.shape_cast %broadcast_in_dim3A_53 : vector<16xf32> to vector<1x16xf32>
      tpu.vector_store %arg11[%swap3A, %swap3A_54], %swap3A_57 {strides = array<i32>} : memref<626x16xf32, #tpu.memory_space<vmem>>, vector<1x16xf32>,
    }
    %scan3A_17 = arith.constant 626 : i32
    %mul3A_18 = arith.constant 626 : i32
    %mul3A_19 = arith.muli %arg1, %mul3A_18 : i32
    "tpu.region"() ({
      %run_scoped3A = tpu.sem_alloc : memref<!tpu.dma_semaphore, #tpu.memory_space<semaphore_mem>>
      %dma_start3A = arith.constant 0 : i32
      %dma_start3A_52 = tpu.memref_slice %arg13[%mul3A_19, %dma_start3A] : memref<10016x16xf32, #tpu.memory_space<vmem_shared>> -> memref<626x16xf32, #tpu.memory_space<vmem_shared>>
      %dma_start3A_53 = arith.constant 0 : i32
      %dma_start3A_54 = tpu.memref_slice %arg13[%mul3A_19, %dma_start3A_53] : memref<10016x16xf32, #tpu.memory_space<vmem_shared>> -> memref<626x16xf32, #tpu.memory_space<vmem_shared>>
      tpu.enqueue_dma source(%arg11 : memref<626x16xf32, #tpu.memory_space<vmem>>) target(%dma_start3A_54 : memref<626x16xf32, #tpu.memory_space<vmem_shared>>) target_semaphore(%run_scoped3A : memref<!tpu.dma_semaphore, #tpu.memory_space<semaphore_mem>>)
      %dma_wait3A = arith.constant 0 : i32
      %dma_wait3A_55 = tpu.memref_slice %arg13[%mul3A_19, %dma_wait3A] : memref<10016x16xf32, #tpu.memory_space<vmem_shared>> -> memref<626x16xf32, #tpu.memory_space<vmem_shared>>
      %dma_wait3A_56 = arith.constant 0 : i32
      %dma_wait3A_57 = tpu.memref_slice %arg13[%mul3A_19, %dma_wait3A_56] : memref<10016x16xf32, #tpu.memory_space<vmem_shared>> -> memref<626x16xf32, #tpu.memory_space<vmem_shared>>
      tpu.wait_dma2 semaphore(%run_scoped3A : memref<!tpu.dma_semaphore, #tpu.memory_space<semaphore_mem>>) src(%arg11 : memref<626x16xf32, #tpu.memory_space<vmem>>) dst(%dma_wait3A_57 : memref<626x16xf32, #tpu.memory_space<vmem_shared>>)
      tpu.yield
    }) : () -> ()
    %barrier3A = arith.constant 0 : index
    tpu.barrier barrier_id(%barrier3A)
    %scan3A_20 = arith.constant 0 : i32
    %scan3A_21 = arith.constant 0 : i32
    %scan3A_22 = arith.constant 40 : i32
    %scan3A_23 = arith.addi %scan3A_21, %scan3A_22 : i32
    %scan3A_24 = arith.constant 1 : i32
    scf.for %scan3A_52 = %scan3A_21 to %scan3A_23 step %scan3A_24  : i32 {
      %mul3A_53 = arith.constant 128 : i32
      %mul3A_54 = arith.muli %scan3A_52, %mul3A_53 : i32
      %dma_start3A = arith.constant 0 : i32
      %dma_start3A_55 = tpu.memref_slice %arg9[%mul3A_54, %dma_start3A] : memref<5120x16xf32, #tpu.memory_space<vmem>> -> memref<128x16xf32, #tpu.memory_space<vmem>>
      %dma_start3A_56 = arith.constant 0 : i32
      %dma_start3A_57 = tpu.memref_slice %arg7[%scan3A_52, %dma_start3A_56] : memref<40x128xi32, #tpu.memory_space<vmem>> -> memref<1x128xi32, #tpu.memory_space<vmem>>
      %dma_start3A_58 = tpu.memref_squeeze %dma_start3A_57 : memref<1x128xi32, #tpu.memory_space<vmem>> -> memref<128xi32, #tpu.memory_space<vmem>>
      %dma_start3A_59 = arith.constant 0 : i32
      %dma_start3A_60 = arith.constant 0 : i32
      %dma_start3A_61 = tpu.memref_slice %arg12[%dma_start3A_59, %dma_start3A_60] : memref<10000x16xf32, #tpu.memory_space<vmem_shared>> -> memref<10000x16xf32, #tpu.memory_space<vmem_shared>>
      tpu.enqueue_indirect_dma source(%dma_start3A_61 : memref<10000x16xf32, #tpu.memory_space<vmem_shared>>) target(%dma_start3A_55 : memref<128x16xf32, #tpu.memory_space<vmem>>) offsets(%dma_start3A_58 : memref<128xi32, #tpu.memory_space<vmem>>) semaphore(%arg14 : memref<!tpu.dma_semaphore, #tpu.memory_space<semaphore_mem>>)
    }
    %scan3A_25 = arith.constant 40 : i32
    %scan3A_26 = arith.constant 0 : i32
    %scan3A_27 = arith.constant 0 : i32
    %scan3A_28 = arith.constant 40 : i32
    %scan3A_29 = arith.addi %scan3A_27, %scan3A_28 : i32
    %scan3A_30 = arith.constant 1 : i32
    scf.for %scan3A_52 = %scan3A_27 to %scan3A_29 step %scan3A_30  : i32 {
      %dma_start3A = arith.constant 0 : i32
      %dma_start3A_53 = tpu.memref_slice %arg8[%scan3A_52, %dma_start3A] : memref<40x128xi32, #tpu.memory_space<vmem>> -> memref<1x128xi32, #tpu.memory_space<vmem>>
      %dma_start3A_54 = tpu.memref_squeeze %dma_start3A_53 : memref<1x128xi32, #tpu.memory_space<vmem>> -> memref<128xi32, #tpu.memory_space<vmem>>
      %dma_start3A_55 = arith.constant 0 : i32
      %dma_start3A_56 = arith.constant 0 : i32
      %dma_start3A_57 = tpu.memref_slice %arg13[%dma_start3A_55, %dma_start3A_56] : memref<10016x16xf32, #tpu.memory_space<vmem_shared>> -> memref<10016x16xf32, #tpu.memory_space<vmem_shared>>
      tpu.enqueue_indirect_dma source(%arg10 : memref<128x16xf32, #tpu.memory_space<vmem>>) target(%dma_start3A_57 : memref<10016x16xf32, #tpu.memory_space<vmem_shared>>) offsets(%dma_start3A_54 : memref<128xi32, #tpu.memory_space<vmem>>) semaphore(%arg15 : memref<!tpu.dma_semaphore, #tpu.memory_space<semaphore_mem>>) {add = true}
    }
    %scan3A_31 = arith.constant 40 : i32
    %scan3A_32 = arith.constant 0 : i32
    %scan3A_33 = arith.constant 0 : i32
    %scan3A_34 = arith.constant 40 : i32
    %scan3A_35 = arith.addi %scan3A_33, %scan3A_34 : i32
    %scan3A_36 = arith.constant 1 : i32
    scf.for %scan3A_52 = %scan3A_33 to %scan3A_35 step %scan3A_36  : i32 {
      %mul3A_53 = arith.constant 128 : i32
      %mul3A_54 = arith.muli %scan3A_52, %mul3A_53 : i32
      %dma_wait3A = arith.constant 0 : i32
      %dma_wait3A_55 = tpu.memref_slice %arg9[%mul3A_54, %dma_wait3A] : memref<5120x16xf32, #tpu.memory_space<vmem>> -> memref<128x16xf32, #tpu.memory_space<vmem>>
      %dma_wait3A_56 = arith.constant 0 : i32
      %dma_wait3A_57 = tpu.memref_slice %arg7[%scan3A_52, %dma_wait3A_56] : memref<40x128xi32, #tpu.memory_space<vmem>> -> memref<1x128xi32, #tpu.memory_space<vmem>>
      %dma_wait3A_58 = tpu.memref_squeeze %dma_wait3A_57 : memref<1x128xi32, #tpu.memory_space<vmem>> -> memref<128xi32, #tpu.memory_space<vmem>>
      %dma_wait3A_59 = arith.constant 0 : i32
      %dma_wait3A_60 = arith.constant 0 : i32
      %dma_wait3A_61 = tpu.memref_slice %arg12[%dma_wait3A_59, %dma_wait3A_60] : memref<10000x16xf32, #tpu.memory_space<vmem_shared>> -> memref<10000x16xf32, #tpu.memory_space<vmem_shared>>
      tpu.wait_indirect_dma semaphore(%arg14 : memref<!tpu.dma_semaphore, #tpu.memory_space<semaphore_mem>>) src(%dma_wait3A_61 : memref<10000x16xf32, #tpu.memory_space<vmem_shared>>) dst(%dma_wait3A_55 : memref<128x16xf32, #tpu.memory_space<vmem>>)
    }
    %scan3A_37 = arith.constant 40 : i32
    %mul3A_38 = arith.constant 5120 : i32
    %mul3A_39 = arith.muli %add3A, %mul3A_38 : i32
    "tpu.region"() ({
      %run_scoped3A = tpu.sem_alloc : memref<!tpu.dma_semaphore, #tpu.memory_space<semaphore_mem>>
      %dma_start3A = arith.constant 0 : i32
      %dma_start3A_52 = tpu.memref_slice %arg5[%mul3A_39, %dma_start3A] : memref<163840x16xf32, #tpu.memory_space<hbm>> -> memref<5120x16xf32, #tpu.memory_space<hbm>>
      %dma_start3A_53 = arith.constant 0 : i32
      %dma_start3A_54 = tpu.memref_slice %arg5[%mul3A_39, %dma_start3A_53] : memref<163840x16xf32, #tpu.memory_space<hbm>> -> memref<5120x16xf32, #tpu.memory_space<hbm>>
      tpu.enqueue_dma source(%arg9 : memref<5120x16xf32, #tpu.memory_space<vmem>>) target(%dma_start3A_54 : memref<5120x16xf32, #tpu.memory_space<hbm>>) target_semaphore(%run_scoped3A : memref<!tpu.dma_semaphore, #tpu.memory_space<semaphore_mem>>)
      %dma_wait3A = arith.constant 0 : i32
      %dma_wait3A_55 = tpu.memref_slice %arg5[%mul3A_39, %dma_wait3A] : memref<163840x16xf32, #tpu.memory_space<hbm>> -> memref<5120x16xf32, #tpu.memory_space<hbm>>
      %dma_wait3A_56 = arith.constant 0 : i32
      %dma_wait3A_57 = tpu.memref_slice %arg5[%mul3A_39, %dma_wait3A_56] : memref<163840x16xf32, #tpu.memory_space<hbm>> -> memref<5120x16xf32, #tpu.memory_space<hbm>>
      tpu.wait_dma2 semaphore(%run_scoped3A : memref<!tpu.dma_semaphore, #tpu.memory_space<semaphore_mem>>) src(%arg9 : memref<5120x16xf32, #tpu.memory_space<vmem>>) dst(%dma_wait3A_57 : memref<5120x16xf32, #tpu.memory_space<hbm>>)
      tpu.yield
    }) : () -> ()
    %scan3A_40 = arith.constant 0 : i32
    %scan3A_41 = arith.constant 0 : i32
    %scan3A_42 = arith.constant 40 : i32
    %scan3A_43 = arith.addi %scan3A_41, %scan3A_42 : i32
    %scan3A_44 = arith.constant 1 : i32
    scf.for %scan3A_52 = %scan3A_41 to %scan3A_43 step %scan3A_44  : i32 {
      %dma_wait3A = arith.constant 0 : i32
      %dma_wait3A_53 = tpu.memref_slice %arg8[%scan3A_52, %dma_wait3A] : memref<40x128xi32, #tpu.memory_space<vmem>> -> memref<1x128xi32, #tpu.memory_space<vmem>>
      %dma_wait3A_54 = tpu.memref_squeeze %dma_wait3A_53 : memref<1x128xi32, #tpu.memory_space<vmem>> -> memref<128xi32, #tpu.memory_space<vmem>>
      %dma_wait3A_55 = arith.constant 0 : i32
      %dma_wait3A_56 = arith.constant 0 : i32
      %dma_wait3A_57 = tpu.memref_slice %arg13[%dma_wait3A_55, %dma_wait3A_56] : memref<10016x16xf32, #tpu.memory_space<vmem_shared>> -> memref<10016x16xf32, #tpu.memory_space<vmem_shared>>
      tpu.wait_indirect_dma semaphore(%arg15 : memref<!tpu.dma_semaphore, #tpu.memory_space<semaphore_mem>>) src(%arg10 : memref<128x16xf32, #tpu.memory_space<vmem>>) dst(%dma_wait3A_57 : memref<10016x16xf32, #tpu.memory_space<vmem_shared>>)
    }
    %scan3A_45 = arith.constant 40 : i32
    %barrier3A_46 = arith.constant 0 : index
    tpu.barrier barrier_id(%barrier3A_46)
    %eq3A_47 = arith.constant 0 : i32
    %eq3A_48 = arith.cmpi eq, %arg1, %eq3A_47 : i32
    %convert_element_type3A_49 = arith.extui %eq3A_48 : i1 to i32
    %cond3A_50 = arith.constant 0 : i32
    %cond3A_51 = arith.cmpi ne, %convert_element_type3A_49, %cond3A_50 : i32
    scf.if %cond3A_51 {
      "tpu.region"() ({
        %run_scoped3A = tpu.sem_alloc : memref<!tpu.dma_semaphore, #tpu.memory_space<semaphore_mem>>
        %dma_start3A = arith.constant 0 : i32
        %dma_start3A_52 = arith.constant 0 : i32
        %dma_start3A_53 = tpu.memref_slice %arg6[%arg0, %dma_start3A, %dma_start3A_52] : memref<2x10000x16xf32, #tpu.memory_space<hbm>> -> memref<1x10000x16xf32, #tpu.memory_space<hbm>>
        %dma_start3A_54 = tpu.memref_squeeze %dma_start3A_53 : memref<1x10000x16xf32, #tpu.memory_space<hbm>> -> memref<10000x16xf32, #tpu.memory_space<hbm>>
        %dma_start3A_55 = arith.constant 0 : i32
        %dma_start3A_56 = arith.constant 0 : i32
        %dma_start3A_57 = tpu.memref_slice %arg13[%dma_start3A_55, %dma_start3A_56] : memref<10016x16xf32, #tpu.memory_space<vmem_shared>> -> memref<10000x16xf32, #tpu.memory_space<vmem_shared>>
        tpu.enqueue_dma source(%dma_start3A_57 : memref<10000x16xf32, #tpu.memory_space<vmem_shared>>) target(%dma_start3A_54 : memref<10000x16xf32, #tpu.memory_space<hbm>>) target_semaphore(%run_scoped3A : memref<!tpu.dma_semaphore, #tpu.memory_space<semaphore_mem>>)
        %dma_wait3A = arith.constant 0 : i32
        %dma_wait3A_58 = arith.constant 0 : i32
        %dma_wait3A_59 = tpu.memref_slice %arg6[%arg0, %dma_wait3A, %dma_wait3A_58] : memref<2x10000x16xf32, #tpu.memory_space<hbm>> -> memref<1x10000x16xf32, #tpu.memory_space<hbm>>
        %dma_wait3A_60 = tpu.memref_squeeze %dma_wait3A_59 : memref<1x10000x16xf32, #tpu.memory_space<hbm>> -> memref<10000x16xf32, #tpu.memory_space<hbm>>
        %dma_wait3A_61 = arith.constant 0 : i32
        %dma_wait3A_62 = arith.constant 0 : i32
        %dma_wait3A_63 = tpu.memref_slice %arg13[%dma_wait3A_61, %dma_wait3A_62] : memref<10016x16xf32, #tpu.memory_space<vmem_shared>> -> memref<10000x16xf32, #tpu.memory_space<vmem_shared>>
        tpu.wait_dma2 semaphore(%run_scoped3A : memref<!tpu.dma_semaphore, #tpu.memory_space<semaphore_mem>>) src(%dma_wait3A_63 : memref<10000x16xf32, #tpu.memory_space<vmem_shared>>) dst(%dma_wait3A_60 : memref<10000x16xf32, #tpu.memory_space<hbm>>)
        tpu.yield
      }) : () -> ()
    } else {
    }
    return
  }
}

#map = affine_map<(d0, d1) -> (0, 0)>
#map1 = affine_map<(d0, d1) -> (0, 0, 0)>
module attributes {stable_mosaic.version = 14 : i64} {
  func.func @k(%arg0: i32, %arg1: i32, %arg2: memref<163840x16xf32, #tpu.memory_space<hbm>>, %arg3: memref<1280x128xi32, #tpu.memory_space<hbm>>, %arg4: memref<2x10000x16xf32, #tpu.memory_space<hbm>>, %arg5: memref<40x128xi32, #tpu.memory_space<vmem>>, %arg6: memref<5120x16xf32, #tpu.memory_space<vmem>>, %arg7: memref<626x16xf32, #tpu.memory_space<vmem>>, %arg8: memref<10016x16xf32, #tpu.memory_space<vmem_shared>>, %arg9: memref<!tpu.dma_semaphore, #tpu.memory_space<semaphore_mem>>) attributes {dimension_semantics = [#tpu.dimension_semantics<core_parallel>, #tpu.dimension_semantics<subcore_parallel>], iteration_bounds = array<i64: 2, 16>, scalar_prefetch = 0 : i64, scratch_operands = 5 : i64, tpu.core_type = #tpu.core_type<sc_vector_subcore>, window_params = [{transform_indices = #map}, {transform_indices = #map}, {transform_indices = #map1}]} {
    %mul3A = arith.constant 2 : i32
    %mul3A_0 = arith.muli %arg1, %mul3A : i32
    %add3A = arith.addi %mul3A_0, %arg0 : i32
    %mul3A_1 = arith.constant 40 : i32
    %mul3A_2 = arith.muli %add3A, %mul3A_1 : i32
    "tpu.region"() ({
      %run_scoped3A = tpu.sem_alloc : memref<!tpu.dma_semaphore, #tpu.memory_space<semaphore_mem>>
      %dma_start3A_33 = arith.constant 0 : i32
      %dma_start3A_34 = tpu.memref_slice %arg3[%mul3A_2, %dma_start3A_33] : memref<1280x128xi32, #tpu.memory_space<hbm>> -> memref<40x128xi32, #tpu.memory_space<hbm>>
      %dma_start3A_35 = arith.constant 0 : i32
      %dma_start3A_36 = tpu.memref_slice %arg3[%mul3A_2, %dma_start3A_35] : memref<1280x128xi32, #tpu.memory_space<hbm>> -> memref<40x128xi32, #tpu.memory_space<hbm>>
      tpu.enqueue_dma source(%dma_start3A_36 : memref<40x128xi32, #tpu.memory_space<hbm>>) target(%arg5 : memref<40x128xi32, #tpu.memory_space<vmem>>) target_semaphore(%run_scoped3A : memref<!tpu.dma_semaphore, #tpu.memory_space<semaphore_mem>>)
      %dma_wait3A_37 = arith.constant 0 : i32
      %dma_wait3A_38 = tpu.memref_slice %arg3[%mul3A_2, %dma_wait3A_37] : memref<1280x128xi32, #tpu.memory_space<hbm>> -> memref<40x128xi32, #tpu.memory_space<hbm>>
      %dma_wait3A_39 = arith.constant 0 : i32
      %dma_wait3A_40 = tpu.memref_slice %arg3[%mul3A_2, %dma_wait3A_39] : memref<1280x128xi32, #tpu.memory_space<hbm>> -> memref<40x128xi32, #tpu.memory_space<hbm>>
      tpu.wait_dma2 semaphore(%run_scoped3A : memref<!tpu.dma_semaphore, #tpu.memory_space<semaphore_mem>>) src(%dma_wait3A_40 : memref<40x128xi32, #tpu.memory_space<hbm>>) dst(%arg5 : memref<40x128xi32, #tpu.memory_space<vmem>>)
      tpu.yield
    }) : () -> ()
    %mul3A_3 = arith.constant 5120 : i32
    %mul3A_4 = arith.muli %add3A, %mul3A_3 : i32
    %dma_start3A = arith.constant 0 : i32
    %dma_start3A_5 = tpu.memref_slice %arg2[%mul3A_4, %dma_start3A] : memref<163840x16xf32, #tpu.memory_space<hbm>> -> memref<5120x16xf32, #tpu.memory_space<hbm>>
    %dma_start3A_6 = arith.constant 0 : i32
    %dma_start3A_7 = tpu.memref_slice %arg2[%mul3A_4, %dma_start3A_6] : memref<163840x16xf32, #tpu.memory_space<hbm>> -> memref<5120x16xf32, #tpu.memory_space<hbm>>
    tpu.enqueue_dma source(%dma_start3A_7 : memref<5120x16xf32, #tpu.memory_space<hbm>>) target(%arg6 : memref<5120x16xf32, #tpu.memory_space<vmem>>) target_semaphore(%arg9 : memref<!tpu.dma_semaphore, #tpu.memory_space<semaphore_mem>>)
    %scan3A = arith.constant 0 : i32
    %scan3A_8 = arith.constant 0 : i32
    %scan3A_9 = arith.constant 626 : i32
    %scan3A_10 = arith.addi %scan3A_8, %scan3A_9 : i32
    %scan3A_11 = arith.constant 1 : i32
    scf.for %scan3A_33 = %scan3A_8 to %scan3A_10 step %scan3A_11  : i32 {
      %broadcast_in_dim3A = arith.constant 0.000000e+00 : f32
      %broadcast_in_dim3A_34 = vector.broadcast %broadcast_in_dim3A : f32 to vector<16xf32>
      %swap3A = arith.index_cast %scan3A_33 : i32 to index
      %swap3A_35 = arith.constant 0 : index
      %swap3A_36 = tpu.vector_load %arg7[%swap3A, %swap3A_35] {strides = array<i32>} : memref<626x16xf32, #tpu.memory_space<vmem>>, vector<1x16xf32>,
      %swap3A_37 = vector.shape_cast %swap3A_36 : vector<1x16xf32> to vector<16xf32>
      %swap3A_38 = vector.shape_cast %broadcast_in_dim3A_34 : vector<16xf32> to vector<1x16xf32>
      tpu.vector_store %arg7[%swap3A, %swap3A_35], %swap3A_38 {strides = array<i32>} : memref<626x16xf32, #tpu.memory_space<vmem>>, vector<1x16xf32>,
    }
    %scan3A_12 = arith.constant 626 : i32
    %mul3A_13 = arith.constant 626 : i32
    %mul3A_14 = arith.muli %arg1, %mul3A_13 : i32
    "tpu.region"() ({
      %run_scoped3A = tpu.sem_alloc : memref<!tpu.dma_semaphore, #tpu.memory_space<semaphore_mem>>
      %dma_start3A_33 = arith.constant 0 : i32
      %dma_start3A_34 = tpu.memref_slice %arg8[%mul3A_14, %dma_start3A_33] : memref<10016x16xf32, #tpu.memory_space<vmem_shared>> -> memref<626x16xf32, #tpu.memory_space<vmem_shared>>
      %dma_start3A_35 = arith.constant 0 : i32
      %dma_start3A_36 = tpu.memref_slice %arg8[%mul3A_14, %dma_start3A_35] : memref<10016x16xf32, #tpu.memory_space<vmem_shared>> -> memref<626x16xf32, #tpu.memory_space<vmem_shared>>
      tpu.enqueue_dma source(%arg7 : memref<626x16xf32, #tpu.memory_space<vmem>>) target(%dma_start3A_36 : memref<626x16xf32, #tpu.memory_space<vmem_shared>>) target_semaphore(%run_scoped3A : memref<!tpu.dma_semaphore, #tpu.memory_space<semaphore_mem>>)
      %dma_wait3A_37 = arith.constant 0 : i32
      %dma_wait3A_38 = tpu.memref_slice %arg8[%mul3A_14, %dma_wait3A_37] : memref<10016x16xf32, #tpu.memory_space<vmem_shared>> -> memref<626x16xf32, #tpu.memory_space<vmem_shared>>
      %dma_wait3A_39 = arith.constant 0 : i32
      %dma_wait3A_40 = tpu.memref_slice %arg8[%mul3A_14, %dma_wait3A_39] : memref<10016x16xf32, #tpu.memory_space<vmem_shared>> -> memref<626x16xf32, #tpu.memory_space<vmem_shared>>
      tpu.wait_dma2 semaphore(%run_scoped3A : memref<!tpu.dma_semaphore, #tpu.memory_space<semaphore_mem>>) src(%arg7 : memref<626x16xf32, #tpu.memory_space<vmem>>) dst(%dma_wait3A_40 : memref<626x16xf32, #tpu.memory_space<vmem_shared>>)
      tpu.yield
    }) : () -> ()
    %barrier3A = arith.constant 0 : index
    tpu.barrier barrier_id(%barrier3A)
    %dma_wait3A = arith.constant 0 : i32
    %dma_wait3A_15 = tpu.memref_slice %arg2[%mul3A_4, %dma_wait3A] : memref<163840x16xf32, #tpu.memory_space<hbm>> -> memref<5120x16xf32, #tpu.memory_space<hbm>>
    %dma_wait3A_16 = arith.constant 0 : i32
    %dma_wait3A_17 = tpu.memref_slice %arg2[%mul3A_4, %dma_wait3A_16] : memref<163840x16xf32, #tpu.memory_space<hbm>> -> memref<5120x16xf32, #tpu.memory_space<hbm>>
    tpu.wait_dma2 semaphore(%arg9 : memref<!tpu.dma_semaphore, #tpu.memory_space<semaphore_mem>>) src(%dma_wait3A_17 : memref<5120x16xf32, #tpu.memory_space<hbm>>) dst(%arg6 : memref<5120x16xf32, #tpu.memory_space<vmem>>)
    %scan3A_18 = arith.constant 0 : i32
    %scan3A_19 = arith.constant 0 : i32
    %scan3A_20 = arith.constant 40 : i32
    %scan3A_21 = arith.addi %scan3A_19, %scan3A_20 : i32
    %scan3A_22 = arith.constant 1 : i32
    scf.for %scan3A_33 = %scan3A_19 to %scan3A_21 step %scan3A_22  : i32 {
      %mul3A_34 = arith.constant 128 : i32
      %mul3A_35 = arith.muli %scan3A_33, %mul3A_34 : i32
      %dma_start3A_36 = arith.constant 0 : i32
      %dma_start3A_37 = tpu.memref_slice %arg6[%mul3A_35, %dma_start3A_36] : memref<5120x16xf32, #tpu.memory_space<vmem>> -> memref<128x16xf32, #tpu.memory_space<vmem>>
      %dma_start3A_38 = arith.constant 0 : i32
      %dma_start3A_39 = tpu.memref_slice %arg5[%scan3A_33, %dma_start3A_38] : memref<40x128xi32, #tpu.memory_space<vmem>> -> memref<1x128xi32, #tpu.memory_space<vmem>>
      %dma_start3A_40 = tpu.memref_squeeze %dma_start3A_39 : memref<1x128xi32, #tpu.memory_space<vmem>> -> memref<128xi32, #tpu.memory_space<vmem>>
      %dma_start3A_41 = arith.constant 0 : i32
      %dma_start3A_42 = arith.constant 0 : i32
      %dma_start3A_43 = tpu.memref_slice %arg8[%dma_start3A_41, %dma_start3A_42] : memref<10016x16xf32, #tpu.memory_space<vmem_shared>> -> memref<10016x16xf32, #tpu.memory_space<vmem_shared>>
      tpu.enqueue_indirect_dma source(%dma_start3A_37 : memref<128x16xf32, #tpu.memory_space<vmem>>) target(%dma_start3A_43 : memref<10016x16xf32, #tpu.memory_space<vmem_shared>>) offsets(%dma_start3A_40 : memref<128xi32, #tpu.memory_space<vmem>>) semaphore(%arg9 : memref<!tpu.dma_semaphore, #tpu.memory_space<semaphore_mem>>) {add = true}
    }
    %scan3A_23 = arith.constant 40 : i32
    %scan3A_24 = arith.constant 0 : i32
    %scan3A_25 = arith.constant 0 : i32
    %scan3A_26 = arith.constant 40 : i32
    %scan3A_27 = arith.addi %scan3A_25, %scan3A_26 : i32
    %scan3A_28 = arith.constant 1 : i32
    scf.for %scan3A_33 = %scan3A_25 to %scan3A_27 step %scan3A_28  : i32 {
      %mul3A_34 = arith.constant 128 : i32
      %mul3A_35 = arith.muli %scan3A_33, %mul3A_34 : i32
      %dma_wait3A_36 = arith.constant 0 : i32
      %dma_wait3A_37 = tpu.memref_slice %arg6[%mul3A_35, %dma_wait3A_36] : memref<5120x16xf32, #tpu.memory_space<vmem>> -> memref<128x16xf32, #tpu.memory_space<vmem>>
      %dma_wait3A_38 = arith.constant 0 : i32
      %dma_wait3A_39 = tpu.memref_slice %arg5[%scan3A_33, %dma_wait3A_38] : memref<40x128xi32, #tpu.memory_space<vmem>> -> memref<1x128xi32, #tpu.memory_space<vmem>>
      %dma_wait3A_40 = tpu.memref_squeeze %dma_wait3A_39 : memref<1x128xi32, #tpu.memory_space<vmem>> -> memref<128xi32, #tpu.memory_space<vmem>>
      %dma_wait3A_41 = arith.constant 0 : i32
      %dma_wait3A_42 = arith.constant 0 : i32
      %dma_wait3A_43 = tpu.memref_slice %arg8[%dma_wait3A_41, %dma_wait3A_42] : memref<10016x16xf32, #tpu.memory_space<vmem_shared>> -> memref<10016x16xf32, #tpu.memory_space<vmem_shared>>
      tpu.wait_indirect_dma semaphore(%arg9 : memref<!tpu.dma_semaphore, #tpu.memory_space<semaphore_mem>>) src(%dma_wait3A_37 : memref<128x16xf32, #tpu.memory_space<vmem>>) dst(%dma_wait3A_43 : memref<10016x16xf32, #tpu.memory_space<vmem_shared>>)
    }
    %scan3A_29 = arith.constant 40 : i32
    %barrier3A_30 = arith.constant 0 : index
    tpu.barrier barrier_id(%barrier3A_30)
    %eq3A = arith.constant 0 : i32
    %eq3A_31 = arith.cmpi eq, %arg1, %eq3A : i32
    %convert_element_type3A = arith.extui %eq3A_31 : i1 to i32
    %cond3A = arith.constant 0 : i32
    %cond3A_32 = arith.cmpi ne, %convert_element_type3A, %cond3A : i32
    scf.if %cond3A_32 {
      "tpu.region"() ({
        %run_scoped3A = tpu.sem_alloc : memref<!tpu.dma_semaphore, #tpu.memory_space<semaphore_mem>>
        %dma_start3A_33 = arith.constant 0 : i32
        %dma_start3A_34 = arith.constant 0 : i32
        %dma_start3A_35 = tpu.memref_slice %arg4[%arg0, %dma_start3A_33, %dma_start3A_34] : memref<2x10000x16xf32, #tpu.memory_space<hbm>> -> memref<1x10000x16xf32, #tpu.memory_space<hbm>>
        %dma_start3A_36 = tpu.memref_squeeze %dma_start3A_35 : memref<1x10000x16xf32, #tpu.memory_space<hbm>> -> memref<10000x16xf32, #tpu.memory_space<hbm>>
        %dma_start3A_37 = arith.constant 0 : i32
        %dma_start3A_38 = arith.constant 0 : i32
        %dma_start3A_39 = tpu.memref_slice %arg8[%dma_start3A_37, %dma_start3A_38] : memref<10016x16xf32, #tpu.memory_space<vmem_shared>> -> memref<10000x16xf32, #tpu.memory_space<vmem_shared>>
        tpu.enqueue_dma source(%dma_start3A_39 : memref<10000x16xf32, #tpu.memory_space<vmem_shared>>) target(%dma_start3A_36 : memref<10000x16xf32, #tpu.memory_space<hbm>>) target_semaphore(%run_scoped3A : memref<!tpu.dma_semaphore, #tpu.memory_space<semaphore_mem>>)
        %dma_wait3A_40 = arith.constant 0 : i32
        %dma_wait3A_41 = arith.constant 0 : i32
        %dma_wait3A_42 = tpu.memref_slice %arg4[%arg0, %dma_wait3A_40, %dma_wait3A_41] : memref<2x10000x16xf32, #tpu.memory_space<hbm>> -> memref<1x10000x16xf32, #tpu.memory_space<hbm>>
        %dma_wait3A_43 = tpu.memref_squeeze %dma_wait3A_42 : memref<1x10000x16xf32, #tpu.memory_space<hbm>> -> memref<10000x16xf32, #tpu.memory_space<hbm>>
        %dma_wait3A_44 = arith.constant 0 : i32
        %dma_wait3A_45 = arith.constant 0 : i32
        %dma_wait3A_46 = tpu.memref_slice %arg8[%dma_wait3A_44, %dma_wait3A_45] : memref<10016x16xf32, #tpu.memory_space<vmem_shared>> -> memref<10000x16xf32, #tpu.memory_space<vmem_shared>>
        tpu.wait_dma2 semaphore(%run_scoped3A : memref<!tpu.dma_semaphore, #tpu.memory_space<semaphore_mem>>) src(%dma_wait3A_46 : memref<10000x16xf32, #tpu.memory_space<vmem_shared>>) dst(%dma_wait3A_43 : memref<10000x16xf32, #tpu.memory_space<hbm>>)
        tpu.yield
      }) : () -> ()
    } else {
    }
    return
  }
}

#map = affine_map<(d0, d1) -> (0, 0)>
module attributes {stable_mosaic.version = 14 : i64} {
  func.func @k(%arg0: i32, %arg1: i32, %arg2: memref<10000x16xf32, #tpu.memory_space<hbm>>, %arg3: memref<1280x128xi32, #tpu.memory_space<hbm>>, %arg4: memref<163840x16xf32, #tpu.memory_space<hbm>>, %arg5: memref<40x128xi32, #tpu.memory_space<vmem>>, %arg6: memref<5120x16xf32, #tpu.memory_space<vmem>>, %arg7: memref<10000x16xf32, #tpu.memory_space<vmem_shared>>, %arg8: memref<!tpu.dma_semaphore, #tpu.memory_space<semaphore_mem>>) attributes {dimension_semantics = [#tpu.dimension_semantics<core_parallel>, #tpu.dimension_semantics<subcore_parallel>], iteration_bounds = array<i64: 2, 16>, scalar_prefetch = 0 : i64, scratch_operands = 4 : i64, tpu.core_type = #tpu.core_type<sc_vector_subcore>, window_params = [{transform_indices = #map}, {transform_indices = #map}, {transform_indices = #map}]} {
    %mul3A = arith.constant 2 : i32
    %mul3A_0 = arith.muli %arg1, %mul3A : i32
    %add3A = arith.addi %mul3A_0, %arg0 : i32
    %mul3A_1 = arith.constant 40 : i32
    %mul3A_2 = arith.muli %add3A, %mul3A_1 : i32
    "tpu.region"() ({
      %run_scoped3A = tpu.sem_alloc : memref<!tpu.dma_semaphore, #tpu.memory_space<semaphore_mem>>
      %dma_start3A = arith.constant 0 : i32
      %dma_start3A_18 = tpu.memref_slice %arg3[%mul3A_2, %dma_start3A] : memref<1280x128xi32, #tpu.memory_space<hbm>> -> memref<40x128xi32, #tpu.memory_space<hbm>>
      %dma_start3A_19 = arith.constant 0 : i32
      %dma_start3A_20 = tpu.memref_slice %arg3[%mul3A_2, %dma_start3A_19] : memref<1280x128xi32, #tpu.memory_space<hbm>> -> memref<40x128xi32, #tpu.memory_space<hbm>>
      tpu.enqueue_dma source(%dma_start3A_20 : memref<40x128xi32, #tpu.memory_space<hbm>>) target(%arg5 : memref<40x128xi32, #tpu.memory_space<vmem>>) target_semaphore(%run_scoped3A : memref<!tpu.dma_semaphore, #tpu.memory_space<semaphore_mem>>)
      %dma_wait3A = arith.constant 0 : i32
      %dma_wait3A_21 = tpu.memref_slice %arg3[%mul3A_2, %dma_wait3A] : memref<1280x128xi32, #tpu.memory_space<hbm>> -> memref<40x128xi32, #tpu.memory_space<hbm>>
      %dma_wait3A_22 = arith.constant 0 : i32
      %dma_wait3A_23 = tpu.memref_slice %arg3[%mul3A_2, %dma_wait3A_22] : memref<1280x128xi32, #tpu.memory_space<hbm>> -> memref<40x128xi32, #tpu.memory_space<hbm>>
      tpu.wait_dma2 semaphore(%run_scoped3A : memref<!tpu.dma_semaphore, #tpu.memory_space<semaphore_mem>>) src(%dma_wait3A_23 : memref<40x128xi32, #tpu.memory_space<hbm>>) dst(%arg5 : memref<40x128xi32, #tpu.memory_space<vmem>>)
      tpu.yield
    }) : () -> ()
    %eq3A = arith.constant 0 : i32
    %eq3A_3 = arith.cmpi eq, %arg1, %eq3A : i32
    %convert_element_type3A = arith.extui %eq3A_3 : i1 to i32
    %cond3A = arith.constant 0 : i32
    %cond3A_4 = arith.cmpi ne, %convert_element_type3A, %cond3A : i32
    scf.if %cond3A_4 {
      "tpu.region"() ({
        %run_scoped3A = tpu.sem_alloc : memref<!tpu.dma_semaphore, #tpu.memory_space<semaphore_mem>>
        tpu.enqueue_dma source(%arg2 : memref<10000x16xf32, #tpu.memory_space<hbm>>) target(%arg7 : memref<10000x16xf32, #tpu.memory_space<vmem_shared>>) target_semaphore(%run_scoped3A : memref<!tpu.dma_semaphore, #tpu.memory_space<semaphore_mem>>)
        tpu.wait_dma2 semaphore(%run_scoped3A : memref<!tpu.dma_semaphore, #tpu.memory_space<semaphore_mem>>) src(%arg2 : memref<10000x16xf32, #tpu.memory_space<hbm>>) dst(%arg7 : memref<10000x16xf32, #tpu.memory_space<vmem_shared>>)
        tpu.yield
      }) : () -> ()
    } else {
    }
    %barrier3A = arith.constant 0 : index
    tpu.barrier barrier_id(%barrier3A)
    %scan3A = arith.constant 0 : i32
    %scan3A_5 = arith.constant 0 : i32
    %scan3A_6 = arith.constant 40 : i32
    %scan3A_7 = arith.addi %scan3A_5, %scan3A_6 : i32
    %scan3A_8 = arith.constant 1 : i32
    scf.for %scan3A_18 = %scan3A_5 to %scan3A_7 step %scan3A_8  : i32 {
      %mul3A_19 = arith.constant 128 : i32
      %mul3A_20 = arith.muli %scan3A_18, %mul3A_19 : i32
      %dma_start3A = arith.constant 0 : i32
      %dma_start3A_21 = tpu.memref_slice %arg6[%mul3A_20, %dma_start3A] : memref<5120x16xf32, #tpu.memory_space<vmem>> -> memref<128x16xf32, #tpu.memory_space<vmem>>
      %dma_start3A_22 = arith.constant 0 : i32
      %dma_start3A_23 = tpu.memref_slice %arg5[%scan3A_18, %dma_start3A_22] : memref<40x128xi32, #tpu.memory_space<vmem>> -> memref<1x128xi32, #tpu.memory_space<vmem>>
      %dma_start3A_24 = tpu.memref_squeeze %dma_start3A_23 : memref<1x128xi32, #tpu.memory_space<vmem>> -> memref<128xi32, #tpu.memory_space<vmem>>
      %dma_start3A_25 = arith.constant 0 : i32
      %dma_start3A_26 = arith.constant 0 : i32
      %dma_start3A_27 = tpu.memref_slice %arg7[%dma_start3A_25, %dma_start3A_26] : memref<10000x16xf32, #tpu.memory_space<vmem_shared>> -> memref<10000x16xf32, #tpu.memory_space<vmem_shared>>
      tpu.enqueue_indirect_dma source(%dma_start3A_27 : memref<10000x16xf32, #tpu.memory_space<vmem_shared>>) target(%dma_start3A_21 : memref<128x16xf32, #tpu.memory_space<vmem>>) offsets(%dma_start3A_24 : memref<128xi32, #tpu.memory_space<vmem>>) semaphore(%arg8 : memref<!tpu.dma_semaphore, #tpu.memory_space<semaphore_mem>>)
    }
    %scan3A_9 = arith.constant 40 : i32
    %scan3A_10 = arith.constant 0 : i32
    %scan3A_11 = arith.constant 0 : i32
    %scan3A_12 = arith.constant 40 : i32
    %scan3A_13 = arith.addi %scan3A_11, %scan3A_12 : i32
    %scan3A_14 = arith.constant 1 : i32
    scf.for %scan3A_18 = %scan3A_11 to %scan3A_13 step %scan3A_14  : i32 {
      %mul3A_19 = arith.constant 128 : i32
      %mul3A_20 = arith.muli %scan3A_18, %mul3A_19 : i32
      %dma_wait3A = arith.constant 0 : i32
      %dma_wait3A_21 = tpu.memref_slice %arg6[%mul3A_20, %dma_wait3A] : memref<5120x16xf32, #tpu.memory_space<vmem>> -> memref<128x16xf32, #tpu.memory_space<vmem>>
      %dma_wait3A_22 = arith.constant 0 : i32
      %dma_wait3A_23 = tpu.memref_slice %arg5[%scan3A_18, %dma_wait3A_22] : memref<40x128xi32, #tpu.memory_space<vmem>> -> memref<1x128xi32, #tpu.memory_space<vmem>>
      %dma_wait3A_24 = tpu.memref_squeeze %dma_wait3A_23 : memref<1x128xi32, #tpu.memory_space<vmem>> -> memref<128xi32, #tpu.memory_space<vmem>>
      %dma_wait3A_25 = arith.constant 0 : i32
      %dma_wait3A_26 = arith.constant 0 : i32
      %dma_wait3A_27 = tpu.memref_slice %arg7[%dma_wait3A_25, %dma_wait3A_26] : memref<10000x16xf32, #tpu.memory_space<vmem_shared>> -> memref<10000x16xf32, #tpu.memory_space<vmem_shared>>
      tpu.wait_indirect_dma semaphore(%arg8 : memref<!tpu.dma_semaphore, #tpu.memory_space<semaphore_mem>>) src(%dma_wait3A_27 : memref<10000x16xf32, #tpu.memory_space<vmem_shared>>) dst(%dma_wait3A_21 : memref<128x16xf32, #tpu.memory_space<vmem>>)
    }
    %scan3A_15 = arith.constant 40 : i32
    %mul3A_16 = arith.constant 5120 : i32
    %mul3A_17 = arith.muli %add3A, %mul3A_16 : i32
    "tpu.region"() ({
      %run_scoped3A = tpu.sem_alloc : memref<!tpu.dma_semaphore, #tpu.memory_space<semaphore_mem>>
      %dma_start3A = arith.constant 0 : i32
      %dma_start3A_18 = tpu.memref_slice %arg4[%mul3A_17, %dma_start3A] : memref<163840x16xf32, #tpu.memory_space<hbm>> -> memref<5120x16xf32, #tpu.memory_space<hbm>>
      %dma_start3A_19 = arith.constant 0 : i32
      %dma_start3A_20 = tpu.memref_slice %arg4[%mul3A_17, %dma_start3A_19] : memref<163840x16xf32, #tpu.memory_space<hbm>> -> memref<5120x16xf32, #tpu.memory_space<hbm>>
      tpu.enqueue_dma source(%arg6 : memref<5120x16xf32, #tpu.memory_space<vmem>>) target(%dma_start3A_20 : memref<5120x16xf32, #tpu.memory_space<hbm>>) target_semaphore(%run_scoped3A : memref<!tpu.dma_semaphore, #tpu.memory_space<semaphore_mem>>)
      %dma_wait3A = arith.constant 0 : i32
      %dma_wait3A_21 = tpu.memref_slice %arg4[%mul3A_17, %dma_wait3A] : memref<163840x16xf32, #tpu.memory_space<hbm>> -> memref<5120x16xf32, #tpu.memory_space<hbm>>
      %dma_wait3A_22 = arith.constant 0 : i32
      %dma_wait3A_23 = tpu.memref_slice %arg4[%mul3A_17, %dma_wait3A_22] : memref<163840x16xf32, #tpu.memory_space<hbm>> -> memref<5120x16xf32, #tpu.memory_space<hbm>>
      tpu.wait_dma2 semaphore(%run_scoped3A : memref<!tpu.dma_semaphore, #tpu.memory_space<semaphore_mem>>) src(%arg6 : memref<5120x16xf32, #tpu.memory_space<vmem>>) dst(%dma_wait3A_23 : memref<5120x16xf32, #tpu.memory_space<hbm>>)
      tpu.yield
    }) : () -> ()
    return
  }
}

#map = affine_map<(d0, d1) -> (0, 0)>
#map1 = affine_map<(d0, d1) -> (0, 0, 0)>
module attributes {stable_mosaic.version = 14 : i64} {
  func.func @k(%arg0: i32, %arg1: i32, %arg2: memref<163840x16xf32, #tpu.memory_space<hbm>>, %arg3: memref<1280x128xi32, #tpu.memory_space<hbm>>, %arg4: memref<2x10000x16xf32, #tpu.memory_space<hbm>>, %arg5: memref<40x128xi32, #tpu.memory_space<vmem>>, %arg6: memref<5120x16xf32, #tpu.memory_space<vmem>>, %arg7: memref<626x16xf32, #tpu.memory_space<vmem>>, %arg8: memref<10016x16xf32, #tpu.memory_space<vmem_shared>>, %arg9: memref<!tpu.dma_semaphore, #tpu.memory_space<semaphore_mem>>) attributes {dimension_semantics = [#tpu.dimension_semantics<core_parallel>, #tpu.dimension_semantics<subcore_parallel>], iteration_bounds = array<i64: 2, 16>, scalar_prefetch = 0 : i64, scratch_operands = 5 : i64, tpu.core_type = #tpu.core_type<sc_vector_subcore>, window_params = [{transform_indices = #map}, {transform_indices = #map}, {transform_indices = #map1}]} {
    %mul3A = arith.constant 2 : i32
    %mul3A_0 = arith.muli %arg1, %mul3A : i32
    %add3A = arith.addi %mul3A_0, %arg0 : i32
    %mul3A_1 = arith.constant 40 : i32
    %mul3A_2 = arith.muli %add3A, %mul3A_1 : i32
    "tpu.region"() ({
      %run_scoped3A = tpu.sem_alloc : memref<!tpu.dma_semaphore, #tpu.memory_space<semaphore_mem>>
      %dma_start3A_33 = arith.constant 0 : i32
      %dma_start3A_34 = tpu.memref_slice %arg3[%mul3A_2, %dma_start3A_33] : memref<1280x128xi32, #tpu.memory_space<hbm>> -> memref<40x128xi32, #tpu.memory_space<hbm>>
      %dma_start3A_35 = arith.constant 0 : i32
      %dma_start3A_36 = tpu.memref_slice %arg3[%mul3A_2, %dma_start3A_35] : memref<1280x128xi32, #tpu.memory_space<hbm>> -> memref<40x128xi32, #tpu.memory_space<hbm>>
      tpu.enqueue_dma source(%dma_start3A_36 : memref<40x128xi32, #tpu.memory_space<hbm>>) target(%arg5 : memref<40x128xi32, #tpu.memory_space<vmem>>) target_semaphore(%run_scoped3A : memref<!tpu.dma_semaphore, #tpu.memory_space<semaphore_mem>>)
      %dma_wait3A_37 = arith.constant 0 : i32
      %dma_wait3A_38 = tpu.memref_slice %arg3[%mul3A_2, %dma_wait3A_37] : memref<1280x128xi32, #tpu.memory_space<hbm>> -> memref<40x128xi32, #tpu.memory_space<hbm>>
      %dma_wait3A_39 = arith.constant 0 : i32
      %dma_wait3A_40 = tpu.memref_slice %arg3[%mul3A_2, %dma_wait3A_39] : memref<1280x128xi32, #tpu.memory_space<hbm>> -> memref<40x128xi32, #tpu.memory_space<hbm>>
      tpu.wait_dma2 semaphore(%run_scoped3A : memref<!tpu.dma_semaphore, #tpu.memory_space<semaphore_mem>>) src(%dma_wait3A_40 : memref<40x128xi32, #tpu.memory_space<hbm>>) dst(%arg5 : memref<40x128xi32, #tpu.memory_space<vmem>>)
      tpu.yield
    }) : () -> ()
    %mul3A_3 = arith.constant 5120 : i32
    %mul3A_4 = arith.muli %add3A, %mul3A_3 : i32
    %dma_start3A = arith.constant 0 : i32
    %dma_start3A_5 = tpu.memref_slice %arg2[%mul3A_4, %dma_start3A] : memref<163840x16xf32, #tpu.memory_space<hbm>> -> memref<5120x16xf32, #tpu.memory_space<hbm>>
    %dma_start3A_6 = arith.constant 0 : i32
    %dma_start3A_7 = tpu.memref_slice %arg2[%mul3A_4, %dma_start3A_6] : memref<163840x16xf32, #tpu.memory_space<hbm>> -> memref<5120x16xf32, #tpu.memory_space<hbm>>
    tpu.enqueue_dma source(%dma_start3A_7 : memref<5120x16xf32, #tpu.memory_space<hbm>>) target(%arg6 : memref<5120x16xf32, #tpu.memory_space<vmem>>) target_semaphore(%arg9 : memref<!tpu.dma_semaphore, #tpu.memory_space<semaphore_mem>>)
    %scan3A = arith.constant 0 : i32
    %scan3A_8 = arith.constant 0 : i32
    %scan3A_9 = arith.constant 626 : i32
    %scan3A_10 = arith.addi %scan3A_8, %scan3A_9 : i32
    %scan3A_11 = arith.constant 1 : i32
    scf.for %scan3A_33 = %scan3A_8 to %scan3A_10 step %scan3A_11  : i32 {
      %broadcast_in_dim3A = arith.constant 0.000000e+00 : f32
      %broadcast_in_dim3A_34 = vector.broadcast %broadcast_in_dim3A : f32 to vector<16xf32>
      %swap3A = arith.index_cast %scan3A_33 : i32 to index
      %swap3A_35 = arith.constant 0 : index
      %swap3A_36 = tpu.vector_load %arg7[%swap3A, %swap3A_35] {strides = array<i32>} : memref<626x16xf32, #tpu.memory_space<vmem>>, vector<1x16xf32>,
      %swap3A_37 = vector.shape_cast %swap3A_36 : vector<1x16xf32> to vector<16xf32>
      %swap3A_38 = vector.shape_cast %broadcast_in_dim3A_34 : vector<16xf32> to vector<1x16xf32>
      tpu.vector_store %arg7[%swap3A, %swap3A_35], %swap3A_38 {strides = array<i32>} : memref<626x16xf32, #tpu.memory_space<vmem>>, vector<1x16xf32>,
    }
    %scan3A_12 = arith.constant 626 : i32
    %mul3A_13 = arith.constant 626 : i32
    %mul3A_14 = arith.muli %arg1, %mul3A_13 : i32
    "tpu.region"() ({
      %run_scoped3A = tpu.sem_alloc : memref<!tpu.dma_semaphore, #tpu.memory_space<semaphore_mem>>
      %dma_start3A_33 = arith.constant 0 : i32
      %dma_start3A_34 = tpu.memref_slice %arg8[%mul3A_14, %dma_start3A_33] : memref<10016x16xf32, #tpu.memory_space<vmem_shared>> -> memref<626x16xf32, #tpu.memory_space<vmem_shared>>
      %dma_start3A_35 = arith.constant 0 : i32
      %dma_start3A_36 = tpu.memref_slice %arg8[%mul3A_14, %dma_start3A_35] : memref<10016x16xf32, #tpu.memory_space<vmem_shared>> -> memref<626x16xf32, #tpu.memory_space<vmem_shared>>
      tpu.enqueue_dma source(%arg7 : memref<626x16xf32, #tpu.memory_space<vmem>>) target(%dma_start3A_36 : memref<626x16xf32, #tpu.memory_space<vmem_shared>>) target_semaphore(%run_scoped3A : memref<!tpu.dma_semaphore, #tpu.memory_space<semaphore_mem>>)
      %dma_wait3A_37 = arith.constant 0 : i32
      %dma_wait3A_38 = tpu.memref_slice %arg8[%mul3A_14, %dma_wait3A_37] : memref<10016x16xf32, #tpu.memory_space<vmem_shared>> -> memref<626x16xf32, #tpu.memory_space<vmem_shared>>
      %dma_wait3A_39 = arith.constant 0 : i32
      %dma_wait3A_40 = tpu.memref_slice %arg8[%mul3A_14, %dma_wait3A_39] : memref<10016x16xf32, #tpu.memory_space<vmem_shared>> -> memref<626x16xf32, #tpu.memory_space<vmem_shared>>
      tpu.wait_dma2 semaphore(%run_scoped3A : memref<!tpu.dma_semaphore, #tpu.memory_space<semaphore_mem>>) src(%arg7 : memref<626x16xf32, #tpu.memory_space<vmem>>) dst(%dma_wait3A_40 : memref<626x16xf32, #tpu.memory_space<vmem_shared>>)
      tpu.yield
    }) : () -> ()
    %barrier3A = arith.constant 0 : index
    tpu.barrier barrier_id(%barrier3A)
    %dma_wait3A = arith.constant 0 : i32
    %dma_wait3A_15 = tpu.memref_slice %arg2[%mul3A_4, %dma_wait3A] : memref<163840x16xf32, #tpu.memory_space<hbm>> -> memref<5120x16xf32, #tpu.memory_space<hbm>>
    %dma_wait3A_16 = arith.constant 0 : i32
    %dma_wait3A_17 = tpu.memref_slice %arg2[%mul3A_4, %dma_wait3A_16] : memref<163840x16xf32, #tpu.memory_space<hbm>> -> memref<5120x16xf32, #tpu.memory_space<hbm>>
    tpu.wait_dma2 semaphore(%arg9 : memref<!tpu.dma_semaphore, #tpu.memory_space<semaphore_mem>>) src(%dma_wait3A_17 : memref<5120x16xf32, #tpu.memory_space<hbm>>) dst(%arg6 : memref<5120x16xf32, #tpu.memory_space<vmem>>)
    %scan3A_18 = arith.constant 0 : i32
    %scan3A_19 = arith.constant 0 : i32
    %scan3A_20 = arith.constant 40 : i32
    %scan3A_21 = arith.addi %scan3A_19, %scan3A_20 : i32
    %scan3A_22 = arith.constant 1 : i32
    scf.for %scan3A_33 = %scan3A_19 to %scan3A_21 step %scan3A_22  : i32 {
      %mul3A_34 = arith.constant 128 : i32
      %mul3A_35 = arith.muli %scan3A_33, %mul3A_34 : i32
      %dma_start3A_36 = arith.constant 0 : i32
      %dma_start3A_37 = tpu.memref_slice %arg6[%mul3A_35, %dma_start3A_36] : memref<5120x16xf32, #tpu.memory_space<vmem>> -> memref<128x16xf32, #tpu.memory_space<vmem>>
      %dma_start3A_38 = arith.constant 0 : i32
      %dma_start3A_39 = tpu.memref_slice %arg5[%scan3A_33, %dma_start3A_38] : memref<40x128xi32, #tpu.memory_space<vmem>> -> memref<1x128xi32, #tpu.memory_space<vmem>>
      %dma_start3A_40 = tpu.memref_squeeze %dma_start3A_39 : memref<1x128xi32, #tpu.memory_space<vmem>> -> memref<128xi32, #tpu.memory_space<vmem>>
      %dma_start3A_41 = arith.constant 0 : i32
      %dma_start3A_42 = arith.constant 0 : i32
      %dma_start3A_43 = tpu.memref_slice %arg8[%dma_start3A_41, %dma_start3A_42] : memref<10016x16xf32, #tpu.memory_space<vmem_shared>> -> memref<10016x16xf32, #tpu.memory_space<vmem_shared>>
      tpu.enqueue_indirect_dma source(%dma_start3A_37 : memref<128x16xf32, #tpu.memory_space<vmem>>) target(%dma_start3A_43 : memref<10016x16xf32, #tpu.memory_space<vmem_shared>>) offsets(%dma_start3A_40 : memref<128xi32, #tpu.memory_space<vmem>>) semaphore(%arg9 : memref<!tpu.dma_semaphore, #tpu.memory_space<semaphore_mem>>) {add = true}
    }
    %scan3A_23 = arith.constant 40 : i32
    %scan3A_24 = arith.constant 0 : i32
    %scan3A_25 = arith.constant 0 : i32
    %scan3A_26 = arith.constant 40 : i32
    %scan3A_27 = arith.addi %scan3A_25, %scan3A_26 : i32
    %scan3A_28 = arith.constant 1 : i32
    scf.for %scan3A_33 = %scan3A_25 to %scan3A_27 step %scan3A_28  : i32 {
      %mul3A_34 = arith.constant 128 : i32
      %mul3A_35 = arith.muli %scan3A_33, %mul3A_34 : i32
      %dma_wait3A_36 = arith.constant 0 : i32
      %dma_wait3A_37 = tpu.memref_slice %arg6[%mul3A_35, %dma_wait3A_36] : memref<5120x16xf32, #tpu.memory_space<vmem>> -> memref<128x16xf32, #tpu.memory_space<vmem>>
      %dma_wait3A_38 = arith.constant 0 : i32
      %dma_wait3A_39 = tpu.memref_slice %arg5[%scan3A_33, %dma_wait3A_38] : memref<40x128xi32, #tpu.memory_space<vmem>> -> memref<1x128xi32, #tpu.memory_space<vmem>>
      %dma_wait3A_40 = tpu.memref_squeeze %dma_wait3A_39 : memref<1x128xi32, #tpu.memory_space<vmem>> -> memref<128xi32, #tpu.memory_space<vmem>>
      %dma_wait3A_41 = arith.constant 0 : i32
      %dma_wait3A_42 = arith.constant 0 : i32
      %dma_wait3A_43 = tpu.memref_slice %arg8[%dma_wait3A_41, %dma_wait3A_42] : memref<10016x16xf32, #tpu.memory_space<vmem_shared>> -> memref<10016x16xf32, #tpu.memory_space<vmem_shared>>
      tpu.wait_indirect_dma semaphore(%arg9 : memref<!tpu.dma_semaphore, #tpu.memory_space<semaphore_mem>>) src(%dma_wait3A_37 : memref<128x16xf32, #tpu.memory_space<vmem>>) dst(%dma_wait3A_43 : memref<10016x16xf32, #tpu.memory_space<vmem_shared>>)
    }
    %scan3A_29 = arith.constant 40 : i32
    %barrier3A_30 = arith.constant 0 : index
    tpu.barrier barrier_id(%barrier3A_30)
    %eq3A = arith.constant 0 : i32
    %eq3A_31 = arith.cmpi eq, %arg1, %eq3A : i32
    %convert_element_type3A = arith.extui %eq3A_31 : i1 to i32
    %cond3A = arith.constant 0 : i32
    %cond3A_32 = arith.cmpi ne, %convert_element_type3A, %cond3A : i32
    scf.if %cond3A_32 {
      "tpu.region"() ({
        %run_scoped3A = tpu.sem_alloc : memref<!tpu.dma_semaphore, #tpu.memory_space<semaphore_mem>>
        %dma_start3A_33 = arith.constant 0 : i32
        %dma_start3A_34 = arith.constant 0 : i32
        %dma_start3A_35 = tpu.memref_slice %arg4[%arg0, %dma_start3A_33, %dma_start3A_34] : memref<2x10000x16xf32, #tpu.memory_space<hbm>> -> memref<1x10000x16xf32, #tpu.memory_space<hbm>>
        %dma_start3A_36 = tpu.memref_squeeze %dma_start3A_35 : memref<1x10000x16xf32, #tpu.memory_space<hbm>> -> memref<10000x16xf32, #tpu.memory_space<hbm>>
        %dma_start3A_37 = arith.constant 0 : i32
        %dma_start3A_38 = arith.constant 0 : i32
        %dma_start3A_39 = tpu.memref_slice %arg8[%dma_start3A_37, %dma_start3A_38] : memref<10016x16xf32, #tpu.memory_space<vmem_shared>> -> memref<10000x16xf32, #tpu.memory_space<vmem_shared>>
        tpu.enqueue_dma source(%dma_start3A_39 : memref<10000x16xf32, #tpu.memory_space<vmem_shared>>) target(%dma_start3A_36 : memref<10000x16xf32, #tpu.memory_space<hbm>>) target_semaphore(%run_scoped3A : memref<!tpu.dma_semaphore, #tpu.memory_space<semaphore_mem>>)
        %dma_wait3A_40 = arith.constant 0 : i32
        %dma_wait3A_41 = arith.constant 0 : i32
        %dma_wait3A_42 = tpu.memref_slice %arg4[%arg0, %dma_wait3A_40, %dma_wait3A_41] : memref<2x10000x16xf32, #tpu.memory_space<hbm>> -> memref<1x10000x16xf32, #tpu.memory_space<hbm>>
        %dma_wait3A_43 = tpu.memref_squeeze %dma_wait3A_42 : memref<1x10000x16xf32, #tpu.memory_space<hbm>> -> memref<10000x16xf32, #tpu.memory_space<hbm>>
        %dma_wait3A_44 = arith.constant 0 : i32
        %dma_wait3A_45 = arith.constant 0 : i32
        %dma_wait3A_46 = tpu.memref_slice %arg8[%dma_wait3A_44, %dma_wait3A_45] : memref<10016x16xf32, #tpu.memory_space<vmem_shared>> -> memref<10000x16xf32, #tpu.memory_space<vmem_shared>>
        tpu.wait_dma2 semaphore(%run_scoped3A : memref<!tpu.dma_semaphore, #tpu.memory_space<semaphore_mem>>) src(%dma_wait3A_46 : memref<10000x16xf32, #tpu.memory_space<vmem_shared>>) dst(%dma_wait3A_43 : memref<10000x16xf32, #tpu.memory_space<hbm>>)
        tpu.yield
      }) : () -> ()
    } else {
    }
    return
  }
}

module attributes {stable_mosaic.version = 14 : i64} {
  func.func @_edge_body(%arg0: i32, %arg1: memref<4x4096xf32, #tpu.memory_space<vmem>>, %arg2: memref<512x128xf32, #tpu.memory_space<vmem>>, %arg3: memref<256x4xf32, #tpu.memory_space<vmem>>, %arg4: memref<256x1xf32, #tpu.memory_space<vmem>>, %arg5: memref<256x256xbf16, #tpu.memory_space<vmem>>, %arg6: memref<256x1xf32, #tpu.memory_space<vmem>>, %arg7: memref<512x128xf32, #tpu.memory_space<vmem>>) attributes {dimension_semantics = [#tpu.dimension_semantics<arbitrary>], iteration_bounds = array<i64: 40>, scalar_prefetch = 0 : i64, scratch_operands = 0 : i64, tpu.core_type = #tpu.core_type<tc>, window_params = [{transform_indices = @transform_0, window_bounds = array<i64: 4, 4096>}, {transform_indices = @transform_1, window_bounds = array<i64: 512, 128>}, {pipeline_mode = #tpu.pipeline_mode<synchronous>, transform_indices = @transform_2, window_bounds = array<i64: 256, 4>}, {pipeline_mode = #tpu.pipeline_mode<synchronous>, transform_indices = @transform_3, window_bounds = array<i64: 256, 1>}, {pipeline_mode = #tpu.pipeline_mode<synchronous>, transform_indices = @transform_4, window_bounds = array<i64: 256, 256>}, {pipeline_mode = #tpu.pipeline_mode<synchronous>, transform_indices = @transform_5, window_bounds = array<i64: 256, 1>}, {transform_indices = @transform_6, window_bounds = array<i64: 512, 128>}]} {
    %get3A = arith.constant 0 : index
    %get3A_0 = arith.constant 0 : index
    %get3A_1 = vector.load %arg1[%get3A, %get3A_0] : memref<4x4096xf32, #tpu.memory_space<vmem>>, vector<4x4096xf32>
    %get3A_2 = arith.constant 0 : index
    %get3A_3 = arith.constant 0 : index
    %get3A_4 = vector.load %arg2[%get3A_2, %get3A_3] : memref<512x128xf32, #tpu.memory_space<vmem>>, vector<512x128xf32>
    %get3A_5 = arith.constant 0 : index
    %get3A_6 = arith.constant 0 : index
    %get3A_7 = vector.load %arg3[%get3A_5, %get3A_6] : memref<256x4xf32, #tpu.memory_space<vmem>>, vector<256x4xf32>
    %get3A_8 = arith.constant 0 : index
    %get3A_9 = arith.constant 0 : index
    %get3A_10 = vector.load %arg4[%get3A_8, %get3A_9] : memref<256x1xf32, #tpu.memory_space<vmem>>, vector<256x1xf32>
    %get3A_11 = arith.constant 0 : index
    %get3A_12 = arith.constant 0 : index
    %get3A_13 = vector.load %arg5[%get3A_11, %get3A_12] : memref<256x256xbf16, #tpu.memory_space<vmem>>, vector<256x256xbf16>
    %get3A_14 = arith.constant 0 : index
    %get3A_15 = arith.constant 0 : index
    %get3A_16 = vector.load %arg6[%get3A_14, %get3A_15] : memref<256x1xf32, #tpu.memory_space<vmem>>, vector<256x1xf32>
    %dot_general3A = arith.constant dense<0.000000e+00> : vector<256x4096xf32>
    %dot_general3A_17 = tpu.matmul %get3A_7, %get3A_1, %dot_general3A {dimension_numbers = #tpu.dot_dimension_numbers<[1], [0], [0], [1], [0, 0, 1, 1], [], []>, transpose_lhs_hint = false} : vector<256x4xf32>, vector<4x4096xf32>, vector<256x4096xf32> -> vector<256x4096xf32>
    %add3A = vector.broadcast %get3A_10 : vector<256x1xf32> to vector<256x4096xf32>
    %add3A_18 = arith.addf %dot_general3A_17, %add3A : vector<256x4096xf32>
    %gt3A = arith.constant 0.000000e+00 : f32
    %gt3A_19 = vector.broadcast %gt3A : f32 to vector<256x4096xf32>
    %gt3A_20 = arith.cmpf ogt, %add3A_18, %gt3A_19 : vector<256x4096xf32>
    %mul3A = arith.constant 0.00999999977 : f32
    %mul3A_21 = vector.broadcast %mul3A : f32 to vector<256x4096xf32>
    %mul3A_22 = arith.mulf %mul3A_21, %add3A_18 : vector<256x4096xf32>
    %select_n3A = arith.select %gt3A_20, %add3A_18, %mul3A_22 : vector<256x4096xi1>, vector<256x4096xf32>
    %convert_element_type3A = arith.truncf %select_n3A : vector<256x4096xf32> to vector<256x4096xbf16>
    %dot_general3A_23 = arith.constant dense<0.000000e+00> : vector<256x4096xf32>
    %dot_general3A_24 = tpu.matmul %get3A_13, %convert_element_type3A, %dot_general3A_23 {dimension_numbers = #tpu.dot_dimension_numbers<[1], [0], [0], [1], [0, 0, 1, 1], [], []>, transpose_lhs_hint = false} : vector<256x256xbf16>, vector<256x4096xbf16>, vector<256x4096xf32> -> vector<256x4096xf32>
    %add3A_25 = vector.broadcast %get3A_16 : vector<256x1xf32> to vector<256x4096xf32>
    %add3A_26 = arith.addf %dot_general3A_24, %add3A_25 : vector<256x4096xf32>
    %transpose3A = tpu.transpose %get3A_4, [1, 0] : vector<512x128xf32> -> vector<128x512xf32>
    %slice3A = vector.extract_strided_slice %add3A_26 {offsets = [0, 0], sizes = [16, 512], strides = [1, 1]} : vector<256x4096xf32> to vector<16x512xf32>
    %slice3A_27 = vector.extract_strided_slice %transpose3A {offsets = [0, 0], sizes = [1, 512], strides = [1, 1]} : vector<128x512xf32> to vector<1x512xf32>
    %mul3A_28 = vector.broadcast %slice3A_27 : vector<1x512xf32> to vector<16x512xf32>
    %mul3A_29 = arith.mulf %slice3A, %mul3A_28 : vector<16x512xf32>
    %slice3A_30 = vector.extract_strided_slice %add3A_26 {offsets = [16, 0], sizes = [16, 512], strides = [1, 1]} : vector<256x4096xf32> to vector<16x512xf32>
    %slice3A_31 = vector.extract_strided_slice %transpose3A {offsets = [1, 0], sizes = [1, 512], strides = [1, 1]} : vector<128x512xf32> to vector<1x512xf32>
    %mul3A_32 = vector.broadcast %slice3A_31 : vector<1x512xf32> to vector<16x512xf32>
    %mul3A_33 = arith.mulf %slice3A_30, %mul3A_32 : vector<16x512xf32>
    %add3A_34 = arith.addf %mul3A_29, %mul3A_33 : vector<16x512xf32>
    %slice3A_35 = vector.extract_strided_slice %add3A_26 {offsets = [32, 0], sizes = [16, 512], strides = [1, 1]} : vector<256x4096xf32> to vector<16x512xf32>
    %slice3A_36 = vector.extract_strided_slice %transpose3A {offsets = [2, 0], sizes = [1, 512], strides = [1, 1]} : vector<128x512xf32> to vector<1x512xf32>
    %mul3A_37 = vector.broadcast %slice3A_36 : vector<1x512xf32> to vector<16x512xf32>
    %mul3A_38 = arith.mulf %slice3A_35, %mul3A_37 : vector<16x512xf32>
    %add3A_39 = arith.addf %add3A_34, %mul3A_38 : vector<16x512xf32>
    %slice3A_40 = vector.extract_strided_slice %add3A_26 {offsets = [48, 0], sizes = [16, 512], strides = [1, 1]} : vector<256x4096xf32> to vector<16x512xf32>
    %slice3A_41 = vector.extract_strided_slice %transpose3A {offsets = [3, 0], sizes = [1, 512], strides = [1, 1]} : vector<128x512xf32> to vector<1x512xf32>
    %mul3A_42 = vector.broadcast %slice3A_41 : vector<1x512xf32> to vector<16x512xf32>
    %mul3A_43 = arith.mulf %slice3A_40, %mul3A_42 : vector<16x512xf32>
    %add3A_44 = arith.addf %add3A_39, %mul3A_43 : vector<16x512xf32>
    %slice3A_45 = vector.extract_strided_slice %add3A_26 {offsets = [64, 0], sizes = [16, 512], strides = [1, 1]} : vector<256x4096xf32> to vector<16x512xf32>
    %slice3A_46 = vector.extract_strided_slice %transpose3A {offsets = [4, 0], sizes = [1, 512], strides = [1, 1]} : vector<128x512xf32> to vector<1x512xf32>
    %mul3A_47 = vector.broadcast %slice3A_46 : vector<1x512xf32> to vector<16x512xf32>
    %mul3A_48 = arith.mulf %slice3A_45, %mul3A_47 : vector<16x512xf32>
    %add3A_49 = arith.addf %add3A_44, %mul3A_48 : vector<16x512xf32>
    %slice3A_50 = vector.extract_strided_slice %add3A_26 {offsets = [80, 0], sizes = [16, 512], strides = [1, 1]} : vector<256x4096xf32> to vector<16x512xf32>
    %slice3A_51 = vector.extract_strided_slice %transpose3A {offsets = [5, 0], sizes = [1, 512], strides = [1, 1]} : vector<128x512xf32> to vector<1x512xf32>
    %mul3A_52 = vector.broadcast %slice3A_51 : vector<1x512xf32> to vector<16x512xf32>
    %mul3A_53 = arith.mulf %slice3A_50, %mul3A_52 : vector<16x512xf32>
    %add3A_54 = arith.addf %add3A_49, %mul3A_53 : vector<16x512xf32>
    %slice3A_55 = vector.extract_strided_slice %add3A_26 {offsets = [96, 0], sizes = [16, 512], strides = [1, 1]} : vector<256x4096xf32> to vector<16x512xf32>
    %slice3A_56 = vector.extract_strided_slice %transpose3A {offsets = [6, 0], sizes = [1, 512], strides = [1, 1]} : vector<128x512xf32> to vector<1x512xf32>
    %mul3A_57 = vector.broadcast %slice3A_56 : vector<1x512xf32> to vector<16x512xf32>
    %mul3A_58 = arith.mulf %slice3A_55, %mul3A_57 : vector<16x512xf32>
    %add3A_59 = arith.addf %add3A_54, %mul3A_58 : vector<16x512xf32>
    %slice3A_60 = vector.extract_strided_slice %add3A_26 {offsets = [112, 0], sizes = [16, 512], strides = [1, 1]} : vector<256x4096xf32> to vector<16x512xf32>
    %slice3A_61 = vector.extract_strided_slice %transpose3A {offsets = [7, 0], sizes = [1, 512], strides = [1, 1]} : vector<128x512xf32> to vector<1x512xf32>
    %mul3A_62 = vector.broadcast %slice3A_61 : vector<1x512xf32> to vector<16x512xf32>
    %mul3A_63 = arith.mulf %slice3A_60, %mul3A_62 : vector<16x512xf32>
    %add3A_64 = arith.addf %add3A_59, %mul3A_63 : vector<16x512xf32>
    %slice3A_65 = vector.extract_strided_slice %add3A_26 {offsets = [128, 0], sizes = [16, 512], strides = [1, 1]} : vector<256x4096xf32> to vector<16x512xf32>
    %slice3A_66 = vector.extract_strided_slice %transpose3A {offsets = [8, 0], sizes = [1, 512], strides = [1, 1]} : vector<128x512xf32> to vector<1x512xf32>
    %mul3A_67 = vector.broadcast %slice3A_66 : vector<1x512xf32> to vector<16x512xf32>
    %mul3A_68 = arith.mulf %slice3A_65, %mul3A_67 : vector<16x512xf32>
    %add3A_69 = arith.addf %add3A_64, %mul3A_68 : vector<16x512xf32>
    %slice3A_70 = vector.extract_strided_slice %add3A_26 {offsets = [144, 0], sizes = [16, 512], strides = [1, 1]} : vector<256x4096xf32> to vector<16x512xf32>
    %slice3A_71 = vector.extract_strided_slice %transpose3A {offsets = [9, 0], sizes = [1, 512], strides = [1, 1]} : vector<128x512xf32> to vector<1x512xf32>
    %mul3A_72 = vector.broadcast %slice3A_71 : vector<1x512xf32> to vector<16x512xf32>
    %mul3A_73 = arith.mulf %slice3A_70, %mul3A_72 : vector<16x512xf32>
    %add3A_74 = arith.addf %add3A_69, %mul3A_73 : vector<16x512xf32>
    %slice3A_75 = vector.extract_strided_slice %add3A_26 {offsets = [160, 0], sizes = [16, 512], strides = [1, 1]} : vector<256x4096xf32> to vector<16x512xf32>
    %slice3A_76 = vector.extract_strided_slice %transpose3A {offsets = [10, 0], sizes = [1, 512], strides = [1, 1]} : vector<128x512xf32> to vector<1x512xf32>
    %mul3A_77 = vector.broadcast %slice3A_76 : vector<1x512xf32> to vector<16x512xf32>
    %mul3A_78 = arith.mulf %slice3A_75, %mul3A_77 : vector<16x512xf32>
    %add3A_79 = arith.addf %add3A_74, %mul3A_78 : vector<16x512xf32>
    %slice3A_80 = vector.extract_strided_slice %add3A_26 {offsets = [176, 0], sizes = [16, 512], strides = [1, 1]} : vector<256x4096xf32> to vector<16x512xf32>
    %slice3A_81 = vector.extract_strided_slice %transpose3A {offsets = [11, 0], sizes = [1, 512], strides = [1, 1]} : vector<128x512xf32> to vector<1x512xf32>
    %mul3A_82 = vector.broadcast %slice3A_81 : vector<1x512xf32> to vector<16x512xf32>
    %mul3A_83 = arith.mulf %slice3A_80, %mul3A_82 : vector<16x512xf32>
    %add3A_84 = arith.addf %add3A_79, %mul3A_83 : vector<16x512xf32>
    %slice3A_85 = vector.extract_strided_slice %add3A_26 {offsets = [192, 0], sizes = [16, 512], strides = [1, 1]} : vector<256x4096xf32> to vector<16x512xf32>
    %slice3A_86 = vector.extract_strided_slice %transpose3A {offsets = [12, 0], sizes = [1, 512], strides = [1, 1]} : vector<128x512xf32> to vector<1x512xf32>
    %mul3A_87 = vector.broadcast %slice3A_86 : vector<1x512xf32> to vector<16x512xf32>
    %mul3A_88 = arith.mulf %slice3A_85, %mul3A_87 : vector<16x512xf32>
    %add3A_89 = arith.addf %add3A_84, %mul3A_88 : vector<16x512xf32>
    %slice3A_90 = vector.extract_strided_slice %add3A_26 {offsets = [208, 0], sizes = [16, 512], strides = [1, 1]} : vector<256x4096xf32> to vector<16x512xf32>
    %slice3A_91 = vector.extract_strided_slice %transpose3A {offsets = [13, 0], sizes = [1, 512], strides = [1, 1]} : vector<128x512xf32> to vector<1x512xf32>
    %mul3A_92 = vector.broadcast %slice3A_91 : vector<1x512xf32> to vector<16x512xf32>
    %mul3A_93 = arith.mulf %slice3A_90, %mul3A_92 : vector<16x512xf32>
    %add3A_94 = arith.addf %add3A_89, %mul3A_93 : vector<16x512xf32>
    %slice3A_95 = vector.extract_strided_slice %add3A_26 {offsets = [224, 0], sizes = [16, 512], strides = [1, 1]} : vector<256x4096xf32> to vector<16x512xf32>
    %slice3A_96 = vector.extract_strided_slice %transpose3A {offsets = [14, 0], sizes = [1, 512], strides = [1, 1]} : vector<128x512xf32> to vector<1x512xf32>
    %mul3A_97 = vector.broadcast %slice3A_96 : vector<1x512xf32> to vector<16x512xf32>
    %mul3A_98 = arith.mulf %slice3A_95, %mul3A_97 : vector<16x512xf32>
    %add3A_99 = arith.addf %add3A_94, %mul3A_98 : vector<16x512xf32>
    %slice3A_100 = vector.extract_strided_slice %add3A_26 {offsets = [240, 0], sizes = [16, 512], strides = [1, 1]} : vector<256x4096xf32> to vector<16x512xf32>
    %slice3A_101 = vector.extract_strided_slice %transpose3A {offsets = [15, 0], sizes = [1, 512], strides = [1, 1]} : vector<128x512xf32> to vector<1x512xf32>
    %mul3A_102 = vector.broadcast %slice3A_101 : vector<1x512xf32> to vector<16x512xf32>
    %mul3A_103 = arith.mulf %slice3A_100, %mul3A_102 : vector<16x512xf32>
    %add3A_104 = arith.addf %add3A_99, %mul3A_103 : vector<16x512xf32>
    %slice3A_105 = vector.extract_strided_slice %add3A_26 {offsets = [0, 512], sizes = [16, 512], strides = [1, 1]} : vector<256x4096xf32> to vector<16x512xf32>
    %slice3A_106 = vector.extract_strided_slice %transpose3A {offsets = [16, 0], sizes = [1, 512], strides = [1, 1]} : vector<128x512xf32> to vector<1x512xf32>
    %mul3A_107 = vector.broadcast %slice3A_106 : vector<1x512xf32> to vector<16x512xf32>
    %mul3A_108 = arith.mulf %slice3A_105, %mul3A_107 : vector<16x512xf32>
    %slice3A_109 = vector.extract_strided_slice %add3A_26 {offsets = [16, 512], sizes = [16, 512], strides = [1, 1]} : vector<256x4096xf32> to vector<16x512xf32>
    %slice3A_110 = vector.extract_strided_slice %transpose3A {offsets = [17, 0], sizes = [1, 512], strides = [1, 1]} : vector<128x512xf32> to vector<1x512xf32>
    %mul3A_111 = vector.broadcast %slice3A_110 : vector<1x512xf32> to vector<16x512xf32>
    %mul3A_112 = arith.mulf %slice3A_109, %mul3A_111 : vector<16x512xf32>
    %add3A_113 = arith.addf %mul3A_108, %mul3A_112 : vector<16x512xf32>
    %slice3A_114 = vector.extract_strided_slice %add3A_26 {offsets = [32, 512], sizes = [16, 512], strides = [1, 1]} : vector<256x4096xf32> to vector<16x512xf32>
    %slice3A_115 = vector.extract_strided_slice %transpose3A {offsets = [18, 0], sizes = [1, 512], strides = [1, 1]} : vector<128x512xf32> to vector<1x512xf32>
    %mul3A_116 = vector.broadcast %slice3A_115 : vector<1x512xf32> to vector<16x512xf32>
    %mul3A_117 = arith.mulf %slice3A_114, %mul3A_116 : vector<16x512xf32>
    %add3A_118 = arith.addf %add3A_113, %mul3A_117 : vector<16x512xf32>
    %slice3A_119 = vector.extract_strided_slice %add3A_26 {offsets = [48, 512], sizes = [16, 512], strides = [1, 1]} : vector<256x4096xf32> to vector<16x512xf32>
    %slice3A_120 = vector.extract_strided_slice %transpose3A {offsets = [19, 0], sizes = [1, 512], strides = [1, 1]} : vector<128x512xf32> to vector<1x512xf32>
    %mul3A_121 = vector.broadcast %slice3A_120 : vector<1x512xf32> to vector<16x512xf32>
    %mul3A_122 = arith.mulf %slice3A_119, %mul3A_121 : vector<16x512xf32>
    %add3A_123 = arith.addf %add3A_118, %mul3A_122 : vector<16x512xf32>
    %slice3A_124 = vector.extract_strided_slice %add3A_26 {offsets = [64, 512], sizes = [16, 512], strides = [1, 1]} : vector<256x4096xf32> to vector<16x512xf32>
    %slice3A_125 = vector.extract_strided_slice %transpose3A {offsets = [20, 0], sizes = [1, 512], strides = [1, 1]} : vector<128x512xf32> to vector<1x512xf32>
    %mul3A_126 = vector.broadcast %slice3A_125 : vector<1x512xf32> to vector<16x512xf32>
    %mul3A_127 = arith.mulf %slice3A_124, %mul3A_126 : vector<16x512xf32>
    %add3A_128 = arith.addf %add3A_123, %mul3A_127 : vector<16x512xf32>
    %slice3A_129 = vector.extract_strided_slice %add3A_26 {offsets = [80, 512], sizes = [16, 512], strides = [1, 1]} : vector<256x4096xf32> to vector<16x512xf32>
    %slice3A_130 = vector.extract_strided_slice %transpose3A {offsets = [21, 0], sizes = [1, 512], strides = [1, 1]} : vector<128x512xf32> to vector<1x512xf32>
    %mul3A_131 = vector.broadcast %slice3A_130 : vector<1x512xf32> to vector<16x512xf32>
    %mul3A_132 = arith.mulf %slice3A_129, %mul3A_131 : vector<16x512xf32>
    %add3A_133 = arith.addf %add3A_128, %mul3A_132 : vector<16x512xf32>
    %slice3A_134 = vector.extract_strided_slice %add3A_26 {offsets = [96, 512], sizes = [16, 512], strides = [1, 1]} : vector<256x4096xf32> to vector<16x512xf32>
    %slice3A_135 = vector.extract_strided_slice %transpose3A {offsets = [22, 0], sizes = [1, 512], strides = [1, 1]} : vector<128x512xf32> to vector<1x512xf32>
    %mul3A_136 = vector.broadcast %slice3A_135 : vector<1x512xf32> to vector<16x512xf32>
    %mul3A_137 = arith.mulf %slice3A_134, %mul3A_136 : vector<16x512xf32>
    %add3A_138 = arith.addf %add3A_133, %mul3A_137 : vector<16x512xf32>
    %slice3A_139 = vector.extract_strided_slice %add3A_26 {offsets = [112, 512], sizes = [16, 512], strides = [1, 1]} : vector<256x4096xf32> to vector<16x512xf32>
    %slice3A_140 = vector.extract_strided_slice %transpose3A {offsets = [23, 0], sizes = [1, 512], strides = [1, 1]} : vector<128x512xf32> to vector<1x512xf32>
    %mul3A_141 = vector.broadcast %slice3A_140 : vector<1x512xf32> to vector<16x512xf32>
    %mul3A_142 = arith.mulf %slice3A_139, %mul3A_141 : vector<16x512xf32>
    %add3A_143 = arith.addf %add3A_138, %mul3A_142 : vector<16x512xf32>
    %slice3A_144 = vector.extract_strided_slice %add3A_26 {offsets = [128, 512], sizes = [16, 512], strides = [1, 1]} : vector<256x4096xf32> to vector<16x512xf32>
    %slice3A_145 = vector.extract_strided_slice %transpose3A {offsets = [24, 0], sizes = [1, 512], strides = [1, 1]} : vector<128x512xf32> to vector<1x512xf32>
    %mul3A_146 = vector.broadcast %slice3A_145 : vector<1x512xf32> to vector<16x512xf32>
    %mul3A_147 = arith.mulf %slice3A_144, %mul3A_146 : vector<16x512xf32>
    %add3A_148 = arith.addf %add3A_143, %mul3A_147 : vector<16x512xf32>
    %slice3A_149 = vector.extract_strided_slice %add3A_26 {offsets = [144, 512], sizes = [16, 512], strides = [1, 1]} : vector<256x4096xf32> to vector<16x512xf32>
    %slice3A_150 = vector.extract_strided_slice %transpose3A {offsets = [25, 0], sizes = [1, 512], strides = [1, 1]} : vector<128x512xf32> to vector<1x512xf32>
    %mul3A_151 = vector.broadcast %slice3A_150 : vector<1x512xf32> to vector<16x512xf32>
    %mul3A_152 = arith.mulf %slice3A_149, %mul3A_151 : vector<16x512xf32>
    %add3A_153 = arith.addf %add3A_148, %mul3A_152 : vector<16x512xf32>
    %slice3A_154 = vector.extract_strided_slice %add3A_26 {offsets = [160, 512], sizes = [16, 512], strides = [1, 1]} : vector<256x4096xf32> to vector<16x512xf32>
    %slice3A_155 = vector.extract_strided_slice %transpose3A {offsets = [26, 0], sizes = [1, 512], strides = [1, 1]} : vector<128x512xf32> to vector<1x512xf32>
    %mul3A_156 = vector.broadcast %slice3A_155 : vector<1x512xf32> to vector<16x512xf32>
    %mul3A_157 = arith.mulf %slice3A_154, %mul3A_156 : vector<16x512xf32>
    %add3A_158 = arith.addf %add3A_153, %mul3A_157 : vector<16x512xf32>
    %slice3A_159 = vector.extract_strided_slice %add3A_26 {offsets = [176, 512], sizes = [16, 512], strides = [1, 1]} : vector<256x4096xf32> to vector<16x512xf32>
    %slice3A_160 = vector.extract_strided_slice %transpose3A {offsets = [27, 0], sizes = [1, 512], strides = [1, 1]} : vector<128x512xf32> to vector<1x512xf32>
    %mul3A_161 = vector.broadcast %slice3A_160 : vector<1x512xf32> to vector<16x512xf32>
    %mul3A_162 = arith.mulf %slice3A_159, %mul3A_161 : vector<16x512xf32>
    %add3A_163 = arith.addf %add3A_158, %mul3A_162 : vector<16x512xf32>
    %slice3A_164 = vector.extract_strided_slice %add3A_26 {offsets = [192, 512], sizes = [16, 512], strides = [1, 1]} : vector<256x4096xf32> to vector<16x512xf32>
    %slice3A_165 = vector.extract_strided_slice %transpose3A {offsets = [28, 0], sizes = [1, 512], strides = [1, 1]} : vector<128x512xf32> to vector<1x512xf32>
    %mul3A_166 = vector.broadcast %slice3A_165 : vector<1x512xf32> to vector<16x512xf32>
    %mul3A_167 = arith.mulf %slice3A_164, %mul3A_166 : vector<16x512xf32>
    %add3A_168 = arith.addf %add3A_163, %mul3A_167 : vector<16x512xf32>
    %slice3A_169 = vector.extract_strided_slice %add3A_26 {offsets = [208, 512], sizes = [16, 512], strides = [1, 1]} : vector<256x4096xf32> to vector<16x512xf32>
    %slice3A_170 = vector.extract_strided_slice %transpose3A {offsets = [29, 0], sizes = [1, 512], strides = [1, 1]} : vector<128x512xf32> to vector<1x512xf32>
    %mul3A_171 = vector.broadcast %slice3A_170 : vector<1x512xf32> to vector<16x512xf32>
    %mul3A_172 = arith.mulf %slice3A_169, %mul3A_171 : vector<16x512xf32>
    %add3A_173 = arith.addf %add3A_168, %mul3A_172 : vector<16x512xf32>
    %slice3A_174 = vector.extract_strided_slice %add3A_26 {offsets = [224, 512], sizes = [16, 512], strides = [1, 1]} : vector<256x4096xf32> to vector<16x512xf32>
    %slice3A_175 = vector.extract_strided_slice %transpose3A {offsets = [30, 0], sizes = [1, 512], strides = [1, 1]} : vector<128x512xf32> to vector<1x512xf32>
    %mul3A_176 = vector.broadcast %slice3A_175 : vector<1x512xf32> to vector<16x512xf32>
    %mul3A_177 = arith.mulf %slice3A_174, %mul3A_176 : vector<16x512xf32>
    %add3A_178 = arith.addf %add3A_173, %mul3A_177 : vector<16x512xf32>
    %slice3A_179 = vector.extract_strided_slice %add3A_26 {offsets = [240, 512], sizes = [16, 512], strides = [1, 1]} : vector<256x4096xf32> to vector<16x512xf32>
    %slice3A_180 = vector.extract_strided_slice %transpose3A {offsets = [31, 0], sizes = [1, 512], strides = [1, 1]} : vector<128x512xf32> to vector<1x512xf32>
    %mul3A_181 = vector.broadcast %slice3A_180 : vector<1x512xf32> to vector<16x512xf32>
    %mul3A_182 = arith.mulf %slice3A_179, %mul3A_181 : vector<16x512xf32>
    %add3A_183 = arith.addf %add3A_178, %mul3A_182 : vector<16x512xf32>
    %slice3A_184 = vector.extract_strided_slice %add3A_26 {offsets = [0, 1024], sizes = [16, 512], strides = [1, 1]} : vector<256x4096xf32> to vector<16x512xf32>
    %slice3A_185 = vector.extract_strided_slice %transpose3A {offsets = [32, 0], sizes = [1, 512], strides = [1, 1]} : vector<128x512xf32> to vector<1x512xf32>
    %mul3A_186 = vector.broadcast %slice3A_185 : vector<1x512xf32> to vector<16x512xf32>
    %mul3A_187 = arith.mulf %slice3A_184, %mul3A_186 : vector<16x512xf32>
    %slice3A_188 = vector.extract_strided_slice %add3A_26 {offsets = [16, 1024], sizes = [16, 512], strides = [1, 1]} : vector<256x4096xf32> to vector<16x512xf32>
    %slice3A_189 = vector.extract_strided_slice %transpose3A {offsets = [33, 0], sizes = [1, 512], strides = [1, 1]} : vector<128x512xf32> to vector<1x512xf32>
    %mul3A_190 = vector.broadcast %slice3A_189 : vector<1x512xf32> to vector<16x512xf32>
    %mul3A_191 = arith.mulf %slice3A_188, %mul3A_190 : vector<16x512xf32>
    %add3A_192 = arith.addf %mul3A_187, %mul3A_191 : vector<16x512xf32>
    %slice3A_193 = vector.extract_strided_slice %add3A_26 {offsets = [32, 1024], sizes = [16, 512], strides = [1, 1]} : vector<256x4096xf32> to vector<16x512xf32>
    %slice3A_194 = vector.extract_strided_slice %transpose3A {offsets = [34, 0], sizes = [1, 512], strides = [1, 1]} : vector<128x512xf32> to vector<1x512xf32>
    %mul3A_195 = vector.broadcast %slice3A_194 : vector<1x512xf32> to vector<16x512xf32>
    %mul3A_196 = arith.mulf %slice3A_193, %mul3A_195 : vector<16x512xf32>
    %add3A_197 = arith.addf %add3A_192, %mul3A_196 : vector<16x512xf32>
    %slice3A_198 = vector.extract_strided_slice %add3A_26 {offsets = [48, 1024], sizes = [16, 512], strides = [1, 1]} : vector<256x4096xf32> to vector<16x512xf32>
    %slice3A_199 = vector.extract_strided_slice %transpose3A {offsets = [35, 0], sizes = [1, 512], strides = [1, 1]} : vector<128x512xf32> to vector<1x512xf32>
    %mul3A_200 = vector.broadcast %slice3A_199 : vector<1x512xf32> to vector<16x512xf32>
    %mul3A_201 = arith.mulf %slice3A_198, %mul3A_200 : vector<16x512xf32>
    %add3A_202 = arith.addf %add3A_197, %mul3A_201 : vector<16x512xf32>
    %slice3A_203 = vector.extract_strided_slice %add3A_26 {offsets = [64, 1024], sizes = [16, 512], strides = [1, 1]} : vector<256x4096xf32> to vector<16x512xf32>
    %slice3A_204 = vector.extract_strided_slice %transpose3A {offsets = [36, 0], sizes = [1, 512], strides = [1, 1]} : vector<128x512xf32> to vector<1x512xf32>
    %mul3A_205 = vector.broadcast %slice3A_204 : vector<1x512xf32> to vector<16x512xf32>
    %mul3A_206 = arith.mulf %slice3A_203, %mul3A_205 : vector<16x512xf32>
    %add3A_207 = arith.addf %add3A_202, %mul3A_206 : vector<16x512xf32>
    %slice3A_208 = vector.extract_strided_slice %add3A_26 {offsets = [80, 1024], sizes = [16, 512], strides = [1, 1]} : vector<256x4096xf32> to vector<16x512xf32>
    %slice3A_209 = vector.extract_strided_slice %transpose3A {offsets = [37, 0], sizes = [1, 512], strides = [1, 1]} : vector<128x512xf32> to vector<1x512xf32>
    %mul3A_210 = vector.broadcast %slice3A_209 : vector<1x512xf32> to vector<16x512xf32>
    %mul3A_211 = arith.mulf %slice3A_208, %mul3A_210 : vector<16x512xf32>
    %add3A_212 = arith.addf %add3A_207, %mul3A_211 : vector<16x512xf32>
    %slice3A_213 = vector.extract_strided_slice %add3A_26 {offsets = [96, 1024], sizes = [16, 512], strides = [1, 1]} : vector<256x4096xf32> to vector<16x512xf32>
    %slice3A_214 = vector.extract_strided_slice %transpose3A {offsets = [38, 0], sizes = [1, 512], strides = [1, 1]} : vector<128x512xf32> to vector<1x512xf32>
    %mul3A_215 = vector.broadcast %slice3A_214 : vector<1x512xf32> to vector<16x512xf32>
    %mul3A_216 = arith.mulf %slice3A_213, %mul3A_215 : vector<16x512xf32>
    %add3A_217 = arith.addf %add3A_212, %mul3A_216 : vector<16x512xf32>
    %slice3A_218 = vector.extract_strided_slice %add3A_26 {offsets = [112, 1024], sizes = [16, 512], strides = [1, 1]} : vector<256x4096xf32> to vector<16x512xf32>
    %slice3A_219 = vector.extract_strided_slice %transpose3A {offsets = [39, 0], sizes = [1, 512], strides = [1, 1]} : vector<128x512xf32> to vector<1x512xf32>
    %mul3A_220 = vector.broadcast %slice3A_219 : vector<1x512xf32> to vector<16x512xf32>
    %mul3A_221 = arith.mulf %slice3A_218, %mul3A_220 : vector<16x512xf32>
    %add3A_222 = arith.addf %add3A_217, %mul3A_221 : vector<16x512xf32>
    %slice3A_223 = vector.extract_strided_slice %add3A_26 {offsets = [128, 1024], sizes = [16, 512], strides = [1, 1]} : vector<256x4096xf32> to vector<16x512xf32>
    %slice3A_224 = vector.extract_strided_slice %transpose3A {offsets = [40, 0], sizes = [1, 512], strides = [1, 1]} : vector<128x512xf32> to vector<1x512xf32>
    %mul3A_225 = vector.broadcast %slice3A_224 : vector<1x512xf32> to vector<16x512xf32>
    %mul3A_226 = arith.mulf %slice3A_223, %mul3A_225 : vector<16x512xf32>
    %add3A_227 = arith.addf %add3A_222, %mul3A_226 : vector<16x512xf32>
    %slice3A_228 = vector.extract_strided_slice %add3A_26 {offsets = [144, 1024], sizes = [16, 512], strides = [1, 1]} : vector<256x4096xf32> to vector<16x512xf32>
    %slice3A_229 = vector.extract_strided_slice %transpose3A {offsets = [41, 0], sizes = [1, 512], strides = [1, 1]} : vector<128x512xf32> to vector<1x512xf32>
    %mul3A_230 = vector.broadcast %slice3A_229 : vector<1x512xf32> to vector<16x512xf32>
    %mul3A_231 = arith.mulf %slice3A_228, %mul3A_230 : vector<16x512xf32>
    %add3A_232 = arith.addf %add3A_227, %mul3A_231 : vector<16x512xf32>
    %slice3A_233 = vector.extract_strided_slice %add3A_26 {offsets = [160, 1024], sizes = [16, 512], strides = [1, 1]} : vector<256x4096xf32> to vector<16x512xf32>
    %slice3A_234 = vector.extract_strided_slice %transpose3A {offsets = [42, 0], sizes = [1, 512], strides = [1, 1]} : vector<128x512xf32> to vector<1x512xf32>
    %mul3A_235 = vector.broadcast %slice3A_234 : vector<1x512xf32> to vector<16x512xf32>
    %mul3A_236 = arith.mulf %slice3A_233, %mul3A_235 : vector<16x512xf32>
    %add3A_237 = arith.addf %add3A_232, %mul3A_236 : vector<16x512xf32>
    %slice3A_238 = vector.extract_strided_slice %add3A_26 {offsets = [176, 1024], sizes = [16, 512], strides = [1, 1]} : vector<256x4096xf32> to vector<16x512xf32>
    %slice3A_239 = vector.extract_strided_slice %transpose3A {offsets = [43, 0], sizes = [1, 512], strides = [1, 1]} : vector<128x512xf32> to vector<1x512xf32>
    %mul3A_240 = vector.broadcast %slice3A_239 : vector<1x512xf32> to vector<16x512xf32>
    %mul3A_241 = arith.mulf %slice3A_238, %mul3A_240 : vector<16x512xf32>
    %add3A_242 = arith.addf %add3A_237, %mul3A_241 : vector<16x512xf32>
    %slice3A_243 = vector.extract_strided_slice %add3A_26 {offsets = [192, 1024], sizes = [16, 512], strides = [1, 1]} : vector<256x4096xf32> to vector<16x512xf32>
    %slice3A_244 = vector.extract_strided_slice %transpose3A {offsets = [44, 0], sizes = [1, 512], strides = [1, 1]} : vector<128x512xf32> to vector<1x512xf32>
    %mul3A_245 = vector.broadcast %slice3A_244 : vector<1x512xf32> to vector<16x512xf32>
    %mul3A_246 = arith.mulf %slice3A_243, %mul3A_245 : vector<16x512xf32>
    %add3A_247 = arith.addf %add3A_242, %mul3A_246 : vector<16x512xf32>
    %slice3A_248 = vector.extract_strided_slice %add3A_26 {offsets = [208, 1024], sizes = [16, 512], strides = [1, 1]} : vector<256x4096xf32> to vector<16x512xf32>
    %slice3A_249 = vector.extract_strided_slice %transpose3A {offsets = [45, 0], sizes = [1, 512], strides = [1, 1]} : vector<128x512xf32> to vector<1x512xf32>
    %mul3A_250 = vector.broadcast %slice3A_249 : vector<1x512xf32> to vector<16x512xf32>
    %mul3A_251 = arith.mulf %slice3A_248, %mul3A_250 : vector<16x512xf32>
    %add3A_252 = arith.addf %add3A_247, %mul3A_251 : vector<16x512xf32>
    %slice3A_253 = vector.extract_strided_slice %add3A_26 {offsets = [224, 1024], sizes = [16, 512], strides = [1, 1]} : vector<256x4096xf32> to vector<16x512xf32>
    %slice3A_254 = vector.extract_strided_slice %transpose3A {offsets = [46, 0], sizes = [1, 512], strides = [1, 1]} : vector<128x512xf32> to vector<1x512xf32>
    %mul3A_255 = vector.broadcast %slice3A_254 : vector<1x512xf32> to vector<16x512xf32>
    %mul3A_256 = arith.mulf %slice3A_253, %mul3A_255 : vector<16x512xf32>
    %add3A_257 = arith.addf %add3A_252, %mul3A_256 : vector<16x512xf32>
    %slice3A_258 = vector.extract_strided_slice %add3A_26 {offsets = [240, 1024], sizes = [16, 512], strides = [1, 1]} : vector<256x4096xf32> to vector<16x512xf32>
    %slice3A_259 = vector.extract_strided_slice %transpose3A {offsets = [47, 0], sizes = [1, 512], strides = [1, 1]} : vector<128x512xf32> to vector<1x512xf32>
    %mul3A_260 = vector.broadcast %slice3A_259 : vector<1x512xf32> to vector<16x512xf32>
    %mul3A_261 = arith.mulf %slice3A_258, %mul3A_260 : vector<16x512xf32>
    %add3A_262 = arith.addf %add3A_257, %mul3A_261 : vector<16x512xf32>
    %slice3A_263 = vector.extract_strided_slice %add3A_26 {offsets = [0, 1536], sizes = [16, 512], strides = [1, 1]} : vector<256x4096xf32> to vector<16x512xf32>
    %slice3A_264 = vector.extract_strided_slice %transpose3A {offsets = [48, 0], sizes = [1, 512], strides = [1, 1]} : vector<128x512xf32> to vector<1x512xf32>
    %mul3A_265 = vector.broadcast %slice3A_264 : vector<1x512xf32> to vector<16x512xf32>
    %mul3A_266 = arith.mulf %slice3A_263, %mul3A_265 : vector<16x512xf32>
    %slice3A_267 = vector.extract_strided_slice %add3A_26 {offsets = [16, 1536], sizes = [16, 512], strides = [1, 1]} : vector<256x4096xf32> to vector<16x512xf32>
    %slice3A_268 = vector.extract_strided_slice %transpose3A {offsets = [49, 0], sizes = [1, 512], strides = [1, 1]} : vector<128x512xf32> to vector<1x512xf32>
    %mul3A_269 = vector.broadcast %slice3A_268 : vector<1x512xf32> to vector<16x512xf32>
    %mul3A_270 = arith.mulf %slice3A_267, %mul3A_269 : vector<16x512xf32>
    %add3A_271 = arith.addf %mul3A_266, %mul3A_270 : vector<16x512xf32>
    %slice3A_272 = vector.extract_strided_slice %add3A_26 {offsets = [32, 1536], sizes = [16, 512], strides = [1, 1]} : vector<256x4096xf32> to vector<16x512xf32>
    %slice3A_273 = vector.extract_strided_slice %transpose3A {offsets = [50, 0], sizes = [1, 512], strides = [1, 1]} : vector<128x512xf32> to vector<1x512xf32>
    %mul3A_274 = vector.broadcast %slice3A_273 : vector<1x512xf32> to vector<16x512xf32>
    %mul3A_275 = arith.mulf %slice3A_272, %mul3A_274 : vector<16x512xf32>
    %add3A_276 = arith.addf %add3A_271, %mul3A_275 : vector<16x512xf32>
    %slice3A_277 = vector.extract_strided_slice %add3A_26 {offsets = [48, 1536], sizes = [16, 512], strides = [1, 1]} : vector<256x4096xf32> to vector<16x512xf32>
    %slice3A_278 = vector.extract_strided_slice %transpose3A {offsets = [51, 0], sizes = [1, 512], strides = [1, 1]} : vector<128x512xf32> to vector<1x512xf32>
    %mul3A_279 = vector.broadcast %slice3A_278 : vector<1x512xf32> to vector<16x512xf32>
    %mul3A_280 = arith.mulf %slice3A_277, %mul3A_279 : vector<16x512xf32>
    %add3A_281 = arith.addf %add3A_276, %mul3A_280 : vector<16x512xf32>
    %slice3A_282 = vector.extract_strided_slice %add3A_26 {offsets = [64, 1536], sizes = [16, 512], strides = [1, 1]} : vector<256x4096xf32> to vector<16x512xf32>
    %slice3A_283 = vector.extract_strided_slice %transpose3A {offsets = [52, 0], sizes = [1, 512], strides = [1, 1]} : vector<128x512xf32> to vector<1x512xf32>
    %mul3A_284 = vector.broadcast %slice3A_283 : vector<1x512xf32> to vector<16x512xf32>
    %mul3A_285 = arith.mulf %slice3A_282, %mul3A_284 : vector<16x512xf32>
    %add3A_286 = arith.addf %add3A_281, %mul3A_285 : vector<16x512xf32>
    %slice3A_287 = vector.extract_strided_slice %add3A_26 {offsets = [80, 1536], sizes = [16, 512], strides = [1, 1]} : vector<256x4096xf32> to vector<16x512xf32>
    %slice3A_288 = vector.extract_strided_slice %transpose3A {offsets = [53, 0], sizes = [1, 512], strides = [1, 1]} : vector<128x512xf32> to vector<1x512xf32>
    %mul3A_289 = vector.broadcast %slice3A_288 : vector<1x512xf32> to vector<16x512xf32>
    %mul3A_290 = arith.mulf %slice3A_287, %mul3A_289 : vector<16x512xf32>
    %add3A_291 = arith.addf %add3A_286, %mul3A_290 : vector<16x512xf32>
    %slice3A_292 = vector.extract_strided_slice %add3A_26 {offsets = [96, 1536], sizes = [16, 512], strides = [1, 1]} : vector<256x4096xf32> to vector<16x512xf32>
    %slice3A_293 = vector.extract_strided_slice %transpose3A {offsets = [54, 0], sizes = [1, 512], strides = [1, 1]} : vector<128x512xf32> to vector<1x512xf32>
    %mul3A_294 = vector.broadcast %slice3A_293 : vector<1x512xf32> to vector<16x512xf32>
    %mul3A_295 = arith.mulf %slice3A_292, %mul3A_294 : vector<16x512xf32>
    %add3A_296 = arith.addf %add3A_291, %mul3A_295 : vector<16x512xf32>
    %slice3A_297 = vector.extract_strided_slice %add3A_26 {offsets = [112, 1536], sizes = [16, 512], strides = [1, 1]} : vector<256x4096xf32> to vector<16x512xf32>
    %slice3A_298 = vector.extract_strided_slice %transpose3A {offsets = [55, 0], sizes = [1, 512], strides = [1, 1]} : vector<128x512xf32> to vector<1x512xf32>
    %mul3A_299 = vector.broadcast %slice3A_298 : vector<1x512xf32> to vector<16x512xf32>
    %mul3A_300 = arith.mulf %slice3A_297, %mul3A_299 : vector<16x512xf32>
    %add3A_301 = arith.addf %add3A_296, %mul3A_300 : vector<16x512xf32>
    %slice3A_302 = vector.extract_strided_slice %add3A_26 {offsets = [128, 1536], sizes = [16, 512], strides = [1, 1]} : vector<256x4096xf32> to vector<16x512xf32>
    %slice3A_303 = vector.extract_strided_slice %transpose3A {offsets = [56, 0], sizes = [1, 512], strides = [1, 1]} : vector<128x512xf32> to vector<1x512xf32>
    %mul3A_304 = vector.broadcast %slice3A_303 : vector<1x512xf32> to vector<16x512xf32>
    %mul3A_305 = arith.mulf %slice3A_302, %mul3A_304 : vector<16x512xf32>
    %add3A_306 = arith.addf %add3A_301, %mul3A_305 : vector<16x512xf32>
    %slice3A_307 = vector.extract_strided_slice %add3A_26 {offsets = [144, 1536], sizes = [16, 512], strides = [1, 1]} : vector<256x4096xf32> to vector<16x512xf32>
    %slice3A_308 = vector.extract_strided_slice %transpose3A {offsets = [57, 0], sizes = [1, 512], strides = [1, 1]} : vector<128x512xf32> to vector<1x512xf32>
    %mul3A_309 = vector.broadcast %slice3A_308 : vector<1x512xf32> to vector<16x512xf32>
    %mul3A_310 = arith.mulf %slice3A_307, %mul3A_309 : vector<16x512xf32>
    %add3A_311 = arith.addf %add3A_306, %mul3A_310 : vector<16x512xf32>
    %slice3A_312 = vector.extract_strided_slice %add3A_26 {offsets = [160, 1536], sizes = [16, 512], strides = [1, 1]} : vector<256x4096xf32> to vector<16x512xf32>
    %slice3A_313 = vector.extract_strided_slice %transpose3A {offsets = [58, 0], sizes = [1, 512], strides = [1, 1]} : vector<128x512xf32> to vector<1x512xf32>
    %mul3A_314 = vector.broadcast %slice3A_313 : vector<1x512xf32> to vector<16x512xf32>
    %mul3A_315 = arith.mulf %slice3A_312, %mul3A_314 : vector<16x512xf32>
    %add3A_316 = arith.addf %add3A_311, %mul3A_315 : vector<16x512xf32>
    %slice3A_317 = vector.extract_strided_slice %add3A_26 {offsets = [176, 1536], sizes = [16, 512], strides = [1, 1]} : vector<256x4096xf32> to vector<16x512xf32>
    %slice3A_318 = vector.extract_strided_slice %transpose3A {offsets = [59, 0], sizes = [1, 512], strides = [1, 1]} : vector<128x512xf32> to vector<1x512xf32>
    %mul3A_319 = vector.broadcast %slice3A_318 : vector<1x512xf32> to vector<16x512xf32>
    %mul3A_320 = arith.mulf %slice3A_317, %mul3A_319 : vector<16x512xf32>
    %add3A_321 = arith.addf %add3A_316, %mul3A_320 : vector<16x512xf32>
    %slice3A_322 = vector.extract_strided_slice %add3A_26 {offsets = [192, 1536], sizes = [16, 512], strides = [1, 1]} : vector<256x4096xf32> to vector<16x512xf32>
    %slice3A_323 = vector.extract_strided_slice %transpose3A {offsets = [60, 0], sizes = [1, 512], strides = [1, 1]} : vector<128x512xf32> to vector<1x512xf32>
    %mul3A_324 = vector.broadcast %slice3A_323 : vector<1x512xf32> to vector<16x512xf32>
    %mul3A_325 = arith.mulf %slice3A_322, %mul3A_324 : vector<16x512xf32>
    %add3A_326 = arith.addf %add3A_321, %mul3A_325 : vector<16x512xf32>
    %slice3A_327 = vector.extract_strided_slice %add3A_26 {offsets = [208, 1536], sizes = [16, 512], strides = [1, 1]} : vector<256x4096xf32> to vector<16x512xf32>
    %slice3A_328 = vector.extract_strided_slice %transpose3A {offsets = [61, 0], sizes = [1, 512], strides = [1, 1]} : vector<128x512xf32> to vector<1x512xf32>
    %mul3A_329 = vector.broadcast %slice3A_328 : vector<1x512xf32> to vector<16x512xf32>
    %mul3A_330 = arith.mulf %slice3A_327, %mul3A_329 : vector<16x512xf32>
    %add3A_331 = arith.addf %add3A_326, %mul3A_330 : vector<16x512xf32>
    %slice3A_332 = vector.extract_strided_slice %add3A_26 {offsets = [224, 1536], sizes = [16, 512], strides = [1, 1]} : vector<256x4096xf32> to vector<16x512xf32>
    %slice3A_333 = vector.extract_strided_slice %transpose3A {offsets = [62, 0], sizes = [1, 512], strides = [1, 1]} : vector<128x512xf32> to vector<1x512xf32>
    %mul3A_334 = vector.broadcast %slice3A_333 : vector<1x512xf32> to vector<16x512xf32>
    %mul3A_335 = arith.mulf %slice3A_332, %mul3A_334 : vector<16x512xf32>
    %add3A_336 = arith.addf %add3A_331, %mul3A_335 : vector<16x512xf32>
    %slice3A_337 = vector.extract_strided_slice %add3A_26 {offsets = [240, 1536], sizes = [16, 512], strides = [1, 1]} : vector<256x4096xf32> to vector<16x512xf32>
    %slice3A_338 = vector.extract_strided_slice %transpose3A {offsets = [63, 0], sizes = [1, 512], strides = [1, 1]} : vector<128x512xf32> to vector<1x512xf32>
    %mul3A_339 = vector.broadcast %slice3A_338 : vector<1x512xf32> to vector<16x512xf32>
    %mul3A_340 = arith.mulf %slice3A_337, %mul3A_339 : vector<16x512xf32>
    %add3A_341 = arith.addf %add3A_336, %mul3A_340 : vector<16x512xf32>
    %slice3A_342 = vector.extract_strided_slice %add3A_26 {offsets = [0, 2048], sizes = [16, 512], strides = [1, 1]} : vector<256x4096xf32> to vector<16x512xf32>
    %slice3A_343 = vector.extract_strided_slice %transpose3A {offsets = [64, 0], sizes = [1, 512], strides = [1, 1]} : vector<128x512xf32> to vector<1x512xf32>
    %mul3A_344 = vector.broadcast %slice3A_343 : vector<1x512xf32> to vector<16x512xf32>
    %mul3A_345 = arith.mulf %slice3A_342, %mul3A_344 : vector<16x512xf32>
    %slice3A_346 = vector.extract_strided_slice %add3A_26 {offsets = [16, 2048], sizes = [16, 512], strides = [1, 1]} : vector<256x4096xf32> to vector<16x512xf32>
    %slice3A_347 = vector.extract_strided_slice %transpose3A {offsets = [65, 0], sizes = [1, 512], strides = [1, 1]} : vector<128x512xf32> to vector<1x512xf32>
    %mul3A_348 = vector.broadcast %slice3A_347 : vector<1x512xf32> to vector<16x512xf32>
    %mul3A_349 = arith.mulf %slice3A_346, %mul3A_348 : vector<16x512xf32>
    %add3A_350 = arith.addf %mul3A_345, %mul3A_349 : vector<16x512xf32>
    %slice3A_351 = vector.extract_strided_slice %add3A_26 {offsets = [32, 2048], sizes = [16, 512], strides = [1, 1]} : vector<256x4096xf32> to vector<16x512xf32>
    %slice3A_352 = vector.extract_strided_slice %transpose3A {offsets = [66, 0], sizes = [1, 512], strides = [1, 1]} : vector<128x512xf32> to vector<1x512xf32>
    %mul3A_353 = vector.broadcast %slice3A_352 : vector<1x512xf32> to vector<16x512xf32>
    %mul3A_354 = arith.mulf %slice3A_351, %mul3A_353 : vector<16x512xf32>
    %add3A_355 = arith.addf %add3A_350, %mul3A_354 : vector<16x512xf32>
    %slice3A_356 = vector.extract_strided_slice %add3A_26 {offsets = [48, 2048], sizes = [16, 512], strides = [1, 1]} : vector<256x4096xf32> to vector<16x512xf32>
    %slice3A_357 = vector.extract_strided_slice %transpose3A {offsets = [67, 0], sizes = [1, 512], strides = [1, 1]} : vector<128x512xf32> to vector<1x512xf32>
    %mul3A_358 = vector.broadcast %slice3A_357 : vector<1x512xf32> to vector<16x512xf32>
    %mul3A_359 = arith.mulf %slice3A_356, %mul3A_358 : vector<16x512xf32>
    %add3A_360 = arith.addf %add3A_355, %mul3A_359 : vector<16x512xf32>
    %slice3A_361 = vector.extract_strided_slice %add3A_26 {offsets = [64, 2048], sizes = [16, 512], strides = [1, 1]} : vector<256x4096xf32> to vector<16x512xf32>
    %slice3A_362 = vector.extract_strided_slice %transpose3A {offsets = [68, 0], sizes = [1, 512], strides = [1, 1]} : vector<128x512xf32> to vector<1x512xf32>
    %mul3A_363 = vector.broadcast %slice3A_362 : vector<1x512xf32> to vector<16x512xf32>
    %mul3A_364 = arith.mulf %slice3A_361, %mul3A_363 : vector<16x512xf32>
    %add3A_365 = arith.addf %add3A_360, %mul3A_364 : vector<16x512xf32>
    %slice3A_366 = vector.extract_strided_slice %add3A_26 {offsets = [80, 2048], sizes = [16, 512], strides = [1, 1]} : vector<256x4096xf32> to vector<16x512xf32>
    %slice3A_367 = vector.extract_strided_slice %transpose3A {offsets = [69, 0], sizes = [1, 512], strides = [1, 1]} : vector<128x512xf32> to vector<1x512xf32>
    %mul3A_368 = vector.broadcast %slice3A_367 : vector<1x512xf32> to vector<16x512xf32>
    %mul3A_369 = arith.mulf %slice3A_366, %mul3A_368 : vector<16x512xf32>
    %add3A_370 = arith.addf %add3A_365, %mul3A_369 : vector<16x512xf32>
    %slice3A_371 = vector.extract_strided_slice %add3A_26 {offsets = [96, 2048], sizes = [16, 512], strides = [1, 1]} : vector<256x4096xf32> to vector<16x512xf32>
    %slice3A_372 = vector.extract_strided_slice %transpose3A {offsets = [70, 0], sizes = [1, 512], strides = [1, 1]} : vector<128x512xf32> to vector<1x512xf32>
    %mul3A_373 = vector.broadcast %slice3A_372 : vector<1x512xf32> to vector<16x512xf32>
    %mul3A_374 = arith.mulf %slice3A_371, %mul3A_373 : vector<16x512xf32>
    %add3A_375 = arith.addf %add3A_370, %mul3A_374 : vector<16x512xf32>
    %slice3A_376 = vector.extract_strided_slice %add3A_26 {offsets = [112, 2048], sizes = [16, 512], strides = [1, 1]} : vector<256x4096xf32> to vector<16x512xf32>
    %slice3A_377 = vector.extract_strided_slice %transpose3A {offsets = [71, 0], sizes = [1, 512], strides = [1, 1]} : vector<128x512xf32> to vector<1x512xf32>
    %mul3A_378 = vector.broadcast %slice3A_377 : vector<1x512xf32> to vector<16x512xf32>
    %mul3A_379 = arith.mulf %slice3A_376, %mul3A_378 : vector<16x512xf32>
    %add3A_380 = arith.addf %add3A_375, %mul3A_379 : vector<16x512xf32>
    %slice3A_381 = vector.extract_strided_slice %add3A_26 {offsets = [128, 2048], sizes = [16, 512], strides = [1, 1]} : vector<256x4096xf32> to vector<16x512xf32>
    %slice3A_382 = vector.extract_strided_slice %transpose3A {offsets = [72, 0], sizes = [1, 512], strides = [1, 1]} : vector<128x512xf32> to vector<1x512xf32>
    %mul3A_383 = vector.broadcast %slice3A_382 : vector<1x512xf32> to vector<16x512xf32>
    %mul3A_384 = arith.mulf %slice3A_381, %mul3A_383 : vector<16x512xf32>
    %add3A_385 = arith.addf %add3A_380, %mul3A_384 : vector<16x512xf32>
    %slice3A_386 = vector.extract_strided_slice %add3A_26 {offsets = [144, 2048], sizes = [16, 512], strides = [1, 1]} : vector<256x4096xf32> to vector<16x512xf32>
    %slice3A_387 = vector.extract_strided_slice %transpose3A {offsets = [73, 0], sizes = [1, 512], strides = [1, 1]} : vector<128x512xf32> to vector<1x512xf32>
    %mul3A_388 = vector.broadcast %slice3A_387 : vector<1x512xf32> to vector<16x512xf32>
    %mul3A_389 = arith.mulf %slice3A_386, %mul3A_388 : vector<16x512xf32>
    %add3A_390 = arith.addf %add3A_385, %mul3A_389 : vector<16x512xf32>
    %slice3A_391 = vector.extract_strided_slice %add3A_26 {offsets = [160, 2048], sizes = [16, 512], strides = [1, 1]} : vector<256x4096xf32> to vector<16x512xf32>
    %slice3A_392 = vector.extract_strided_slice %transpose3A {offsets = [74, 0], sizes = [1, 512], strides = [1, 1]} : vector<128x512xf32> to vector<1x512xf32>
    %mul3A_393 = vector.broadcast %slice3A_392 : vector<1x512xf32> to vector<16x512xf32>
    %mul3A_394 = arith.mulf %slice3A_391, %mul3A_393 : vector<16x512xf32>
    %add3A_395 = arith.addf %add3A_390, %mul3A_394 : vector<16x512xf32>
    %slice3A_396 = vector.extract_strided_slice %add3A_26 {offsets = [176, 2048], sizes = [16, 512], strides = [1, 1]} : vector<256x4096xf32> to vector<16x512xf32>
    %slice3A_397 = vector.extract_strided_slice %transpose3A {offsets = [75, 0], sizes = [1, 512], strides = [1, 1]} : vector<128x512xf32> to vector<1x512xf32>
    %mul3A_398 = vector.broadcast %slice3A_397 : vector<1x512xf32> to vector<16x512xf32>
    %mul3A_399 = arith.mulf %slice3A_396, %mul3A_398 : vector<16x512xf32>
    %add3A_400 = arith.addf %add3A_395, %mul3A_399 : vector<16x512xf32>
    %slice3A_401 = vector.extract_strided_slice %add3A_26 {offsets = [192, 2048], sizes = [16, 512], strides = [1, 1]} : vector<256x4096xf32> to vector<16x512xf32>
    %slice3A_402 = vector.extract_strided_slice %transpose3A {offsets = [76, 0], sizes = [1, 512], strides = [1, 1]} : vector<128x512xf32> to vector<1x512xf32>
    %mul3A_403 = vector.broadcast %slice3A_402 : vector<1x512xf32> to vector<16x512xf32>
    %mul3A_404 = arith.mulf %slice3A_401, %mul3A_403 : vector<16x512xf32>
    %add3A_405 = arith.addf %add3A_400, %mul3A_404 : vector<16x512xf32>
    %slice3A_406 = vector.extract_strided_slice %add3A_26 {offsets = [208, 2048], sizes = [16, 512], strides = [1, 1]} : vector<256x4096xf32> to vector<16x512xf32>
    %slice3A_407 = vector.extract_strided_slice %transpose3A {offsets = [77, 0], sizes = [1, 512], strides = [1, 1]} : vector<128x512xf32> to vector<1x512xf32>
    %mul3A_408 = vector.broadcast %slice3A_407 : vector<1x512xf32> to vector<16x512xf32>
    %mul3A_409 = arith.mulf %slice3A_406, %mul3A_408 : vector<16x512xf32>
    %add3A_410 = arith.addf %add3A_405, %mul3A_409 : vector<16x512xf32>
    %slice3A_411 = vector.extract_strided_slice %add3A_26 {offsets = [224, 2048], sizes = [16, 512], strides = [1, 1]} : vector<256x4096xf32> to vector<16x512xf32>
    %slice3A_412 = vector.extract_strided_slice %transpose3A {offsets = [78, 0], sizes = [1, 512], strides = [1, 1]} : vector<128x512xf32> to vector<1x512xf32>
    %mul3A_413 = vector.broadcast %slice3A_412 : vector<1x512xf32> to vector<16x512xf32>
    %mul3A_414 = arith.mulf %slice3A_411, %mul3A_413 : vector<16x512xf32>
    %add3A_415 = arith.addf %add3A_410, %mul3A_414 : vector<16x512xf32>
    %slice3A_416 = vector.extract_strided_slice %add3A_26 {offsets = [240, 2048], sizes = [16, 512], strides = [1, 1]} : vector<256x4096xf32> to vector<16x512xf32>
    %slice3A_417 = vector.extract_strided_slice %transpose3A {offsets = [79, 0], sizes = [1, 512], strides = [1, 1]} : vector<128x512xf32> to vector<1x512xf32>
    %mul3A_418 = vector.broadcast %slice3A_417 : vector<1x512xf32> to vector<16x512xf32>
    %mul3A_419 = arith.mulf %slice3A_416, %mul3A_418 : vector<16x512xf32>
    %add3A_420 = arith.addf %add3A_415, %mul3A_419 : vector<16x512xf32>
    %slice3A_421 = vector.extract_strided_slice %add3A_26 {offsets = [0, 2560], sizes = [16, 512], strides = [1, 1]} : vector<256x4096xf32> to vector<16x512xf32>
    %slice3A_422 = vector.extract_strided_slice %transpose3A {offsets = [80, 0], sizes = [1, 512], strides = [1, 1]} : vector<128x512xf32> to vector<1x512xf32>
    %mul3A_423 = vector.broadcast %slice3A_422 : vector<1x512xf32> to vector<16x512xf32>
    %mul3A_424 = arith.mulf %slice3A_421, %mul3A_423 : vector<16x512xf32>
    %slice3A_425 = vector.extract_strided_slice %add3A_26 {offsets = [16, 2560], sizes = [16, 512], strides = [1, 1]} : vector<256x4096xf32> to vector<16x512xf32>
    %slice3A_426 = vector.extract_strided_slice %transpose3A {offsets = [81, 0], sizes = [1, 512], strides = [1, 1]} : vector<128x512xf32> to vector<1x512xf32>
    %mul3A_427 = vector.broadcast %slice3A_426 : vector<1x512xf32> to vector<16x512xf32>
    %mul3A_428 = arith.mulf %slice3A_425, %mul3A_427 : vector<16x512xf32>
    %add3A_429 = arith.addf %mul3A_424, %mul3A_428 : vector<16x512xf32>
    %slice3A_430 = vector.extract_strided_slice %add3A_26 {offsets = [32, 2560], sizes = [16, 512], strides = [1, 1]} : vector<256x4096xf32> to vector<16x512xf32>
    %slice3A_431 = vector.extract_strided_slice %transpose3A {offsets = [82, 0], sizes = [1, 512], strides = [1, 1]} : vector<128x512xf32> to vector<1x512xf32>
    %mul3A_432 = vector.broadcast %slice3A_431 : vector<1x512xf32> to vector<16x512xf32>
    %mul3A_433 = arith.mulf %slice3A_430, %mul3A_432 : vector<16x512xf32>
    %add3A_434 = arith.addf %add3A_429, %mul3A_433 : vector<16x512xf32>
    %slice3A_435 = vector.extract_strided_slice %add3A_26 {offsets = [48, 2560], sizes = [16, 512], strides = [1, 1]} : vector<256x4096xf32> to vector<16x512xf32>
    %slice3A_436 = vector.extract_strided_slice %transpose3A {offsets = [83, 0], sizes = [1, 512], strides = [1, 1]} : vector<128x512xf32> to vector<1x512xf32>
    %mul3A_437 = vector.broadcast %slice3A_436 : vector<1x512xf32> to vector<16x512xf32>
    %mul3A_438 = arith.mulf %slice3A_435, %mul3A_437 : vector<16x512xf32>
    %add3A_439 = arith.addf %add3A_434, %mul3A_438 : vector<16x512xf32>
    %slice3A_440 = vector.extract_strided_slice %add3A_26 {offsets = [64, 2560], sizes = [16, 512], strides = [1, 1]} : vector<256x4096xf32> to vector<16x512xf32>
    %slice3A_441 = vector.extract_strided_slice %transpose3A {offsets = [84, 0], sizes = [1, 512], strides = [1, 1]} : vector<128x512xf32> to vector<1x512xf32>
    %mul3A_442 = vector.broadcast %slice3A_441 : vector<1x512xf32> to vector<16x512xf32>
    %mul3A_443 = arith.mulf %slice3A_440, %mul3A_442 : vector<16x512xf32>
    %add3A_444 = arith.addf %add3A_439, %mul3A_443 : vector<16x512xf32>
    %slice3A_445 = vector.extract_strided_slice %add3A_26 {offsets = [80, 2560], sizes = [16, 512], strides = [1, 1]} : vector<256x4096xf32> to vector<16x512xf32>
    %slice3A_446 = vector.extract_strided_slice %transpose3A {offsets = [85, 0], sizes = [1, 512], strides = [1, 1]} : vector<128x512xf32> to vector<1x512xf32>
    %mul3A_447 = vector.broadcast %slice3A_446 : vector<1x512xf32> to vector<16x512xf32>
    %mul3A_448 = arith.mulf %slice3A_445, %mul3A_447 : vector<16x512xf32>
    %add3A_449 = arith.addf %add3A_444, %mul3A_448 : vector<16x512xf32>
    %slice3A_450 = vector.extract_strided_slice %add3A_26 {offsets = [96, 2560], sizes = [16, 512], strides = [1, 1]} : vector<256x4096xf32> to vector<16x512xf32>
    %slice3A_451 = vector.extract_strided_slice %transpose3A {offsets = [86, 0], sizes = [1, 512], strides = [1, 1]} : vector<128x512xf32> to vector<1x512xf32>
    %mul3A_452 = vector.broadcast %slice3A_451 : vector<1x512xf32> to vector<16x512xf32>
    %mul3A_453 = arith.mulf %slice3A_450, %mul3A_452 : vector<16x512xf32>
    %add3A_454 = arith.addf %add3A_449, %mul3A_453 : vector<16x512xf32>
    %slice3A_455 = vector.extract_strided_slice %add3A_26 {offsets = [112, 2560], sizes = [16, 512], strides = [1, 1]} : vector<256x4096xf32> to vector<16x512xf32>
    %slice3A_456 = vector.extract_strided_slice %transpose3A {offsets = [87, 0], sizes = [1, 512], strides = [1, 1]} : vector<128x512xf32> to vector<1x512xf32>
    %mul3A_457 = vector.broadcast %slice3A_456 : vector<1x512xf32> to vector<16x512xf32>
    %mul3A_458 = arith.mulf %slice3A_455, %mul3A_457 : vector<16x512xf32>
    %add3A_459 = arith.addf %add3A_454, %mul3A_458 : vector<16x512xf32>
    %slice3A_460 = vector.extract_strided_slice %add3A_26 {offsets = [128, 2560], sizes = [16, 512], strides = [1, 1]} : vector<256x4096xf32> to vector<16x512xf32>
    %slice3A_461 = vector.extract_strided_slice %transpose3A {offsets = [88, 0], sizes = [1, 512], strides = [1, 1]} : vector<128x512xf32> to vector<1x512xf32>
    %mul3A_462 = vector.broadcast %slice3A_461 : vector<1x512xf32> to vector<16x512xf32>
    %mul3A_463 = arith.mulf %slice3A_460, %mul3A_462 : vector<16x512xf32>
    %add3A_464 = arith.addf %add3A_459, %mul3A_463 : vector<16x512xf32>
    %slice3A_465 = vector.extract_strided_slice %add3A_26 {offsets = [144, 2560], sizes = [16, 512], strides = [1, 1]} : vector<256x4096xf32> to vector<16x512xf32>
    %slice3A_466 = vector.extract_strided_slice %transpose3A {offsets = [89, 0], sizes = [1, 512], strides = [1, 1]} : vector<128x512xf32> to vector<1x512xf32>
    %mul3A_467 = vector.broadcast %slice3A_466 : vector<1x512xf32> to vector<16x512xf32>
    %mul3A_468 = arith.mulf %slice3A_465, %mul3A_467 : vector<16x512xf32>
    %add3A_469 = arith.addf %add3A_464, %mul3A_468 : vector<16x512xf32>
    %slice3A_470 = vector.extract_strided_slice %add3A_26 {offsets = [160, 2560], sizes = [16, 512], strides = [1, 1]} : vector<256x4096xf32> to vector<16x512xf32>
    %slice3A_471 = vector.extract_strided_slice %transpose3A {offsets = [90, 0], sizes = [1, 512], strides = [1, 1]} : vector<128x512xf32> to vector<1x512xf32>
    %mul3A_472 = vector.broadcast %slice3A_471 : vector<1x512xf32> to vector<16x512xf32>
    %mul3A_473 = arith.mulf %slice3A_470, %mul3A_472 : vector<16x512xf32>
    %add3A_474 = arith.addf %add3A_469, %mul3A_473 : vector<16x512xf32>
    %slice3A_475 = vector.extract_strided_slice %add3A_26 {offsets = [176, 2560], sizes = [16, 512], strides = [1, 1]} : vector<256x4096xf32> to vector<16x512xf32>
    %slice3A_476 = vector.extract_strided_slice %transpose3A {offsets = [91, 0], sizes = [1, 512], strides = [1, 1]} : vector<128x512xf32> to vector<1x512xf32>
    %mul3A_477 = vector.broadcast %slice3A_476 : vector<1x512xf32> to vector<16x512xf32>
    %mul3A_478 = arith.mulf %slice3A_475, %mul3A_477 : vector<16x512xf32>
    %add3A_479 = arith.addf %add3A_474, %mul3A_478 : vector<16x512xf32>
    %slice3A_480 = vector.extract_strided_slice %add3A_26 {offsets = [192, 2560], sizes = [16, 512], strides = [1, 1]} : vector<256x4096xf32> to vector<16x512xf32>
    %slice3A_481 = vector.extract_strided_slice %transpose3A {offsets = [92, 0], sizes = [1, 512], strides = [1, 1]} : vector<128x512xf32> to vector<1x512xf32>
    %mul3A_482 = vector.broadcast %slice3A_481 : vector<1x512xf32> to vector<16x512xf32>
    %mul3A_483 = arith.mulf %slice3A_480, %mul3A_482 : vector<16x512xf32>
    %add3A_484 = arith.addf %add3A_479, %mul3A_483 : vector<16x512xf32>
    %slice3A_485 = vector.extract_strided_slice %add3A_26 {offsets = [208, 2560], sizes = [16, 512], strides = [1, 1]} : vector<256x4096xf32> to vector<16x512xf32>
    %slice3A_486 = vector.extract_strided_slice %transpose3A {offsets = [93, 0], sizes = [1, 512], strides = [1, 1]} : vector<128x512xf32> to vector<1x512xf32>
    %mul3A_487 = vector.broadcast %slice3A_486 : vector<1x512xf32> to vector<16x512xf32>
    %mul3A_488 = arith.mulf %slice3A_485, %mul3A_487 : vector<16x512xf32>
    %add3A_489 = arith.addf %add3A_484, %mul3A_488 : vector<16x512xf32>
    %slice3A_490 = vector.extract_strided_slice %add3A_26 {offsets = [224, 2560], sizes = [16, 512], strides = [1, 1]} : vector<256x4096xf32> to vector<16x512xf32>
    %slice3A_491 = vector.extract_strided_slice %transpose3A {offsets = [94, 0], sizes = [1, 512], strides = [1, 1]} : vector<128x512xf32> to vector<1x512xf32>
    %mul3A_492 = vector.broadcast %slice3A_491 : vector<1x512xf32> to vector<16x512xf32>
    %mul3A_493 = arith.mulf %slice3A_490, %mul3A_492 : vector<16x512xf32>
    %add3A_494 = arith.addf %add3A_489, %mul3A_493 : vector<16x512xf32>
    %slice3A_495 = vector.extract_strided_slice %add3A_26 {offsets = [240, 2560], sizes = [16, 512], strides = [1, 1]} : vector<256x4096xf32> to vector<16x512xf32>
    %slice3A_496 = vector.extract_strided_slice %transpose3A {offsets = [95, 0], sizes = [1, 512], strides = [1, 1]} : vector<128x512xf32> to vector<1x512xf32>
    %mul3A_497 = vector.broadcast %slice3A_496 : vector<1x512xf32> to vector<16x512xf32>
    %mul3A_498 = arith.mulf %slice3A_495, %mul3A_497 : vector<16x512xf32>
    %add3A_499 = arith.addf %add3A_494, %mul3A_498 : vector<16x512xf32>
    %slice3A_500 = vector.extract_strided_slice %add3A_26 {offsets = [0, 3072], sizes = [16, 512], strides = [1, 1]} : vector<256x4096xf32> to vector<16x512xf32>
    %slice3A_501 = vector.extract_strided_slice %transpose3A {offsets = [96, 0], sizes = [1, 512], strides = [1, 1]} : vector<128x512xf32> to vector<1x512xf32>
    %mul3A_502 = vector.broadcast %slice3A_501 : vector<1x512xf32> to vector<16x512xf32>
    %mul3A_503 = arith.mulf %slice3A_500, %mul3A_502 : vector<16x512xf32>
    %slice3A_504 = vector.extract_strided_slice %add3A_26 {offsets = [16, 3072], sizes = [16, 512], strides = [1, 1]} : vector<256x4096xf32> to vector<16x512xf32>
    %slice3A_505 = vector.extract_strided_slice %transpose3A {offsets = [97, 0], sizes = [1, 512], strides = [1, 1]} : vector<128x512xf32> to vector<1x512xf32>
    %mul3A_506 = vector.broadcast %slice3A_505 : vector<1x512xf32> to vector<16x512xf32>
    %mul3A_507 = arith.mulf %slice3A_504, %mul3A_506 : vector<16x512xf32>
    %add3A_508 = arith.addf %mul3A_503, %mul3A_507 : vector<16x512xf32>
    %slice3A_509 = vector.extract_strided_slice %add3A_26 {offsets = [32, 3072], sizes = [16, 512], strides = [1, 1]} : vector<256x4096xf32> to vector<16x512xf32>
    %slice3A_510 = vector.extract_strided_slice %transpose3A {offsets = [98, 0], sizes = [1, 512], strides = [1, 1]} : vector<128x512xf32> to vector<1x512xf32>
    %mul3A_511 = vector.broadcast %slice3A_510 : vector<1x512xf32> to vector<16x512xf32>
    %mul3A_512 = arith.mulf %slice3A_509, %mul3A_511 : vector<16x512xf32>
    %add3A_513 = arith.addf %add3A_508, %mul3A_512 : vector<16x512xf32>
    %slice3A_514 = vector.extract_strided_slice %add3A_26 {offsets = [48, 3072], sizes = [16, 512], strides = [1, 1]} : vector<256x4096xf32> to vector<16x512xf32>
    %slice3A_515 = vector.extract_strided_slice %transpose3A {offsets = [99, 0], sizes = [1, 512], strides = [1, 1]} : vector<128x512xf32> to vector<1x512xf32>
    %mul3A_516 = vector.broadcast %slice3A_515 : vector<1x512xf32> to vector<16x512xf32>
    %mul3A_517 = arith.mulf %slice3A_514, %mul3A_516 : vector<16x512xf32>
    %add3A_518 = arith.addf %add3A_513, %mul3A_517 : vector<16x512xf32>
    %slice3A_519 = vector.extract_strided_slice %add3A_26 {offsets = [64, 3072], sizes = [16, 512], strides = [1, 1]} : vector<256x4096xf32> to vector<16x512xf32>
    %slice3A_520 = vector.extract_strided_slice %transpose3A {offsets = [100, 0], sizes = [1, 512], strides = [1, 1]} : vector<128x512xf32> to vector<1x512xf32>
    %mul3A_521 = vector.broadcast %slice3A_520 : vector<1x512xf32> to vector<16x512xf32>
    %mul3A_522 = arith.mulf %slice3A_519, %mul3A_521 : vector<16x512xf32>
    %add3A_523 = arith.addf %add3A_518, %mul3A_522 : vector<16x512xf32>
    %slice3A_524 = vector.extract_strided_slice %add3A_26 {offsets = [80, 3072], sizes = [16, 512], strides = [1, 1]} : vector<256x4096xf32> to vector<16x512xf32>
    %slice3A_525 = vector.extract_strided_slice %transpose3A {offsets = [101, 0], sizes = [1, 512], strides = [1, 1]} : vector<128x512xf32> to vector<1x512xf32>
    %mul3A_526 = vector.broadcast %slice3A_525 : vector<1x512xf32> to vector<16x512xf32>
    %mul3A_527 = arith.mulf %slice3A_524, %mul3A_526 : vector<16x512xf32>
    %add3A_528 = arith.addf %add3A_523, %mul3A_527 : vector<16x512xf32>
    %slice3A_529 = vector.extract_strided_slice %add3A_26 {offsets = [96, 3072], sizes = [16, 512], strides = [1, 1]} : vector<256x4096xf32> to vector<16x512xf32>
    %slice3A_530 = vector.extract_strided_slice %transpose3A {offsets = [102, 0], sizes = [1, 512], strides = [1, 1]} : vector<128x512xf32> to vector<1x512xf32>
    %mul3A_531 = vector.broadcast %slice3A_530 : vector<1x512xf32> to vector<16x512xf32>
    %mul3A_532 = arith.mulf %slice3A_529, %mul3A_531 : vector<16x512xf32>
    %add3A_533 = arith.addf %add3A_528, %mul3A_532 : vector<16x512xf32>
    %slice3A_534 = vector.extract_strided_slice %add3A_26 {offsets = [112, 3072], sizes = [16, 512], strides = [1, 1]} : vector<256x4096xf32> to vector<16x512xf32>
    %slice3A_535 = vector.extract_strided_slice %transpose3A {offsets = [103, 0], sizes = [1, 512], strides = [1, 1]} : vector<128x512xf32> to vector<1x512xf32>
    %mul3A_536 = vector.broadcast %slice3A_535 : vector<1x512xf32> to vector<16x512xf32>
    %mul3A_537 = arith.mulf %slice3A_534, %mul3A_536 : vector<16x512xf32>
    %add3A_538 = arith.addf %add3A_533, %mul3A_537 : vector<16x512xf32>
    %slice3A_539 = vector.extract_strided_slice %add3A_26 {offsets = [128, 3072], sizes = [16, 512], strides = [1, 1]} : vector<256x4096xf32> to vector<16x512xf32>
    %slice3A_540 = vector.extract_strided_slice %transpose3A {offsets = [104, 0], sizes = [1, 512], strides = [1, 1]} : vector<128x512xf32> to vector<1x512xf32>
    %mul3A_541 = vector.broadcast %slice3A_540 : vector<1x512xf32> to vector<16x512xf32>
    %mul3A_542 = arith.mulf %slice3A_539, %mul3A_541 : vector<16x512xf32>
    %add3A_543 = arith.addf %add3A_538, %mul3A_542 : vector<16x512xf32>
    %slice3A_544 = vector.extract_strided_slice %add3A_26 {offsets = [144, 3072], sizes = [16, 512], strides = [1, 1]} : vector<256x4096xf32> to vector<16x512xf32>
    %slice3A_545 = vector.extract_strided_slice %transpose3A {offsets = [105, 0], sizes = [1, 512], strides = [1, 1]} : vector<128x512xf32> to vector<1x512xf32>
    %mul3A_546 = vector.broadcast %slice3A_545 : vector<1x512xf32> to vector<16x512xf32>
    %mul3A_547 = arith.mulf %slice3A_544, %mul3A_546 : vector<16x512xf32>
    %add3A_548 = arith.addf %add3A_543, %mul3A_547 : vector<16x512xf32>
    %slice3A_549 = vector.extract_strided_slice %add3A_26 {offsets = [160, 3072], sizes = [16, 512], strides = [1, 1]} : vector<256x4096xf32> to vector<16x512xf32>
    %slice3A_550 = vector.extract_strided_slice %transpose3A {offsets = [106, 0], sizes = [1, 512], strides = [1, 1]} : vector<128x512xf32> to vector<1x512xf32>
    %mul3A_551 = vector.broadcast %slice3A_550 : vector<1x512xf32> to vector<16x512xf32>
    %mul3A_552 = arith.mulf %slice3A_549, %mul3A_551 : vector<16x512xf32>
    %add3A_553 = arith.addf %add3A_548, %mul3A_552 : vector<16x512xf32>
    %slice3A_554 = vector.extract_strided_slice %add3A_26 {offsets = [176, 3072], sizes = [16, 512], strides = [1, 1]} : vector<256x4096xf32> to vector<16x512xf32>
    %slice3A_555 = vector.extract_strided_slice %transpose3A {offsets = [107, 0], sizes = [1, 512], strides = [1, 1]} : vector<128x512xf32> to vector<1x512xf32>
    %mul3A_556 = vector.broadcast %slice3A_555 : vector<1x512xf32> to vector<16x512xf32>
    %mul3A_557 = arith.mulf %slice3A_554, %mul3A_556 : vector<16x512xf32>
    %add3A_558 = arith.addf %add3A_553, %mul3A_557 : vector<16x512xf32>
    %slice3A_559 = vector.extract_strided_slice %add3A_26 {offsets = [192, 3072], sizes = [16, 512], strides = [1, 1]} : vector<256x4096xf32> to vector<16x512xf32>
    %slice3A_560 = vector.extract_strided_slice %transpose3A {offsets = [108, 0], sizes = [1, 512], strides = [1, 1]} : vector<128x512xf32> to vector<1x512xf32>
    %mul3A_561 = vector.broadcast %slice3A_560 : vector<1x512xf32> to vector<16x512xf32>
    %mul3A_562 = arith.mulf %slice3A_559, %mul3A_561 : vector<16x512xf32>
    %add3A_563 = arith.addf %add3A_558, %mul3A_562 : vector<16x512xf32>
    %slice3A_564 = vector.extract_strided_slice %add3A_26 {offsets = [208, 3072], sizes = [16, 512], strides = [1, 1]} : vector<256x4096xf32> to vector<16x512xf32>
    %slice3A_565 = vector.extract_strided_slice %transpose3A {offsets = [109, 0], sizes = [1, 512], strides = [1, 1]} : vector<128x512xf32> to vector<1x512xf32>
    %mul3A_566 = vector.broadcast %slice3A_565 : vector<1x512xf32> to vector<16x512xf32>
    %mul3A_567 = arith.mulf %slice3A_564, %mul3A_566 : vector<16x512xf32>
    %add3A_568 = arith.addf %add3A_563, %mul3A_567 : vector<16x512xf32>
    %slice3A_569 = vector.extract_strided_slice %add3A_26 {offsets = [224, 3072], sizes = [16, 512], strides = [1, 1]} : vector<256x4096xf32> to vector<16x512xf32>
    %slice3A_570 = vector.extract_strided_slice %transpose3A {offsets = [110, 0], sizes = [1, 512], strides = [1, 1]} : vector<128x512xf32> to vector<1x512xf32>
    %mul3A_571 = vector.broadcast %slice3A_570 : vector<1x512xf32> to vector<16x512xf32>
    %mul3A_572 = arith.mulf %slice3A_569, %mul3A_571 : vector<16x512xf32>
    %add3A_573 = arith.addf %add3A_568, %mul3A_572 : vector<16x512xf32>
    %slice3A_574 = vector.extract_strided_slice %add3A_26 {offsets = [240, 3072], sizes = [16, 512], strides = [1, 1]} : vector<256x4096xf32> to vector<16x512xf32>
    %slice3A_575 = vector.extract_strided_slice %transpose3A {offsets = [111, 0], sizes = [1, 512], strides = [1, 1]} : vector<128x512xf32> to vector<1x512xf32>
    %mul3A_576 = vector.broadcast %slice3A_575 : vector<1x512xf32> to vector<16x512xf32>
    %mul3A_577 = arith.mulf %slice3A_574, %mul3A_576 : vector<16x512xf32>
    %add3A_578 = arith.addf %add3A_573, %mul3A_577 : vector<16x512xf32>
    %slice3A_579 = vector.extract_strided_slice %add3A_26 {offsets = [0, 3584], sizes = [16, 512], strides = [1, 1]} : vector<256x4096xf32> to vector<16x512xf32>
    %slice3A_580 = vector.extract_strided_slice %transpose3A {offsets = [112, 0], sizes = [1, 512], strides = [1, 1]} : vector<128x512xf32> to vector<1x512xf32>
    %mul3A_581 = vector.broadcast %slice3A_580 : vector<1x512xf32> to vector<16x512xf32>
    %mul3A_582 = arith.mulf %slice3A_579, %mul3A_581 : vector<16x512xf32>
    %slice3A_583 = vector.extract_strided_slice %add3A_26 {offsets = [16, 3584], sizes = [16, 512], strides = [1, 1]} : vector<256x4096xf32> to vector<16x512xf32>
    %slice3A_584 = vector.extract_strided_slice %transpose3A {offsets = [113, 0], sizes = [1, 512], strides = [1, 1]} : vector<128x512xf32> to vector<1x512xf32>
    %mul3A_585 = vector.broadcast %slice3A_584 : vector<1x512xf32> to vector<16x512xf32>
    %mul3A_586 = arith.mulf %slice3A_583, %mul3A_585 : vector<16x512xf32>
    %add3A_587 = arith.addf %mul3A_582, %mul3A_586 : vector<16x512xf32>
    %slice3A_588 = vector.extract_strided_slice %add3A_26 {offsets = [32, 3584], sizes = [16, 512], strides = [1, 1]} : vector<256x4096xf32> to vector<16x512xf32>
    %slice3A_589 = vector.extract_strided_slice %transpose3A {offsets = [114, 0], sizes = [1, 512], strides = [1, 1]} : vector<128x512xf32> to vector<1x512xf32>
    %mul3A_590 = vector.broadcast %slice3A_589 : vector<1x512xf32> to vector<16x512xf32>
    %mul3A_591 = arith.mulf %slice3A_588, %mul3A_590 : vector<16x512xf32>
    %add3A_592 = arith.addf %add3A_587, %mul3A_591 : vector<16x512xf32>
    %slice3A_593 = vector.extract_strided_slice %add3A_26 {offsets = [48, 3584], sizes = [16, 512], strides = [1, 1]} : vector<256x4096xf32> to vector<16x512xf32>
    %slice3A_594 = vector.extract_strided_slice %transpose3A {offsets = [115, 0], sizes = [1, 512], strides = [1, 1]} : vector<128x512xf32> to vector<1x512xf32>
    %mul3A_595 = vector.broadcast %slice3A_594 : vector<1x512xf32> to vector<16x512xf32>
    %mul3A_596 = arith.mulf %slice3A_593, %mul3A_595 : vector<16x512xf32>
    %add3A_597 = arith.addf %add3A_592, %mul3A_596 : vector<16x512xf32>
    %slice3A_598 = vector.extract_strided_slice %add3A_26 {offsets = [64, 3584], sizes = [16, 512], strides = [1, 1]} : vector<256x4096xf32> to vector<16x512xf32>
    %slice3A_599 = vector.extract_strided_slice %transpose3A {offsets = [116, 0], sizes = [1, 512], strides = [1, 1]} : vector<128x512xf32> to vector<1x512xf32>
    %mul3A_600 = vector.broadcast %slice3A_599 : vector<1x512xf32> to vector<16x512xf32>
    %mul3A_601 = arith.mulf %slice3A_598, %mul3A_600 : vector<16x512xf32>
    %add3A_602 = arith.addf %add3A_597, %mul3A_601 : vector<16x512xf32>
    %slice3A_603 = vector.extract_strided_slice %add3A_26 {offsets = [80, 3584], sizes = [16, 512], strides = [1, 1]} : vector<256x4096xf32> to vector<16x512xf32>
    %slice3A_604 = vector.extract_strided_slice %transpose3A {offsets = [117, 0], sizes = [1, 512], strides = [1, 1]} : vector<128x512xf32> to vector<1x512xf32>
    %mul3A_605 = vector.broadcast %slice3A_604 : vector<1x512xf32> to vector<16x512xf32>
    %mul3A_606 = arith.mulf %slice3A_603, %mul3A_605 : vector<16x512xf32>
    %add3A_607 = arith.addf %add3A_602, %mul3A_606 : vector<16x512xf32>
    %slice3A_608 = vector.extract_strided_slice %add3A_26 {offsets = [96, 3584], sizes = [16, 512], strides = [1, 1]} : vector<256x4096xf32> to vector<16x512xf32>
    %slice3A_609 = vector.extract_strided_slice %transpose3A {offsets = [118, 0], sizes = [1, 512], strides = [1, 1]} : vector<128x512xf32> to vector<1x512xf32>
    %mul3A_610 = vector.broadcast %slice3A_609 : vector<1x512xf32> to vector<16x512xf32>
    %mul3A_611 = arith.mulf %slice3A_608, %mul3A_610 : vector<16x512xf32>
    %add3A_612 = arith.addf %add3A_607, %mul3A_611 : vector<16x512xf32>
    %slice3A_613 = vector.extract_strided_slice %add3A_26 {offsets = [112, 3584], sizes = [16, 512], strides = [1, 1]} : vector<256x4096xf32> to vector<16x512xf32>
    %slice3A_614 = vector.extract_strided_slice %transpose3A {offsets = [119, 0], sizes = [1, 512], strides = [1, 1]} : vector<128x512xf32> to vector<1x512xf32>
    %mul3A_615 = vector.broadcast %slice3A_614 : vector<1x512xf32> to vector<16x512xf32>
    %mul3A_616 = arith.mulf %slice3A_613, %mul3A_615 : vector<16x512xf32>
    %add3A_617 = arith.addf %add3A_612, %mul3A_616 : vector<16x512xf32>
    %slice3A_618 = vector.extract_strided_slice %add3A_26 {offsets = [128, 3584], sizes = [16, 512], strides = [1, 1]} : vector<256x4096xf32> to vector<16x512xf32>
    %slice3A_619 = vector.extract_strided_slice %transpose3A {offsets = [120, 0], sizes = [1, 512], strides = [1, 1]} : vector<128x512xf32> to vector<1x512xf32>
    %mul3A_620 = vector.broadcast %slice3A_619 : vector<1x512xf32> to vector<16x512xf32>
    %mul3A_621 = arith.mulf %slice3A_618, %mul3A_620 : vector<16x512xf32>
    %add3A_622 = arith.addf %add3A_617, %mul3A_621 : vector<16x512xf32>
    %slice3A_623 = vector.extract_strided_slice %add3A_26 {offsets = [144, 3584], sizes = [16, 512], strides = [1, 1]} : vector<256x4096xf32> to vector<16x512xf32>
    %slice3A_624 = vector.extract_strided_slice %transpose3A {offsets = [121, 0], sizes = [1, 512], strides = [1, 1]} : vector<128x512xf32> to vector<1x512xf32>
    %mul3A_625 = vector.broadcast %slice3A_624 : vector<1x512xf32> to vector<16x512xf32>
    %mul3A_626 = arith.mulf %slice3A_623, %mul3A_625 : vector<16x512xf32>
    %add3A_627 = arith.addf %add3A_622, %mul3A_626 : vector<16x512xf32>
    %slice3A_628 = vector.extract_strided_slice %add3A_26 {offsets = [160, 3584], sizes = [16, 512], strides = [1, 1]} : vector<256x4096xf32> to vector<16x512xf32>
    %slice3A_629 = vector.extract_strided_slice %transpose3A {offsets = [122, 0], sizes = [1, 512], strides = [1, 1]} : vector<128x512xf32> to vector<1x512xf32>
    %mul3A_630 = vector.broadcast %slice3A_629 : vector<1x512xf32> to vector<16x512xf32>
    %mul3A_631 = arith.mulf %slice3A_628, %mul3A_630 : vector<16x512xf32>
    %add3A_632 = arith.addf %add3A_627, %mul3A_631 : vector<16x512xf32>
    %slice3A_633 = vector.extract_strided_slice %add3A_26 {offsets = [176, 3584], sizes = [16, 512], strides = [1, 1]} : vector<256x4096xf32> to vector<16x512xf32>
    %slice3A_634 = vector.extract_strided_slice %transpose3A {offsets = [123, 0], sizes = [1, 512], strides = [1, 1]} : vector<128x512xf32> to vector<1x512xf32>
    %mul3A_635 = vector.broadcast %slice3A_634 : vector<1x512xf32> to vector<16x512xf32>
    %mul3A_636 = arith.mulf %slice3A_633, %mul3A_635 : vector<16x512xf32>
    %add3A_637 = arith.addf %add3A_632, %mul3A_636 : vector<16x512xf32>
    %slice3A_638 = vector.extract_strided_slice %add3A_26 {offsets = [192, 3584], sizes = [16, 512], strides = [1, 1]} : vector<256x4096xf32> to vector<16x512xf32>
    %slice3A_639 = vector.extract_strided_slice %transpose3A {offsets = [124, 0], sizes = [1, 512], strides = [1, 1]} : vector<128x512xf32> to vector<1x512xf32>
    %mul3A_640 = vector.broadcast %slice3A_639 : vector<1x512xf32> to vector<16x512xf32>
    %mul3A_641 = arith.mulf %slice3A_638, %mul3A_640 : vector<16x512xf32>
    %add3A_642 = arith.addf %add3A_637, %mul3A_641 : vector<16x512xf32>
    %slice3A_643 = vector.extract_strided_slice %add3A_26 {offsets = [208, 3584], sizes = [16, 512], strides = [1, 1]} : vector<256x4096xf32> to vector<16x512xf32>
    %slice3A_644 = vector.extract_strided_slice %transpose3A {offsets = [125, 0], sizes = [1, 512], strides = [1, 1]} : vector<128x512xf32> to vector<1x512xf32>
    %mul3A_645 = vector.broadcast %slice3A_644 : vector<1x512xf32> to vector<16x512xf32>
    %mul3A_646 = arith.mulf %slice3A_643, %mul3A_645 : vector<16x512xf32>
    %add3A_647 = arith.addf %add3A_642, %mul3A_646 : vector<16x512xf32>
    %slice3A_648 = vector.extract_strided_slice %add3A_26 {offsets = [224, 3584], sizes = [16, 512], strides = [1, 1]} : vector<256x4096xf32> to vector<16x512xf32>
    %slice3A_649 = vector.extract_strided_slice %transpose3A {offsets = [126, 0], sizes = [1, 512], strides = [1, 1]} : vector<128x512xf32> to vector<1x512xf32>
    %mul3A_650 = vector.broadcast %slice3A_649 : vector<1x512xf32> to vector<16x512xf32>
    %mul3A_651 = arith.mulf %slice3A_648, %mul3A_650 : vector<16x512xf32>
    %add3A_652 = arith.addf %add3A_647, %mul3A_651 : vector<16x512xf32>
    %slice3A_653 = vector.extract_strided_slice %add3A_26 {offsets = [240, 3584], sizes = [16, 512], strides = [1, 1]} : vector<256x4096xf32> to vector<16x512xf32>
    %slice3A_654 = vector.extract_strided_slice %transpose3A {offsets = [127, 0], sizes = [1, 512], strides = [1, 1]} : vector<128x512xf32> to vector<1x512xf32>
    %mul3A_655 = vector.broadcast %slice3A_654 : vector<1x512xf32> to vector<16x512xf32>
    %mul3A_656 = arith.mulf %slice3A_653, %mul3A_655 : vector<16x512xf32>
    %add3A_657 = arith.addf %add3A_652, %mul3A_656 : vector<16x512xf32>
    %concatenate3A = tpu.concatenate %add3A_104, %add3A_183, %add3A_262, %add3A_341, %add3A_420, %add3A_499, %add3A_578, %add3A_657 in 0 : vector<16x512xf32>, vector<16x512xf32>, vector<16x512xf32>, vector<16x512xf32>, vector<16x512xf32>, vector<16x512xf32>, vector<16x512xf32>, vector<16x512xf32> -> vector<128x512xf32>
    %transpose3A_658 = tpu.transpose %concatenate3A, [1, 0] : vector<128x512xf32> -> vector<512x128xf32>
    %swap3A = arith.constant 0 : index
    %swap3A_659 = arith.constant 0 : index
    %swap3A_660 = vector.load %arg7[%swap3A, %swap3A_659] : memref<512x128xf32, #tpu.memory_space<vmem>>, vector<512x128xf32>
    tpu.vector_store %arg7[%swap3A, %swap3A_659], %transpose3A_658 {strides = array<i32>} : memref<512x128xf32, #tpu.memory_space<vmem>>, vector<512x128xf32>,
    return
  }
  func.func @transform_0(%arg0: i32) -> (i32, i32) {
    %c0_i32 = arith.constant 0 : i32
    %c0_i32_0 = arith.constant 0 : i32
    return %c0_i32, %arg0 : i32, i32
  }
  func.func @transform_1(%arg0: i32) -> (i32, i32) {
    %c0_i32 = arith.constant 0 : i32
    %c0_i32_0 = arith.constant 0 : i32
    return %arg0, %c0_i32 : i32, i32
  }
  func.func @transform_2(%arg0: i32) -> (i32, i32) {
    %c0_i32 = arith.constant 0 : i32
    %c0_i32_0 = arith.constant 0 : i32
    %c0_i32_1 = arith.constant 0 : i32
    return %c0_i32, %c0_i32_0 : i32, i32
  }
  func.func @transform_3(%arg0: i32) -> (i32, i32) {
    %c0_i32 = arith.constant 0 : i32
    %c0_i32_0 = arith.constant 0 : i32
    %c0_i32_1 = arith.constant 0 : i32
    return %c0_i32, %c0_i32_0 : i32, i32
  }
  func.func @transform_4(%arg0: i32) -> (i32, i32) {
    %c0_i32 = arith.constant 0 : i32
    %c0_i32_0 = arith.constant 0 : i32
    %c0_i32_1 = arith.constant 0 : i32
    return %c0_i32, %c0_i32_0 : i32, i32
  }
  func.func @transform_5(%arg0: i32) -> (i32, i32) {
    %c0_i32 = arith.constant 0 : i32
    %c0_i32_0 = arith.constant 0 : i32
    %c0_i32_1 = arith.constant 0 : i32
    return %c0_i32, %c0_i32_0 : i32, i32
  }
  func.func @transform_6(%arg0: i32) -> (i32, i32) {
    %c0_i32 = arith.constant 0 : i32
    %c0_i32_0 = arith.constant 0 : i32
    return %arg0, %c0_i32 : i32, i32
  }
}

module attributes {stable_mosaic.version = 14 : i64} {
  func.func @_node_body(%arg0: memref<10000x16xf32, #tpu.memory_space<vmem>>, %arg1: memref<2x10000x16xf32, #tpu.memory_space<vmem>>, %arg2: memref<2x10000x16xf32, #tpu.memory_space<vmem>>, %arg3: memref<16x16xf32, #tpu.memory_space<vmem>>, %arg4: memref<1x16xf32, #tpu.memory_space<vmem>>, %arg5: memref<1x16xf32, #tpu.memory_space<vmem>>, %arg6: memref<1x16xf32, #tpu.memory_space<vmem>>, %arg7: memref<10000x16xf32, #tpu.memory_space<vmem>>) attributes {dimension_semantics = [], scalar_prefetch = 0 : i64, scratch_operands = 0 : i64, tpu.core_type = #tpu.core_type<tc>} {
    %get3A = arith.constant 0 : index
    %get3A_0 = arith.constant 0 : index
    %get3A_1 = vector.load %arg0[%get3A, %get3A_0] : memref<10000x16xf32, #tpu.memory_space<vmem>>, vector<10000x16xf32>
    %get3A_2 = arith.constant 0 : index
    %get3A_3 = arith.constant 0 : index
    %get3A_4 = arith.constant 0 : index
    %get3A_5 = vector.load %arg1[%get3A_2, %get3A_3, %get3A_4] : memref<2x10000x16xf32, #tpu.memory_space<vmem>>, vector<2x10000x16xf32>
    %get3A_6 = arith.constant 0 : index
    %get3A_7 = arith.constant 0 : index
    %get3A_8 = arith.constant 0 : index
    %get3A_9 = vector.load %arg2[%get3A_6, %get3A_7, %get3A_8] : memref<2x10000x16xf32, #tpu.memory_space<vmem>>, vector<2x10000x16xf32>
    %get3A_10 = arith.constant 0 : index
    %get3A_11 = arith.constant 0 : index
    %get3A_12 = vector.load %arg3[%get3A_10, %get3A_11] : memref<16x16xf32, #tpu.memory_space<vmem>>, vector<16x16xf32>
    %get3A_13 = arith.constant 0 : index
    %get3A_14 = arith.constant 0 : index
    %get3A_15 = vector.load %arg4[%get3A_13, %get3A_14] : memref<1x16xf32, #tpu.memory_space<vmem>>, vector<1x16xf32>
    %get3A_16 = arith.constant 0 : index
    %get3A_17 = arith.constant 0 : index
    %get3A_18 = vector.load %arg5[%get3A_16, %get3A_17] : memref<1x16xf32, #tpu.memory_space<vmem>>, vector<1x16xf32>
    %get3A_19 = arith.constant 0 : index
    %get3A_20 = arith.constant 0 : index
    %get3A_21 = vector.load %arg6[%get3A_19, %get3A_20] : memref<1x16xf32, #tpu.memory_space<vmem>>, vector<1x16xf32>
    %slice3A = vector.extract_strided_slice %get3A_5 {offsets = [0, 0, 0], sizes = [1, 10000, 16], strides = [1, 1, 1]} : vector<2x10000x16xf32> to vector<1x10000x16xf32>
    %squeeze3A = vector.shape_cast %slice3A : vector<1x10000x16xf32> to vector<10000x16xf32>
    %slice3A_22 = vector.extract_strided_slice %get3A_5 {offsets = [1, 0, 0], sizes = [1, 10000, 16], strides = [1, 1, 1]} : vector<2x10000x16xf32> to vector<1x10000x16xf32>
    %squeeze3A_23 = vector.shape_cast %slice3A_22 : vector<1x10000x16xf32> to vector<10000x16xf32>
    %add3A = arith.addf %squeeze3A, %squeeze3A_23 : vector<10000x16xf32>
    %slice3A_24 = vector.extract_strided_slice %get3A_9 {offsets = [0, 0, 0], sizes = [1, 10000, 16], strides = [1, 1, 1]} : vector<2x10000x16xf32> to vector<1x10000x16xf32>
    %squeeze3A_25 = vector.shape_cast %slice3A_24 : vector<1x10000x16xf32> to vector<10000x16xf32>
    %slice3A_26 = vector.extract_strided_slice %get3A_9 {offsets = [1, 0, 0], sizes = [1, 10000, 16], strides = [1, 1, 1]} : vector<2x10000x16xf32> to vector<1x10000x16xf32>
    %squeeze3A_27 = vector.shape_cast %slice3A_26 : vector<1x10000x16xf32> to vector<10000x16xf32>
    %add3A_28 = arith.addf %squeeze3A_25, %squeeze3A_27 : vector<10000x16xf32>
    %max3A = arith.constant 1.000000e+00 : f32
    %max3A_29 = vector.broadcast %max3A : f32 to vector<10000x16xf32>
    %max3A_30 = arith.maximumf %add3A_28, %max3A_29 : vector<10000x16xf32>
    %div3A = arith.divf %add3A, %max3A_30 : vector<10000x16xf32>
    %dot_general3A = arith.constant dense<0.000000e+00> : vector<10000x16xf32>
    %dot_general3A_31 = tpu.matmul %get3A_1, %get3A_12, %dot_general3A {dimension_numbers = #tpu.dot_dimension_numbers<[1], [0], [0], [1], [0, 0, 1, 1], [], []>, transpose_lhs_hint = false} : vector<10000x16xf32>, vector<16x16xf32>, vector<10000x16xf32> -> vector<10000x16xf32>
    %add3A_32 = arith.addf %dot_general3A_31, %div3A : vector<10000x16xf32>
    %add3A_33 = vector.broadcast %get3A_15 : vector<1x16xf32> to vector<10000x16xf32>
    %add3A_34 = arith.addf %add3A_32, %add3A_33 : vector<10000x16xf32>
    %reduce_sum3A = arith.constant dense<0.000000e+00> : vector<16xf32>
    %reduce_sum3A_35 = vector.multi_reduction <add>, %add3A_34, %reduce_sum3A [0] : vector<10000x16xf32> to vector<16xf32>
    %broadcast_in_dim3A = vector.shape_cast %reduce_sum3A_35 : vector<16xf32> to vector<1x16xf32>
    %div3A_36 = arith.constant 1.000000e+04 : f32
    %div3A_37 = vector.broadcast %div3A_36 : f32 to vector<1x16xf32>
    %div3A_38 = arith.divf %broadcast_in_dim3A, %div3A_37 : vector<1x16xf32>
    %sub3A = vector.broadcast %div3A_38 : vector<1x16xf32> to vector<10000x16xf32>
    %sub3A_39 = arith.subf %add3A_34, %sub3A : vector<10000x16xf32>
    %integer_pow3A = arith.mulf %sub3A_39, %sub3A_39 : vector<10000x16xf32>
    %reduce_sum3A_40 = arith.constant dense<0.000000e+00> : vector<16xf32>
    %reduce_sum3A_41 = vector.multi_reduction <add>, %integer_pow3A, %reduce_sum3A_40 [0] : vector<10000x16xf32> to vector<16xf32>
    %broadcast_in_dim3A_42 = vector.shape_cast %reduce_sum3A_41 : vector<16xf32> to vector<1x16xf32>
    %div3A_43 = arith.constant 1.000000e+04 : f32
    %div3A_44 = vector.broadcast %div3A_43 : f32 to vector<1x16xf32>
    %div3A_45 = arith.divf %broadcast_in_dim3A_42, %div3A_44 : vector<1x16xf32>
    %sub3A_46 = vector.broadcast %div3A_38 : vector<1x16xf32> to vector<10000x16xf32>
    %sub3A_47 = arith.subf %add3A_34, %sub3A_46 : vector<10000x16xf32>
    %add3A_48 = arith.constant 9.99999974E-6 : f32
    %add3A_49 = vector.broadcast %add3A_48 : f32 to vector<1x16xf32>
    %add3A_50 = arith.addf %div3A_45, %add3A_49 : vector<1x16xf32>
    %sqrt3A = math.sqrt %add3A_50 : vector<1x16xf32>
    %div3A_51 = vector.broadcast %sqrt3A : vector<1x16xf32> to vector<10000x16xf32>
    %div3A_52 = arith.divf %sub3A_47, %div3A_51 : vector<10000x16xf32>
    %mul3A = vector.broadcast %get3A_18 : vector<1x16xf32> to vector<10000x16xf32>
    %mul3A_53 = arith.mulf %div3A_52, %mul3A : vector<10000x16xf32>
    %add3A_54 = vector.broadcast %get3A_21 : vector<1x16xf32> to vector<10000x16xf32>
    %add3A_55 = arith.addf %mul3A_53, %add3A_54 : vector<10000x16xf32>
    %gt3A = arith.constant 0.000000e+00 : f32
    %gt3A_56 = vector.broadcast %gt3A : f32 to vector<10000x16xf32>
    %gt3A_57 = arith.cmpf ogt, %add3A_55, %gt3A_56 : vector<10000x16xf32>
    %mul3A_58 = arith.constant 0.00999999977 : f32
    %mul3A_59 = vector.broadcast %mul3A_58 : f32 to vector<10000x16xf32>
    %mul3A_60 = arith.mulf %mul3A_59, %add3A_55 : vector<10000x16xf32>
    %select_n3A = arith.select %gt3A_57, %add3A_55, %mul3A_60 : vector<10000x16xi1>, vector<10000x16xf32>
    %swap3A = arith.constant 0 : index
    %swap3A_61 = arith.constant 0 : index
    %swap3A_62 = vector.load %arg7[%swap3A, %swap3A_61] : memref<10000x16xf32, #tpu.memory_space<vmem>>, vector<10000x16xf32>
    tpu.vector_store %arg7[%swap3A, %swap3A_61], %select_n3A {strides = array<i32>} : memref<10000x16xf32, #tpu.memory_space<vmem>>, vector<10000x16xf32>,
    return
  }
}

module attributes {stable_mosaic.version = 14 : i64} {
  func.func @_final_body(%arg0: memref<10000x16xf32, #tpu.memory_space<vmem>>, %arg1: memref<2x10000x16xf32, #tpu.memory_space<vmem>>, %arg2: memref<2x10000x16xf32, #tpu.memory_space<vmem>>, %arg3: memref<16x16xf32, #tpu.memory_space<vmem>>, %arg4: memref<1x16xf32, #tpu.memory_space<vmem>>, %arg5: memref<1x16xf32, #tpu.memory_space<vmem>>, %arg6: memref<1x16xf32, #tpu.memory_space<vmem>>, %arg7: memref<1x10000xf32, #tpu.memory_space<vmem>>, %arg8: memref<1x10000xi32, #tpu.memory_space<vmem>>, %arg9: memref<64x4xf32, #tpu.memory_space<vmem>>, %arg10: memref<16x32xf32, #tpu.memory_space<vmem>>, %arg11: memref<4x32xf32, #tpu.memory_space<vmem>>, %arg12: memref<1x32xf32, #tpu.memory_space<vmem>>, %arg13: memref<1x32xf32, #tpu.memory_space<vmem>>, %arg14: memref<1x32xf32, #tpu.memory_space<vmem>>, %arg15: memref<32x1xf32, #tpu.memory_space<vmem>>, %arg16: memref<1x1xf32, #tpu.memory_space<vmem>>, %arg17: memref<64x1xf32, #tpu.memory_space<vmem>>) attributes {dimension_semantics = [], scalar_prefetch = 0 : i64, scratch_operands = 0 : i64, tpu.core_type = #tpu.core_type<tc>} {
    %get3A = arith.constant 0 : index
    %get3A_0 = arith.constant 0 : index
    %get3A_1 = vector.load %arg0[%get3A, %get3A_0] : memref<10000x16xf32, #tpu.memory_space<vmem>>, vector<10000x16xf32>
    %get3A_2 = arith.constant 0 : index
    %get3A_3 = arith.constant 0 : index
    %get3A_4 = arith.constant 0 : index
    %get3A_5 = vector.load %arg1[%get3A_2, %get3A_3, %get3A_4] : memref<2x10000x16xf32, #tpu.memory_space<vmem>>, vector<2x10000x16xf32>
    %get3A_6 = arith.constant 0 : index
    %get3A_7 = arith.constant 0 : index
    %get3A_8 = arith.constant 0 : index
    %get3A_9 = vector.load %arg2[%get3A_6, %get3A_7, %get3A_8] : memref<2x10000x16xf32, #tpu.memory_space<vmem>>, vector<2x10000x16xf32>
    %get3A_10 = arith.constant 0 : index
    %get3A_11 = arith.constant 0 : index
    %get3A_12 = vector.load %arg3[%get3A_10, %get3A_11] : memref<16x16xf32, #tpu.memory_space<vmem>>, vector<16x16xf32>
    %get3A_13 = arith.constant 0 : index
    %get3A_14 = arith.constant 0 : index
    %get3A_15 = vector.load %arg4[%get3A_13, %get3A_14] : memref<1x16xf32, #tpu.memory_space<vmem>>, vector<1x16xf32>
    %get3A_16 = arith.constant 0 : index
    %get3A_17 = arith.constant 0 : index
    %get3A_18 = vector.load %arg5[%get3A_16, %get3A_17] : memref<1x16xf32, #tpu.memory_space<vmem>>, vector<1x16xf32>
    %get3A_19 = arith.constant 0 : index
    %get3A_20 = arith.constant 0 : index
    %get3A_21 = vector.load %arg6[%get3A_19, %get3A_20] : memref<1x16xf32, #tpu.memory_space<vmem>>, vector<1x16xf32>
    %get3A_22 = arith.constant 0 : index
    %get3A_23 = arith.constant 0 : index
    %get3A_24 = vector.load %arg7[%get3A_22, %get3A_23] : memref<1x10000xf32, #tpu.memory_space<vmem>>, vector<1x10000xf32>
    %get3A_25 = arith.constant 0 : index
    %get3A_26 = arith.constant 0 : index
    %get3A_27 = vector.load %arg8[%get3A_25, %get3A_26] : memref<1x10000xi32, #tpu.memory_space<vmem>>, vector<1x10000xi32>
    %get3A_28 = arith.constant 0 : index
    %get3A_29 = arith.constant 0 : index
    %get3A_30 = vector.load %arg9[%get3A_28, %get3A_29] : memref<64x4xf32, #tpu.memory_space<vmem>>, vector<64x4xf32>
    %get3A_31 = arith.constant 0 : index
    %get3A_32 = arith.constant 0 : index
    %get3A_33 = vector.load %arg10[%get3A_31, %get3A_32] : memref<16x32xf32, #tpu.memory_space<vmem>>, vector<16x32xf32>
    %get3A_34 = arith.constant 0 : index
    %get3A_35 = arith.constant 0 : index
    %get3A_36 = vector.load %arg11[%get3A_34, %get3A_35] : memref<4x32xf32, #tpu.memory_space<vmem>>, vector<4x32xf32>
    %get3A_37 = arith.constant 0 : index
    %get3A_38 = arith.constant 0 : index
    %get3A_39 = vector.load %arg12[%get3A_37, %get3A_38] : memref<1x32xf32, #tpu.memory_space<vmem>>, vector<1x32xf32>
    %get3A_40 = arith.constant 0 : index
    %get3A_41 = arith.constant 0 : index
    %get3A_42 = vector.load %arg13[%get3A_40, %get3A_41] : memref<1x32xf32, #tpu.memory_space<vmem>>, vector<1x32xf32>
    %get3A_43 = arith.constant 0 : index
    %get3A_44 = arith.constant 0 : index
    %get3A_45 = vector.load %arg14[%get3A_43, %get3A_44] : memref<1x32xf32, #tpu.memory_space<vmem>>, vector<1x32xf32>
    %get3A_46 = arith.constant 0 : index
    %get3A_47 = arith.constant 0 : index
    %get3A_48 = vector.load %arg15[%get3A_46, %get3A_47] : memref<32x1xf32, #tpu.memory_space<vmem>>, vector<32x1xf32>
    %get3A_49 = arith.constant 0 : index
    %get3A_50 = arith.constant 0 : index
    %get3A_51 = vector.load %arg16[%get3A_49, %get3A_50] : memref<1x1xf32, #tpu.memory_space<vmem>>, vector<1x1xf32>
    %slice3A = vector.extract_strided_slice %get3A_5 {offsets = [0, 0, 0], sizes = [1, 10000, 16], strides = [1, 1, 1]} : vector<2x10000x16xf32> to vector<1x10000x16xf32>
    %squeeze3A = vector.shape_cast %slice3A : vector<1x10000x16xf32> to vector<10000x16xf32>
    %slice3A_52 = vector.extract_strided_slice %get3A_5 {offsets = [1, 0, 0], sizes = [1, 10000, 16], strides = [1, 1, 1]} : vector<2x10000x16xf32> to vector<1x10000x16xf32>
    %squeeze3A_53 = vector.shape_cast %slice3A_52 : vector<1x10000x16xf32> to vector<10000x16xf32>
    %add3A = arith.addf %squeeze3A, %squeeze3A_53 : vector<10000x16xf32>
    %slice3A_54 = vector.extract_strided_slice %get3A_9 {offsets = [0, 0, 0], sizes = [1, 10000, 16], strides = [1, 1, 1]} : vector<2x10000x16xf32> to vector<1x10000x16xf32>
    %squeeze3A_55 = vector.shape_cast %slice3A_54 : vector<1x10000x16xf32> to vector<10000x16xf32>
    %slice3A_56 = vector.extract_strided_slice %get3A_9 {offsets = [1, 0, 0], sizes = [1, 10000, 16], strides = [1, 1, 1]} : vector<2x10000x16xf32> to vector<1x10000x16xf32>
    %squeeze3A_57 = vector.shape_cast %slice3A_56 : vector<1x10000x16xf32> to vector<10000x16xf32>
    %add3A_58 = arith.addf %squeeze3A_55, %squeeze3A_57 : vector<10000x16xf32>
    %max3A = arith.constant 1.000000e+00 : f32
    %max3A_59 = vector.broadcast %max3A : f32 to vector<10000x16xf32>
    %max3A_60 = arith.maximumf %add3A_58, %max3A_59 : vector<10000x16xf32>
    %div3A = arith.divf %add3A, %max3A_60 : vector<10000x16xf32>
    %dot_general3A = arith.constant dense<0.000000e+00> : vector<10000x16xf32>
    %dot_general3A_61 = tpu.matmul %get3A_1, %get3A_12, %dot_general3A {dimension_numbers = #tpu.dot_dimension_numbers<[1], [0], [0], [1], [0, 0, 1, 1], [], []>, transpose_lhs_hint = false} : vector<10000x16xf32>, vector<16x16xf32>, vector<10000x16xf32> -> vector<10000x16xf32>
    %add3A_62 = arith.addf %dot_general3A_61, %div3A : vector<10000x16xf32>
    %add3A_63 = vector.broadcast %get3A_15 : vector<1x16xf32> to vector<10000x16xf32>
    %add3A_64 = arith.addf %add3A_62, %add3A_63 : vector<10000x16xf32>
    %reduce_sum3A = arith.constant dense<0.000000e+00> : vector<16xf32>
    %reduce_sum3A_65 = vector.multi_reduction <add>, %add3A_64, %reduce_sum3A [0] : vector<10000x16xf32> to vector<16xf32>
    %broadcast_in_dim3A = vector.shape_cast %reduce_sum3A_65 : vector<16xf32> to vector<1x16xf32>
    %div3A_66 = arith.constant 1.000000e+04 : f32
    %div3A_67 = vector.broadcast %div3A_66 : f32 to vector<1x16xf32>
    %div3A_68 = arith.divf %broadcast_in_dim3A, %div3A_67 : vector<1x16xf32>
    %sub3A = vector.broadcast %div3A_68 : vector<1x16xf32> to vector<10000x16xf32>
    %sub3A_69 = arith.subf %add3A_64, %sub3A : vector<10000x16xf32>
    %integer_pow3A = arith.mulf %sub3A_69, %sub3A_69 : vector<10000x16xf32>
    %reduce_sum3A_70 = arith.constant dense<0.000000e+00> : vector<16xf32>
    %reduce_sum3A_71 = vector.multi_reduction <add>, %integer_pow3A, %reduce_sum3A_70 [0] : vector<10000x16xf32> to vector<16xf32>
    %broadcast_in_dim3A_72 = vector.shape_cast %reduce_sum3A_71 : vector<16xf32> to vector<1x16xf32>
    %div3A_73 = arith.constant 1.000000e+04 : f32
    %div3A_74 = vector.broadcast %div3A_73 : f32 to vector<1x16xf32>
    %div3A_75 = arith.divf %broadcast_in_dim3A_72, %div3A_74 : vector<1x16xf32>
    %sub3A_76 = vector.broadcast %div3A_68 : vector<1x16xf32> to vector<10000x16xf32>
    %sub3A_77 = arith.subf %add3A_64, %sub3A_76 : vector<10000x16xf32>
    %add3A_78 = arith.constant 9.99999974E-6 : f32
    %add3A_79 = vector.broadcast %add3A_78 : f32 to vector<1x16xf32>
    %add3A_80 = arith.addf %div3A_75, %add3A_79 : vector<1x16xf32>
    %sqrt3A = math.sqrt %add3A_80 : vector<1x16xf32>
    %div3A_81 = vector.broadcast %sqrt3A : vector<1x16xf32> to vector<10000x16xf32>
    %div3A_82 = arith.divf %sub3A_77, %div3A_81 : vector<10000x16xf32>
    %mul3A = vector.broadcast %get3A_18 : vector<1x16xf32> to vector<10000x16xf32>
    %mul3A_83 = arith.mulf %div3A_82, %mul3A : vector<10000x16xf32>
    %add3A_84 = vector.broadcast %get3A_21 : vector<1x16xf32> to vector<10000x16xf32>
    %add3A_85 = arith.addf %mul3A_83, %add3A_84 : vector<10000x16xf32>
    %iota3A = tpu.iota {dimensions = array<i32: 0>} : vector<64x10000xi32>
    %broadcast_in_dim3A_86 = vector.shape_cast %get3A_27 : vector<1x10000xi32> to vector<1x10000xi32>
    %broadcast_in_dim3A_87 = vector.broadcast %broadcast_in_dim3A_86 : vector<1x10000xi32> to vector<64x10000xi32>
    %broadcast_in_dim3A_88 = vector.shape_cast %get3A_24 : vector<1x10000xf32> to vector<1x10000xf32>
    %broadcast_in_dim3A_89 = vector.broadcast %broadcast_in_dim3A_88 : vector<1x10000xf32> to vector<64x10000xf32>
    %eq3A = arith.cmpi eq, %iota3A, %broadcast_in_dim3A_87 : vector<64x10000xi32>
    %jit3A = arith.constant 0.000000e+00 : f32
    %broadcast_in_dim3A_90 = vector.broadcast %jit3A : f32 to vector<64x10000xf32>
    %select_n3A = arith.select %eq3A, %broadcast_in_dim3A_89, %broadcast_in_dim3A_90 : vector<64x10000xi1>, vector<64x10000xf32>
    %dot_general3A_91 = arith.constant dense<0.000000e+00> : vector<64x16xf32>
    %dot_general3A_92 = tpu.matmul %select_n3A, %add3A_85, %dot_general3A_91 {dimension_numbers = #tpu.dot_dimension_numbers<[1], [0], [0], [1], [0, 0, 1, 1], [], []>, transpose_lhs_hint = false} : vector<64x10000xf32>, vector<10000x16xf32>, vector<64x16xf32> -> vector<64x16xf32>
    %reduce_sum3A_93 = arith.constant dense<0.000000e+00> : vector<64xf32>
    %reduce_sum3A_94 = vector.multi_reduction <add>, %select_n3A, %reduce_sum3A_93 [1] : vector<64x10000xf32> to vector<64xf32>
    %broadcast_in_dim3A_95 = vector.shape_cast %reduce_sum3A_94 : vector<64xf32> to vector<64x1xf32>
    %max3A_96 = arith.constant 1.000000e+00 : f32
    %max3A_97 = vector.broadcast %max3A_96 : f32 to vector<64x1xf32>
    %max3A_98 = arith.maximumf %broadcast_in_dim3A_95, %max3A_97 : vector<64x1xf32>
    %div3A_99 = vector.broadcast %max3A_98 : vector<64x1xf32> to vector<64x16xf32>
    %div3A_100 = arith.divf %dot_general3A_92, %div3A_99 : vector<64x16xf32>
    %dot_general3A_101 = arith.constant dense<0.000000e+00> : vector<64x32xf32>
    %dot_general3A_102 = tpu.matmul %div3A_100, %get3A_33, %dot_general3A_101 {dimension_numbers = #tpu.dot_dimension_numbers<[1], [0], [0], [1], [0, 0, 1, 1], [], []>, transpose_lhs_hint = false} : vector<64x16xf32>, vector<16x32xf32>, vector<64x32xf32> -> vector<64x32xf32>
    %dot_general3A_103 = arith.constant dense<0.000000e+00> : vector<64x32xf32>
    %dot_general3A_104 = tpu.matmul %get3A_30, %get3A_36, %dot_general3A_103 {dimension_numbers = #tpu.dot_dimension_numbers<[1], [0], [0], [1], [0, 0, 1, 1], [], []>, transpose_lhs_hint = false} : vector<64x4xf32>, vector<4x32xf32>, vector<64x32xf32> -> vector<64x32xf32>
    %add3A_105 = arith.addf %dot_general3A_102, %dot_general3A_104 : vector<64x32xf32>
    %add3A_106 = vector.broadcast %get3A_39 : vector<1x32xf32> to vector<64x32xf32>
    %add3A_107 = arith.addf %add3A_105, %add3A_106 : vector<64x32xf32>
    %reduce_sum3A_108 = arith.constant dense<0.000000e+00> : vector<32xf32>
    %reduce_sum3A_109 = vector.multi_reduction <add>, %add3A_107, %reduce_sum3A_108 [0] : vector<64x32xf32> to vector<32xf32>
    %broadcast_in_dim3A_110 = vector.shape_cast %reduce_sum3A_109 : vector<32xf32> to vector<1x32xf32>
    %div3A_111 = arith.constant 6.400000e+01 : f32
    %div3A_112 = vector.broadcast %div3A_111 : f32 to vector<1x32xf32>
    %div3A_113 = arith.divf %broadcast_in_dim3A_110, %div3A_112 : vector<1x32xf32>
    %sub3A_114 = vector.broadcast %div3A_113 : vector<1x32xf32> to vector<64x32xf32>
    %sub3A_115 = arith.subf %add3A_107, %sub3A_114 : vector<64x32xf32>
    %integer_pow3A_116 = arith.mulf %sub3A_115, %sub3A_115 : vector<64x32xf32>
    %reduce_sum3A_117 = arith.constant dense<0.000000e+00> : vector<32xf32>
    %reduce_sum3A_118 = vector.multi_reduction <add>, %integer_pow3A_116, %reduce_sum3A_117 [0] : vector<64x32xf32> to vector<32xf32>
    %broadcast_in_dim3A_119 = vector.shape_cast %reduce_sum3A_118 : vector<32xf32> to vector<1x32xf32>
    %div3A_120 = arith.constant 6.400000e+01 : f32
    %div3A_121 = vector.broadcast %div3A_120 : f32 to vector<1x32xf32>
    %div3A_122 = arith.divf %broadcast_in_dim3A_119, %div3A_121 : vector<1x32xf32>
    %sub3A_123 = vector.broadcast %div3A_113 : vector<1x32xf32> to vector<64x32xf32>
    %sub3A_124 = arith.subf %add3A_107, %sub3A_123 : vector<64x32xf32>
    %add3A_125 = arith.constant 9.99999974E-6 : f32
    %add3A_126 = vector.broadcast %add3A_125 : f32 to vector<1x32xf32>
    %add3A_127 = arith.addf %div3A_122, %add3A_126 : vector<1x32xf32>
    %sqrt3A_128 = math.sqrt %add3A_127 : vector<1x32xf32>
    %div3A_129 = vector.broadcast %sqrt3A_128 : vector<1x32xf32> to vector<64x32xf32>
    %div3A_130 = arith.divf %sub3A_124, %div3A_129 : vector<64x32xf32>
    %mul3A_131 = vector.broadcast %get3A_42 : vector<1x32xf32> to vector<64x32xf32>
    %mul3A_132 = arith.mulf %div3A_130, %mul3A_131 : vector<64x32xf32>
    %add3A_133 = vector.broadcast %get3A_45 : vector<1x32xf32> to vector<64x32xf32>
    %add3A_134 = arith.addf %mul3A_132, %add3A_133 : vector<64x32xf32>
    %gt3A = arith.constant 0.000000e+00 : f32
    %gt3A_135 = vector.broadcast %gt3A : f32 to vector<64x32xf32>
    %gt3A_136 = arith.cmpf ogt, %add3A_134, %gt3A_135 : vector<64x32xf32>
    %mul3A_137 = arith.constant 0.00999999977 : f32
    %mul3A_138 = vector.broadcast %mul3A_137 : f32 to vector<64x32xf32>
    %mul3A_139 = arith.mulf %mul3A_138, %add3A_134 : vector<64x32xf32>
    %select_n3A_140 = arith.select %gt3A_136, %add3A_134, %mul3A_139 : vector<64x32xi1>, vector<64x32xf32>
    %dot_general3A_141 = arith.constant dense<0.000000e+00> : vector<64x1xf32>
    %dot_general3A_142 = tpu.matmul %select_n3A_140, %get3A_48, %dot_general3A_141 {dimension_numbers = #tpu.dot_dimension_numbers<[1], [0], [0], [1], [0, 0, 1, 1], [], []>, transpose_lhs_hint = false} : vector<64x32xf32>, vector<32x1xf32>, vector<64x1xf32> -> vector<64x1xf32>
    %add3A_143 = vector.broadcast %get3A_51 : vector<1x1xf32> to vector<64x1xf32>
    %add3A_144 = arith.addf %dot_general3A_142, %add3A_143 : vector<64x1xf32>
    %swap3A = arith.constant 0 : index
    %swap3A_145 = arith.constant 0 : index
    %swap3A_146 = vector.load %arg17[%swap3A, %swap3A_145] : memref<64x1xf32, #tpu.memory_space<vmem>>, vector<64x1xf32>
    tpu.vector_store %arg17[%swap3A, %swap3A_145], %add3A_144 {strides = array<i32>} : memref<64x1xf32, #tpu.memory_space<vmem>>, vector<64x1xf32>,
    return
  }
}

</mosaic_0001>

<sc_bundles>
// kernel: gather_offload_async_start.1
scs
__scs_entry_jumppad:
0x0: {  	(pc) =	sbr.rel $0x88, $3  }
0x1: {  	(tag) =	ssettag $0x0;
	lr =	simm.s32 $0x1  }
0x2: {  	[smem:$0x3F85] =	sst lr;
	_ =	strace $0xD0000000  }
0x3: {  	_ = 	snop  }
0x4: {  	_ = 	snop  }
0x5: {  	_ = 	snop  }
0x6: {  	_ = 	snop  }
0x7: {  	_ = 	snop  }
__scs_overlays_trampoline_lowered:
0x8: {  	[smem:$0x3F94] =	sst s0  }
0x9: {  	[smem:$0x3F95] =	sst s1  }
0xa: {  	[smem:$0x3F96] =	sst s2  }
0xb: {  	[smem:$0x3F97] =	sst s3  }
0xc: {  	[smem:$0x3F98] =	sst s4  }
0xd: {  	[smem:$0x3F99] =	sst s5  }
0xe: {  	[smem:$0x3F9A] =	sst s6  }
0xf: {  	[smem:$0x3F9B] =	sst s7  }
0x10: {  	[smem:$0x3F9C] =	sst s8  }
0x11: {  	[smem:$0x3F9D] =	sst s9;
	s0 =	simm.s32 @!p0 $0x0  }
0x12: {  	s1 =	sld [smem:$0x3F83];
	s0 =	simm.s32 @p0 $0x1  }
0x13: {  	[smem:$0x3F9E] =	sst s0;
	s0 =	simm.s32 @!p1 $0x0  }
0x14: {  	s2 =	sld [smem:$0x3F82];
	s0 =	simm.s32 @p1 $0x1  }
0x15: {  	[smem:$0x3F9F] =	sst s0;
	s0 =	simm.s32 @!p2 $0x0  }
0x16: {  	s3 =	sld [smem:$0x3FDB];
	s0 =	simm.s32 @p2 $0x1  }
0x17: {  	s4 =	simm.s32 $0x1BF5;
	[smem:$0x3FA1] =	sst s0  }
0x18: {  	s0 =	sld [smem:$0x3F84];
	_ =	swait.ge [sflag:s4], $0x0  }
0x19: {  	s7 =	sld [smem:$0x3F85]  }
0x1a: {  	s8 =	sadd.s32 $0xFFFFE003, lr  }
0x1b: {  	s9 =	sadd.s32 $0xFFFFFEF7, lr;
	s5 =	simm.s32 $0xFFFFFFFF;
	p2 =	slt.u32 s8, $0xFFFFF086  }
0x1c: {  	p1 =	slt.u32 s9, $0xF7A;
	s5 =	simm.s32 @!p2 $0x0  }
0x1d: {  	s5 =	simm.s32 @p1 $0x1;
	p0 =	seq.s32 s7, s2  }
0x1e: {  	s7 =	smul.u32 @!p0 $0xF7A, s2;
	p2 =	seq.s32 @!p0 s5, $0x0  }
0x1f: {  	s9 =	smul.u32 $0xF7A, s1;
	s8 =	simm.s32 @!p0 $0x1BF5;
	p2 =	por !p2, p0  }
0x20: {  	[sflag:s8] =	ssyncset.s32 @!p0 $0xFFFFF086;
	s6 =	sadd.s32 @!p0 s3, s7;
	s7 =	simm.s32 @!p0 $0x108  }
0x21: {  	s3 =	sadd.s32 s3, s9;
	s6 =	sadd.s32 @!p0 $0x88, s6;
	s7 =	simm.s32 @p2 $0x1082  }
0x22: {  	[simem:s7], [sflag:s8] =	dma.local @!p0 [hbm:s6], $0xF7A  }
0x23: {  	s9 =	sor.u32 $0xD0000000, s2;
	s6 =	simm.s32 $0x108;
	_ =	swait.ge @!p0 [sflag:s8], $0x0  }
0x24: {  	s3 =	sadd.s32 $0x88, s3;
	s6 =	simm.s32 @!p1 $0x1082;
	[sflag:s4] =	ssyncset.s32 $0xFFFFF086  }
0x25: {  	[simem:s6], [sflag:s4] =	dma.local [hbm:s3], $0xF7A  }
0x26: {  	[smem:$0x3F85] =	sst s1;
	(tag) =	ssettag s2;
	_ =	strace s9  }
0x27: {  	s1 =	sld [smem:$0x3F95]  }
0x28: {  	s2 =	sld [smem:$0x3F96]  }
0x29: {  	s4 =	sld [smem:$0x3F98]  }
0x2a: {  	p0 =	seq.s32 s5, $0x0;
	s5 =	sld [smem:$0x3F99]  }
0x2b: {  	s6 =	sld [smem:$0x3F9A]  }
0x2c: {  	s7 =	sld [smem:$0x3F9B]  }
0x2d: {  	s3 =	simm.s32 $0x108;
	s8 =	sld [smem:$0x3F9C]  }
0x2e: {  	s3 =	simm.s32 @!p0 $0x1082;
	s9 =	sld [smem:$0x3F9D]  }
0x2f: {  	lr =	sadd.s32 s0, s3;
	s0 =	sld [smem:$0x3F94]  }
0x30: {  	s3 =	sld [smem:$0x3F97]  }
0x31: {  	[smem:$0x3FA0] =	sst s10  }
0x32: {  	s10 =	sld [smem:$0x3F9E];
	_ =	sdelay $0x3  }
0x33: {  	p0 =	seq.s32 s10, $0x1;
	s10 =	sld [smem:$0x3FA0];
	_ =	sdelay $0x3  }
0x34: {  	[smem:$0x3FA0] =	sst s10  }
0x35: {  	s10 =	sld [smem:$0x3F9F];
	_ =	sdelay $0x3  }
0x36: {  	p1 =	seq.s32 s10, $0x1;
	s10 =	sld [smem:$0x3FA0];
	_ =	sdelay $0x3  }
0x37: {  	[smem:$0x3FA0] =	sst s10  }
0x38: {  	s10 =	sld [smem:$0x3FA1]  }
0x39: {  	_ = 	snop;
	(pc) =	sbr.ind lr, $3  }
0x3a: {  	_ = 	snop  }
0x3b: {  	_ = 	snop  }
0x3c: {  	p2 =	seq.s32 s10, $0x1;
	s10 =	sld [smem:$0x3FA0]  }
0x3d: {  	_ =	shalt  }
0x3e: {  	_ =	shalt  }
0x3f: {  	_ =	shalt  }
0x40: {  	_ =	shalt  }
0x41: {  	_ =	shalt  }
0x42: {  	_ =	shalt  }
0x43: {  	_ =	shalt  }
0x44: {  	_ =	shalt  }
0x45: {  	_ =	shalt  }
0x46: {  	_ =	shalt  }
0x47: {  	_ =	shalt  }
0x48: {  	_ =	shalt  }
0x49: {  	_ =	shalt  }
0x4a: {  	_ =	shalt  }
0x4b: {  	_ =	shalt  }
0x4c: {  	_ =	shalt  }
0x4d: {  	_ =	shalt  }
0x4e: {  	_ =	shalt  }
0x4f: {  	_ =	shalt  }
0x50: {  	_ =	shalt  }
0x51: {  	_ =	shalt  }
0x52: {  	_ =	shalt  }
0x53: {  	_ =	shalt  }
0x54: {  	_ =	shalt  }
0x55: {  	_ =	shalt  }
0x56: {  	_ =	shalt  }
0x57: {  	_ =	shalt  }
0x58: {  	_ =	shalt  }
0x59: {  	_ =	shalt  }
0x5a: {  	_ =	shalt  }
0x5b: {  	_ =	shalt  }
0x5c: {  	_ =	shalt  }
0x5d: {  	_ =	shalt  }
0x5e: {  	_ =	shalt  }
0x5f: {  	_ =	shalt  }
0x60: {  	_ =	shalt  }
0x61: {  	_ =	shalt  }
0x62: {  	_ =	shalt  }
0x63: {  	_ =	shalt  }
0x64: {  	_ =	shalt  }
0x65: {  	_ =	shalt  }
0x66: {  	_ =	shalt  }
0x67: {  	_ =	shalt  }
0x68: {  	_ =	shalt  }
0x69: {  	_ =	shalt  }
0x6a: {  	_ =	shalt  }
0x6b: {  	_ =	shalt  }
0x6c: {  	_ =	shalt  }
0x6d: {  	_ =	shalt  }
0x6e: {  	_ =	shalt  }
0x6f: {  	_ =	shalt  }
0x70: {  	_ =	shalt  }
0x71: {  	_ =	shalt  }
0x72: {  	_ =	shalt  }
0x73: {  	_ =	shalt  }
0x74: {  	_ =	shalt  }
0x75: {  	_ =	shalt  }
0x76: {  	_ =	shalt  }
0x77: {  	_ =	shalt  }
0x78: {  	_ =	shalt  }
0x79: {  	_ =	shalt  }
0x7a: {  	_ =	shalt  }
0x7b: {  	_ =	shalt  }
0x7c: {  	_ =	shalt  }
0x7d: {  	_ =	shalt  }
0x7e: {  	_ =	shalt  }
0x7f: {  	_ =	shalt  }
0x80: {  	_ =	shalt  }
0x81: {  	_ =	shalt  }
0x82: {  	_ =	shalt  }
0x83: {  	_ =	shalt  }
0x84: {  	_ =	shalt  }
0x85: {  	_ =	shalt  }
0x86: {  	_ =	shalt  }
0x87: {  	_ =	shalt  }
.Lfunc_end0:
.L_simem_size_0:
called_computation.1_lowered:
.L_overlay_start_0:
0x88: {  	s2 =	sld [smem:$0x3FD9]  }
0x89: {  	s3 =	sld [smem:$0x3FFE];
	_ =	sdelay $0x1  }
0x8a: {  	s1 =	srdreg.scid  }
0x8b: {  	s0 =	sand.u32 $0x1, s1  }
0x8c: {  	s16 =	sshll.u32 s0, $0xA;
	s2 =	sadd.s32 s3, s2  }
0x8d: {  	s2 =	sadd.s32 s2, s16  }
0x8e: {  	[smem:$0x3FAC] =	sst s2  }
0x8f: {  	_ = 	snop  }
0x90: {  	(tm) =	ssettm $0x1  }
0x91: {  	s17 =	sld [smem:$0x3FFB];
	_ =	sdelay $0x3  }
0x92: {  	_ =	strace s17  }
0x93: {  	s2 =	sld [smem:$0x3FFC];
	_ =	sdelay $0x3  }
0x94: {  	_ =	strace s2  }
0x95: {  	s2 =	sld [smem:$0x3FFD];
	_ =	sdelay $0x3  }
0x96: {  	_ =	strace s2  }
0x97: {  	_ =	strace $0x8FFFFFFF  }
0x98: {  	s18 =	sld [smem:$0x3FDB];
	_ =	sdelay $0x1  }
0x99: {  	s19 =	simm.s32 $_scs_section_size  }
0x9a: {  	s4 =	simm.s32 $_size__tile_overlayer_lowered;
	s5 =	simm.s32 $_tile_overlayer_lowered  }
0x9b: {  	s22 =	simm.s32 $0x1BFF;
	s21 =	sshll.u32 s5, $0x1;
	s2 =	sadd.s32 s19, s18  }
0x9c: {  	s6 =	simm.s32 $0x0;
	s20 =	sshll.u32 s4, $0x1;
	s4 =	sadd.s32 s21, s2  }
0x9d: {  	[timem:s6], [sflag:s22] =	dma.local [hbm:s4], s20  }
0x9e: {  	_ =	swait.ge [sflag:s22], s20  }
0x9f: {  	s3 =	ssub.s32 $0x0, s20;
	[sflag:s22] =	ssyncset.done $0x0  }
0xa0: {  	[sflag:s22] =	ssyncadd.s32 s3;
	_ =	sdelay $0x1  }
0xa1: {  	s23 =	simm.s32 $0x1B8B  }
0xa2: {  	_ =	swait.ge [sflag:s23], $0x1  }
0xa3: {  	[sflag:s23] =	ssyncset.done $0x0  }
0xa4: {  	s25 =	simm.s32 $0x1B8E;
	s24 =	sld [smem:$0x3FFE];
	[sflag:s23] =	ssyncadd.s32 $0xFFFFFFFF  }
0xa5: {  	s26 =	simm.s32 $execute0_lowered;
	[smem:$0x3FD2] =	sst s25  }
0xa6: {  	s4 =	sshll.u32 s26, $0x1;
	_ =	strace $0x80000046;
	[dreg:$0x1] =	wrdreg $0xFFFFFFFF  }
0xa7: {  	s28 =	simm.s32 $_size_execute0_lowered;
	s2 =	sadd.s32 s2, s4;
	[dreg:$0x0] =	wrdreg $0x0  }
0xa8: {  	s4 =	sshll.u32 s28, $0x1;
	[dreg:$0x2] =	wrdreg s2  }
0xa9: {  	[dreg:$0x3] =	wrdreg s4  }
0xaa: {  	[dreg:$0x4] =	wrdreg $0xC0  }
0xab: {  	_ =	task [dreg:s6], $0x5FFFF  }
0xac: {  	[dreg:$0x1] =	wrdreg $0xFFFFFFFF  }
0xad: {  	[dreg:$0x0] =	wrdreg $0x60  }
0xae: {  	[dreg:$0x2] =	wrdreg s24  }
0xaf: {  	[dreg:$0x3] =	wrdreg $0xA  }
0xb0: {  	_ =	task.clear_ibuf [dreg:s6], $0x4FFFF;
	_ =	strace $0x90000046  }
0xb1: {  	s29 =	simm.s32 $0xA;
	_ =	strace $0x80000048  }
0xb2: {  	_ =	swait.ge [sflag:s29], $0x1  }
0xb3: {  	[sflag:s29] =	ssyncadd.s32 $0xFFFFFFFF  }
0xb4: {  	_ =	strace $0x90000048  }
0xb5: {  	_ =	sfence  }
0xb6: {  	s30 =	sld [smem:$0x0];
	_ =	sdelay $0x2  }
0xb7: {  	s31 =	sshll.u32 s1, $0xD;
	s1 =	sshrl.u32 s1, $0x2  }
0xb8: {  	s3 =	sand.u32 $0x4000, s31;
	s1 =	sadd.s32 s1, s30  }
0xb9: {  	s0 =	sor.u32 s3, s0;
	s1 =	sshll.u32 s1, $0x11  }
0xba: {  	s0 =	sor.u32 s1, s0  }
0xbb: {  	s0 =	sadd.s32 $0x8F2B, s0  }
0xbc: {  	[sflag:s0] =	ssyncadd.remote.s32 $0x1  }
0xbd: {  	_ =	sfence.sel $0xFFFF  }
0xbe: {  	[dreg:$0x0] =	wrdreg $0xFFFFFFFF;
	(pc) =	sbr.abs _section_cstart, $3  }
0xbf: {  	[dreg:$0x1] =	wrdreg $0xFFFFFFFF  }
0xc0: {  	_ =	task.clear_ibuf [dreg:s6], $0x2FFFF;
	_ =	strace $0x9FFFFFFF  }
0xc1: {  	(tm) =	ssettm $0x7FFFFFFF  }
tec
execute0_lowered:
.L_overlay_start_1:
0x0: {  	(tag) =	ssettag $0x1  }
0x1: {  	s0 =	srdreg.scid;
	s5 =	rddreg [dreg:$0x0]  }
0x2: {  	s1 =	stileid.u32;
	s6 =	simm.s32 $0x1;
	s9 =	simm.s32 $0x1  }
0x3: {  	s10 =	simm.s32 $0x3;
	s13 =	simm.s32 $0x0;
	s2 =	sshll.u32 s0, $0xC  }
0x4: {  	s12 =	simm.s32 $0x0;
	s3 =	sshll.u32 s1, $0xD;
	s4 =	sand.u32 $0x1000, s2  }
0x5: {  	s0 =	rddreg [dreg:$0x1];
	_ =	strace $0x80000047;
	s3 =	sor.u32 s3, s4  }
0x6: {  	s2 =	sadd.s32 $0x276600, s5;
	[sflag:s6] =	ssyncpa.u1 $0x0;
	s8 =	ssub.s32 $0x28000, s3  }
.Ltmp0:
0x7: {  	s4 =	sadd.s32 $0x280600, s5;
	s7 =	sand.u32 $0x1F000, s8;
	(pc) =	sbr.rel .LBB2_1-.Ltmp0, $4  }
0x8: {  	s5 =	sadd.s32 $0x285600, s5;
	s11 =	smov.u32 s3;
	p0 =	sne.s32 s7, $0x0  }
0x9: {  	s8 =	sshrl.u32 s8, $0x11;
	s7 =	simm.s32 $0x2;
	s9 =	simm.s32 @!p0 $0x0  }
0xa: {  	[sflag:s7] =	ssyncpa.u1 $0x0;
	p0 =	por $0x0, $0x0;
	s8 =	sadd.s32 s9, s8  }
0xb: {  	vm0 =	vmmov $0xffff;
	[sflag:s10] =	ssyncpa.u1 $0x0;
	s10 =	simm.s32 $0x0;
	s9 =	sadd.s32 $0x1, s8  }
.LBB2_4:
0xc: {  	v2 =	vnsel vm1, $0x0, v2  }
0xd: {  	vm1 =	vgt.s32 v0, $0x0;
	v2 =	vmin.u32 v2, $0x270FF  }
0xe: {  	v0 =	vnsel vm1, $0x0, v0  }
0xf: {  	v0 =	vmin.u32 v0, $0x270FF  }
0x10: {  	[tilespmem:s15], [sflag:$0x1] =	stream.indirect_vreg.gather [hbm4b:s2+s10], $0x1, v1, vm0, $0x4038;
	[tilespmem:$0x4000] =	vst v63  }
0x11: {  	(ifvalue) =	ssetifvalue $0x7FFFFFFF  }
0x12: {  	[tilespmem:s16], [sflag:$0x1] =	stream.indirect_vreg.gather [hbm4b:s2+s10], $0x1, v2, vm0, $0x4038;
	[tilespmem:$0x4000] =	vst v63  }
0x13: {  	s29 =	sadd.s32 $0x10, s16;
	(ifvalue) =	ssetifvalue $0x7FFFFFFF  }
0x14: {  	[tilespmem:s29], [sflag:$0x1] =	stream.indirect_vreg.gather [hbm4b:s2+s10], $0x1, v0, vm0, $0x4038;
	[tilespmem:$0x4000] =	vst v63  }
0x15: {  	_ =	swait.ge [sflag:s6], $0x1000  }
0x16: {  	s30 =	sshrl.u32 s13, $0x3;
	[sflag:s6] =	ssyncset.done $0x0  }
0x17: {  	s31 =	sand.u32 $0x7, s13;
	s15 =	sadd.s32 s5, s30;
	[sflag:s6] =	ssyncadd.s32 $0xFFFFF000  }
0x18: {  	[hbm4b:s15+s31] =	stream.linear.scatter [tilespmem:s14], [sflag:$0x3], $0x1000, $0x38;
	[tilespmem:$0x4000] =	vst v63  }
.LBB2_5:
0x19: {  	s15 =	sadd.s32 $0x20000, s11  }
0x1a: {  	p2 =	sgt.s32 s15, $0x27FFF  }
0x1b: {  	s15 =	smov.u32 @p2 s3;
	p2 =	sne.s32 s12, s9  }
.Ltmp1:
0x1c: {  	p1 =	slt.u32 s12, $0x2;
	(pc) =	sbr.rel @!p2 .LBB2_6-.Ltmp1, $4  }
0x1d: {  	s14 =	simm.s32 @!p1 $0x3  }
0x1e: {  	s16 =	sadd.s32 $0x1, s12;
	_ =	swait.ge @!p1 [sflag:s14], $0x1000  }
0x1f: {  	s13 =	smov.u32 s11;
	p0 =	por !p0, !p0;
	[sflag:s14] =	ssyncset.done @!p1 $0x0  }
0x20: {  	s12 =	smov.u32 s16;
	s11 =	smov.u32 s15;
	[sflag:s14] =	ssyncadd.s32 @!p1 $0xFFFFF000  }
.LBB2_1:
0x21: {  	p1 =	sge.u32 s12, s8  }
0x22: {  	s14 =	sxor.u32 @!p1 $0xFFFFFFFF, s12  }
0x23: {  	s31 =	sadd.s32 $0xFFFFFFFF, s12;
	s15 =	sshrl.u32 @!p1 s11, $0x3;
	s14 =	sshll.u32 @!p1 s14, $0xC  }
0x24: {  	s16 =	sand.u32 @!p1 $0x7, s11;
	s15 =	sadd.s32 @!p1 s4, s15;
	s14 =	sand.u32 @!p1 $0x1000, s14  }
0x25: {  	[tilespmem:s14], [sflag:$0x2] =	stream.linear.gather @!p1 [hbm4b:s15+s16], $0x1000, $0x38;
	[tilespmem:$0x4000] =	vst v63  }
0x26: {  	p1 =	sge.u32 s31, s8  }
.Ltmp2:
0x27: {  	_ = 	snop;
	(pc) =	sbr.rel @p1 .LBB2_5-.Ltmp2, $1  }
0x28: {  	_ =	sdelay $0x3  }
0x29: {  	s14 =	simm.s32 $0x1  }
0x2a: {  	_ =	swait.ge [sflag:s7], $0x1000;
	s14 =	simm.s32 @!p0 $0x0  }
0x2b: {  	[sflag:s7] =	ssyncset.done $0x0;
	s14 =	sshll.u32 s14, $0xC  }
0x2c: {  	[sflag:s7] =	ssyncadd.s32 $0xFFFFF000;
	(ifvalue) =	ssetifvalue $0x7FFFFFFF;
	v0 =	vld.msk [tilespmem:s14+$0x0 ss:$0x1], $0xffff;
	_ =	sdelay $0x4  }
0x2d: {  	s15 =	sadd.s32 $0x10, s14;
	vm1 =	vgt.s32 v0, $0x0  }
0x2e: {  	v2 =	vld.msk [tilespmem:s15+$0x0 ss:$0x1], $0xffff;
	v1 =	vnsel vm1, $0x0, v0  }
0x2f: {  	v1 =	vmin.u32 v1, $0x270FF;
	_ =	sdelay $0x1  }
0x30: {  	s16 =	sshll.u32 s12, $0xC;
	s18 =	simm.s32 $0x20  }
0x31: {  	s16 =	sand.u32 $0x1000, s16;
	s17 =	sadd.s32 $0x10, s15;
	s15 =	sor.u32 $0x2000, s14  }
0x32: {  	s14 =	sor.u32 $0x2000, s16;
	s16 =	sadd.s32 $0x10, s15;
	v0 =	vld.msk [tilespmem:s17+$0x0 ss:$0x1], $0xffff;
	vm1 =	vgt.s32 v2, $0x0;
	(ifvalue) =	ssetifvalue $0x7FFFFFFF  }
.LBB2_3:
0x33: {  	[tilespmem:s15], [sflag:$0x1] =	stream.indirect_vreg.gather [hbm4b:s2+s10], $0x1, v1, vm0, $0x4038;
	[tilespmem:$0x4000] =	vst v63  }
0x34: {  	s18 =	sadd.s32 $0x10, s18  }
0x35: {  	v2 =	vnsel vm1, $0x0, v2;
	p1 =	slt.u32 s18, $0xFF0  }
.Ltmp3:
0x36: {  	s15 =	smov.u32 s16;
	v1 =	vmin.u32 v2, $0x270FF;
	(pc) =	sbr.rel @p1 .LBB2_3-.Ltmp3, $3  }
0x37: {  	_ =	sdelay $0x1  }
0x38: {  	s17 =	sadd.s32 $0x10, s17  }
0x39: {  	vm1 =	vgt.s32 v0, $0x0;
	s16 =	sadd.s32 $0x10, s16;
	v2 =	vmov v0;
	(ifvalue) =	ssetifvalue $0x7FFFFFFF;
	v0 =	vld.msk [tilespmem:s17+$0x0 ss:$0x1], $0xffff  }
.Ltmp4:
0x3a: {  	_ = 	snop;
	(pc) =	sbr.rel .LBB2_4-.Ltmp4, $1  }
0x3b: {  	_ =	sdelay $0x3  }
.LBB2_6:
0x3c: {  	_ =	sfence.sel $0x180000  }
0x3d: {  	s2 =	simm.s32 $0x2;
	[bflag:$0x0] =	sbarrier.arrive $0xFFFF  }
0x3e: {  	s30 =	simm.s32 $0x3;
	[sflag:s2] =	ssyncpa.u1 $0x1  }
0x3f: {  	s31 =	simm.s32 $0x1;
	[sflag:s30] =	ssyncpa.u1 $0x1  }
0x40: {  	[sflag:s31] =	ssyncpa.u1 $0x1  }
0x41: {  	p0 =	sne.s32 s1, $0x0;
	_ =	strace $0x90000047  }
0x42: {  	s0 =	sadd.s32 @!p0 $0x100000, s0;
	[bflag:$0x2] =	sbarrier.arrive $0xFFFF  }
0x43: {  	[sflag:s0] =	ssyncadd.tile.s32 @!p0 $0x1;
	_ =	shalt  }
.Lfunc_end2:
_tile_overlayer_lowered:
.L_overlay_start_2:
0x44: {  	(tag) =	ssettag $0x2  }
0x45: {  	s0 =	rddreg [dreg:$0x0];
	s2 =	stileid.u32  }
0x46: {  	s1 =	rddreg [dreg:$0x1];
	p0 =	sne.s32 s2, $0x0  }
0x47: {  	s3 =	rddreg [dreg:$0x2];
	[bflag:$0x3] =	sbarrier.arrive $0xFFFF;
	s2 =	simm.s32 @!p0 $0x1C01  }
0x48: {  	[timem:s3], [sflag:s2] =	dma.local @!p0 [hbm:s0], s1  }
0x49: {  	s0 =	simm.s32 @!p0 $0x1  }
0x4a: {  	_ =	swait.ge @!p0 [sflag:s0], s1  }
0x4b: {  	s1 =	ssub.s32 @!p0 $0x0, s1;
	[sflag:s0] =	ssyncset.done @!p0 $0x0  }
0x4c: {  	[sflag:s0] =	ssyncadd.s32 @!p0 s1  }
0x4d: {  	[bflag:$0x3] =	sbarrier.arrive $0xFFFF  }
0x4e: {  	_ =	shalt  }

// kernel: gather_offload_async_start.2
scs
__scs_entry_jumppad:
0x0: {  	(pc) =	sbr.rel $0x88, $3  }
0x1: {  	(tag) =	ssettag $0x0;
	lr =	simm.s32 $0x1  }
0x2: {  	[smem:$0x3F85] =	sst lr;
	_ =	strace $0xD0000000  }
0x3: {  	_ = 	snop  }
0x4: {  	_ = 	snop  }
0x5: {  	_ = 	snop  }
0x6: {  	_ = 	snop  }
0x7: {  	_ = 	snop  }
__scs_overlays_trampoline_lowered:
0x8: {  	[smem:$0x3F94] =	sst s0  }
0x9: {  	[smem:$0x3F95] =	sst s1  }
0xa: {  	[smem:$0x3F96] =	sst s2  }
0xb: {  	[smem:$0x3F97] =	sst s3  }
0xc: {  	[smem:$0x3F98] =	sst s4  }
0xd: {  	[smem:$0x3F99] =	sst s5  }
0xe: {  	[smem:$0x3F9A] =	sst s6  }
0xf: {  	[smem:$0x3F9B] =	sst s7  }
0x10: {  	[smem:$0x3F9C] =	sst s8  }
0x11: {  	[smem:$0x3F9D] =	sst s9;
	s0 =	simm.s32 @!p0 $0x0  }
0x12: {  	s1 =	sld [smem:$0x3F83];
	s0 =	simm.s32 @p0 $0x1  }
0x13: {  	[smem:$0x3F9E] =	sst s0;
	s0 =	simm.s32 @!p1 $0x0  }
0x14: {  	s2 =	sld [smem:$0x3F82];
	s0 =	simm.s32 @p1 $0x1  }
0x15: {  	[smem:$0x3F9F] =	sst s0;
	s0 =	simm.s32 @!p2 $0x0  }
0x16: {  	s3 =	sld [smem:$0x3FDB];
	s0 =	simm.s32 @p2 $0x1  }
0x17: {  	s4 =	simm.s32 $0x1BF5;
	[smem:$0x3FA1] =	sst s0  }
0x18: {  	s0 =	sld [smem:$0x3F84];
	_ =	swait.ge [sflag:s4], $0x0  }
0x19: {  	s7 =	sld [smem:$0x3F85]  }
0x1a: {  	s8 =	sadd.s32 $0xFFFFE003, lr  }
0x1b: {  	s9 =	sadd.s32 $0xFFFFFEF7, lr;
	s5 =	simm.s32 $0xFFFFFFFF;
	p2 =	slt.u32 s8, $0xFFFFF086  }
0x1c: {  	p1 =	slt.u32 s9, $0xF7A;
	s5 =	simm.s32 @!p2 $0x0  }
0x1d: {  	s5 =	simm.s32 @p1 $0x1;
	p0 =	seq.s32 s7, s2  }
0x1e: {  	s7 =	smul.u32 @!p0 $0xF7A, s2;
	p2 =	seq.s32 @!p0 s5, $0x0  }
0x1f: {  	s9 =	smul.u32 $0xF7A, s1;
	s8 =	simm.s32 @!p0 $0x1BF5;
	p2 =	por !p2, p0  }
0x20: {  	[sflag:s8] =	ssyncset.s32 @!p0 $0xFFFFF086;
	s6 =	sadd.s32 @!p0 s3, s7;
	s7 =	simm.s32 @!p0 $0x108  }
0x21: {  	s3 =	sadd.s32 s3, s9;
	s6 =	sadd.s32 @!p0 $0x88, s6;
	s7 =	simm.s32 @p2 $0x1082  }
0x22: {  	[simem:s7], [sflag:s8] =	dma.local @!p0 [hbm:s6], $0xF7A  }
0x23: {  	s9 =	sor.u32 $0xD0000000, s2;
	s6 =	simm.s32 $0x108;
	_ =	swait.ge @!p0 [sflag:s8], $0x0  }
0x24: {  	s3 =	sadd.s32 $0x88, s3;
	s6 =	simm.s32 @!p1 $0x1082;
	[sflag:s4] =	ssyncset.s32 $0xFFFFF086  }
0x25: {  	[simem:s6], [sflag:s4] =	dma.local [hbm:s3], $0xF7A  }
0x26: {  	[smem:$0x3F85] =	sst s1;
	(tag) =	ssettag s2;
	_ =	strace s9  }
0x27: {  	s1 =	sld [smem:$0x3F95]  }
0x28: {  	s2 =	sld [smem:$0x3F96]  }
0x29: {  	s4 =	sld [smem:$0x3F98]  }
0x2a: {  	p0 =	seq.s32 s5, $0x0;
	s5 =	sld [smem:$0x3F99]  }
0x2b: {  	s6 =	sld [smem:$0x3F9A]  }
0x2c: {  	s7 =	sld [smem:$0x3F9B]  }
0x2d: {  	s3 =	simm.s32 $0x108;
	s8 =	sld [smem:$0x3F9C]  }
0x2e: {  	s3 =	simm.s32 @!p0 $0x1082;
	s9 =	sld [smem:$0x3F9D]  }
0x2f: {  	lr =	sadd.s32 s0, s3;
	s0 =	sld [smem:$0x3F94]  }
0x30: {  	s3 =	sld [smem:$0x3F97]  }
0x31: {  	[smem:$0x3FA0] =	sst s10  }
0x32: {  	s10 =	sld [smem:$0x3F9E];
	_ =	sdelay $0x3  }
0x33: {  	p0 =	seq.s32 s10, $0x1;
	s10 =	sld [smem:$0x3FA0];
	_ =	sdelay $0x3  }
0x34: {  	[smem:$0x3FA0] =	sst s10  }
0x35: {  	s10 =	sld [smem:$0x3F9F];
	_ =	sdelay $0x3  }
0x36: {  	p1 =	seq.s32 s10, $0x1;
	s10 =	sld [smem:$0x3FA0];
	_ =	sdelay $0x3  }
0x37: {  	[smem:$0x3FA0] =	sst s10  }
0x38: {  	s10 =	sld [smem:$0x3FA1]  }
0x39: {  	_ = 	snop;
	(pc) =	sbr.ind lr, $3  }
0x3a: {  	_ = 	snop  }
0x3b: {  	_ = 	snop  }
0x3c: {  	p2 =	seq.s32 s10, $0x1;
	s10 =	sld [smem:$0x3FA0]  }
0x3d: {  	_ =	shalt  }
0x3e: {  	_ =	shalt  }
0x3f: {  	_ =	shalt  }
0x40: {  	_ =	shalt  }
0x41: {  	_ =	shalt  }
0x42: {  	_ =	shalt  }
0x43: {  	_ =	shalt  }
0x44: {  	_ =	shalt  }
0x45: {  	_ =	shalt  }
0x46: {  	_ =	shalt  }
0x47: {  	_ =	shalt  }
0x48: {  	_ =	shalt  }
0x49: {  	_ =	shalt  }
0x4a: {  	_ =	shalt  }
0x4b: {  	_ =	shalt  }
0x4c: {  	_ =	shalt  }
0x4d: {  	_ =	shalt  }
0x4e: {  	_ =	shalt  }
0x4f: {  	_ =	shalt  }
0x50: {  	_ =	shalt  }
0x51: {  	_ =	shalt  }
0x52: {  	_ =	shalt  }
0x53: {  	_ =	shalt  }
0x54: {  	_ =	shalt  }
0x55: {  	_ =	shalt  }
0x56: {  	_ =	shalt  }
0x57: {  	_ =	shalt  }
0x58: {  	_ =	shalt  }
0x59: {  	_ =	shalt  }
0x5a: {  	_ =	shalt  }
0x5b: {  	_ =	shalt  }
0x5c: {  	_ =	shalt  }
0x5d: {  	_ =	shalt  }
0x5e: {  	_ =	shalt  }
0x5f: {  	_ =	shalt  }
0x60: {  	_ =	shalt  }
0x61: {  	_ =	shalt  }
0x62: {  	_ =	shalt  }
0x63: {  	_ =	shalt  }
0x64: {  	_ =	shalt  }
0x65: {  	_ =	shalt  }
0x66: {  	_ =	shalt  }
0x67: {  	_ =	shalt  }
0x68: {  	_ =	shalt  }
0x69: {  	_ =	shalt  }
0x6a: {  	_ =	shalt  }
0x6b: {  	_ =	shalt  }
0x6c: {  	_ =	shalt  }
0x6d: {  	_ =	shalt  }
0x6e: {  	_ =	shalt  }
0x6f: {  	_ =	shalt  }
0x70: {  	_ =	shalt  }
0x71: {  	_ =	shalt  }
0x72: {  	_ =	shalt  }
0x73: {  	_ =	shalt  }
0x74: {  	_ =	shalt  }
0x75: {  	_ =	shalt  }
0x76: {  	_ =	shalt  }
0x77: {  	_ =	shalt  }
0x78: {  	_ =	shalt  }
0x79: {  	_ =	shalt  }
0x7a: {  	_ =	shalt  }
0x7b: {  	_ =	shalt  }
0x7c: {  	_ =	shalt  }
0x7d: {  	_ =	shalt  }
0x7e: {  	_ =	shalt  }
0x7f: {  	_ =	shalt  }
0x80: {  	_ =	shalt  }
0x81: {  	_ =	shalt  }
0x82: {  	_ =	shalt  }
0x83: {  	_ =	shalt  }
0x84: {  	_ =	shalt  }
0x85: {  	_ =	shalt  }
0x86: {  	_ =	shalt  }
0x87: {  	_ =	shalt  }
.Lfunc_end0:
.L_simem_size_0:
called_computation.2_lowered:
.L_overlay_start_0:
0x88: {  	s2 =	sld [smem:$0x3FD9]  }
0x89: {  	s3 =	sld [smem:$0x3FFE];
	_ =	sdelay $0x1  }
0x8a: {  	s1 =	srdreg.scid  }
0x8b: {  	s0 =	sand.u32 $0x1, s1  }
0x8c: {  	s17 =	sshll.u32 s0, $0xA;
	s2 =	sadd.s32 s3, s2  }
0x8d: {  	s2 =	sadd.s32 s2, s17  }
0x8e: {  	[smem:$0x3FAC] =	sst s2  }
0x8f: {  	_ = 	snop  }
0x90: {  	(tm) =	ssettm $0x1  }
0x91: {  	s18 =	sld [smem:$0x3FFB];
	_ =	sdelay $0x3  }
0x92: {  	_ =	strace s18  }
0x93: {  	s2 =	sld [smem:$0x3FFC];
	_ =	sdelay $0x3  }
0x94: {  	_ =	strace s2  }
0x95: {  	s2 =	sld [smem:$0x3FFD];
	_ =	sdelay $0x3  }
0x96: {  	_ =	strace s2  }
0x97: {  	_ =	strace $0x8FFFFFFF  }
0x98: {  	s19 =	sld [smem:$0x3FDB];
	_ =	sdelay $0x1  }
0x99: {  	s20 =	simm.s32 $_scs_section_size  }
0x9a: {  	s4 =	simm.s32 $_size__tile_overlayer_lowered;
	s5 =	simm.s32 $_tile_overlayer_lowered  }
0x9b: {  	s6 =	simm.s32 $0x1BFF;
	s21 =	sshll.u32 s5, $0x1;
	s3 =	sadd.s32 s20, s19  }
0x9c: {  	s22 =	simm.s32 $0x0;
	s4 =	sshll.u32 s4, $0x1;
	s5 =	sadd.s32 s21, s3  }
0x9d: {  	[timem:s22], [sflag:s6] =	dma.local [hbm:s5], s4  }
0x9e: {  	_ =	swait.ge [sflag:s6], s4  }
0x9f: {  	s4 =	ssub.s32 $0x0, s4;
	[sflag:s6] =	ssyncset.done $0x0  }
0xa0: {  	[sflag:s6] =	ssyncadd.s32 s4;
	_ =	sdelay $0x1  }
0xa1: {  	s23 =	simm.s32 $0x1B8B  }
0xa2: {  	_ =	swait.ge [sflag:s23], $0x1  }
0xa3: {  	[sflag:s23] =	ssyncset.done $0x0  }
0xa4: {  	[sflag:s23] =	ssyncadd.s32 $0xFFFFFFFF  }
0xa5: {  	s4 =	sld [smem:$0x0]  }
0xa6: {  	s5 =	sand.u32 $0xFFFFFFFE, s1  }
0xa7: {  	p0 =	sne.s32 s1, s5  }
0xa8: {  	s5 =	sshll.u32 @p0 s5, $0xE  }
0xa9: {  	s5 =	sadd.s32 @p0 $0x11B8D, s5;
	s6 =	sshll.u32 @p0 s4, $0x11  }
0xaa: {  	s5 =	sor.u32 @p0 s6, s5  }
0xab: {  	[sflag:s5] =	ssyncadd.remote.s32 @p0 $0x1;
	_ =	sdelay $0x1  }
0xac: {  	s5 =	simm.s32 @p0 $0x1B8D  }
0xad: {  	_ =	swait.eq @p0 [sflag:s5], $0x1  }
0xae: {  	[sflag:s5] =	ssyncadd.s32 @p0 $0xFFFFFFFF  }
0xaf: {  	s6 =	sshll.u32 @!p0 s1, $0xE  }
0xb0: {  	s6 =	sor.u32 @!p0 $0x4000, s6;
	s5 =	simm.s32 @!p0 $0x1B8D  }
0xb1: {  	s4 =	sshll.u32 @!p0 s4, $0x11;
	s6 =	sadd.s32 @!p0 $0x11B8D, s6;
	_ =	swait.eq @!p0 [sflag:s5], $0x1  }
0xb2: {  	s4 =	sor.u32 @!p0 s4, s6;
	[sflag:s5] =	ssyncadd.s32 @!p0 $0xFFFFFFFF  }
0xb3: {  	s25 =	simm.s32 $0x1B8E;
	s24 =	sld [smem:$0x3FFE];
	[sflag:s4] =	ssyncadd.remote.s32 @!p0 $0x1  }
0xb4: {  	s26 =	simm.s32 $execute0_lowered;
	[smem:$0x3FD2] =	sst s25  }
0xb5: {  	s5 =	sshll.u32 s26, $0x1;
	_ =	strace $0x80000049;
	[dreg:$0x1] =	wrdreg $0xFFFFFFFF  }
0xb6: {  	s28 =	simm.s32 $_size_execute0_lowered;
	s3 =	sadd.s32 s3, s5;
	[dreg:$0x0] =	wrdreg $0x0  }
0xb7: {  	s5 =	sshll.u32 s28, $0x1;
	[dreg:$0x2] =	wrdreg s3  }
0xb8: {  	[dreg:$0x3] =	wrdreg s5  }
0xb9: {  	[dreg:$0x4] =	wrdreg $0xC0  }
0xba: {  	_ =	task [dreg:s22], $0x5FFFF  }
0xbb: {  	[dreg:$0x1] =	wrdreg $0xFFFFFFFF  }
0xbc: {  	[dreg:$0x0] =	wrdreg $0x60  }
0xbd: {  	[dreg:$0x2] =	wrdreg s24  }
0xbe: {  	[dreg:$0x3] =	wrdreg $0xB  }
0xbf: {  	_ =	task.clear_ibuf [dreg:s22], $0x4FFFF;
	_ =	strace $0x90000049  }
0xc0: {  	s29 =	simm.s32 $0xB;
	_ =	strace $0x8000004B  }
0xc1: {  	_ =	swait.ge [sflag:s29], $0x1  }
0xc2: {  	[sflag:s29] =	ssyncadd.s32 $0xFFFFFFFF  }
0xc3: {  	_ =	strace $0x9000004B  }
0xc4: {  	_ =	sfence  }
0xc5: {  	s30 =	sld [smem:$0x0];
	_ =	sdelay $0x2  }
0xc6: {  	s31 =	sshll.u32 s1, $0xD;
	s1 =	sshrl.u32 s1, $0x2  }
0xc7: {  	s4 =	sand.u32 $0x4000, s31;
	s1 =	sadd.s32 s1, s30  }
0xc8: {  	s0 =	sor.u32 s4, s0;
	s1 =	sshll.u32 s1, $0x11  }
0xc9: {  	s0 =	sor.u32 s1, s0  }
0xca: {  	s0 =	sadd.s32 $0x8F2B, s0  }
0xcb: {  	[sflag:s0] =	ssyncadd.remote.s32 $0x1  }
0xcc: {  	_ =	sfence.sel $0xFFFF  }
0xcd: {  	[dreg:$0x0] =	wrdreg $0xFFFFFFFF;
	(pc) =	sbr.abs _section_cstart, $3  }
0xce: {  	[dreg:$0x1] =	wrdreg $0xFFFFFFFF  }
0xcf: {  	_ =	task.clear_ibuf [dreg:s22], $0x2FFFF;
	_ =	strace $0x9FFFFFFF  }
0xd0: {  	(tm) =	ssettm $0x7FFFFFFF  }
0xd1: {  	_ =	shalt  }
tec
execute0_lowered:
.L_overlay_start_1:
0x0: {  	(tag) =	ssettag $0x1  }
0x1: {  	s0 =	srdreg.scid;
	s5 =	rddreg [dreg:$0x0]  }
0x2: {  	s1 =	stileid.u32;
	s6 =	simm.s32 $0x1;
	s9 =	simm.s32 $0x1  }
0x3: {  	s10 =	simm.s32 $0x3;
	s13 =	simm.s32 $0x0;
	s2 =	sshll.u32 s0, $0xC  }
0x4: {  	s12 =	simm.s32 $0x0;
	s3 =	sshll.u32 s1, $0xD;
	s4 =	sand.u32 $0x1000, s2  }
0x5: {  	s0 =	rddreg [dreg:$0x1];
	_ =	strace $0x8000004A;
	s3 =	sor.u32 s3, s4  }
0x6: {  	s2 =	sadd.s32 $0x27B600, s5;
	[sflag:s6] =	ssyncpa.u1 $0x0;
	s8 =	ssub.s32 $0x28000, s3  }
.Ltmp0:
0x7: {  	s4 =	sadd.s32 $0x280600, s5;
	s7 =	sand.u32 $0x1F000, s8;
	(pc) =	sbr.rel .LBB2_1-.Ltmp0, $4  }
0x8: {  	s5 =	sadd.s32 $0x28A600, s5;
	s11 =	smov.u32 s3;
	p0 =	sne.s32 s7, $0x0  }
0x9: {  	s8 =	sshrl.u32 s8, $0x11;
	s7 =	simm.s32 $0x2;
	s9 =	simm.s32 @!p0 $0x0  }
0xa: {  	[sflag:s7] =	ssyncpa.u1 $0x0;
	p0 =	por $0x0, $0x0;
	s8 =	sadd.s32 s9, s8  }
0xb: {  	vm0 =	vmmov $0xffff;
	[sflag:s10] =	ssyncpa.u1 $0x0;
	s10 =	simm.s32 $0x0;
	s9 =	sadd.s32 $0x1, s8  }
.LBB2_4:
0xc: {  	v2 =	vnsel vm1, $0x0, v2  }
0xd: {  	vm1 =	vgt.s32 v0, $0x0;
	v2 =	vmin.u32 v2, $0x270FF  }
0xe: {  	v0 =	vnsel vm1, $0x0, v0  }
0xf: {  	v0 =	vmin.u32 v0, $0x270FF  }
0x10: {  	[tilespmem:s15], [sflag:$0x1] =	stream.indirect_vreg.gather [hbm4b:s2+s10], $0x1, v1, vm0, $0x4038;
	[tilespmem:$0x4000] =	vst v63  }
0x11: {  	(ifvalue) =	ssetifvalue $0x7FFFFFFF  }
0x12: {  	[tilespmem:s16], [sflag:$0x1] =	stream.indirect_vreg.gather [hbm4b:s2+s10], $0x1, v2, vm0, $0x4038;
	[tilespmem:$0x4000] =	vst v63  }
0x13: {  	s29 =	sadd.s32 $0x10, s16;
	(ifvalue) =	ssetifvalue $0x7FFFFFFF  }
0x14: {  	[tilespmem:s29], [sflag:$0x1] =	stream.indirect_vreg.gather [hbm4b:s2+s10], $0x1, v0, vm0, $0x4038;
	[tilespmem:$0x4000] =	vst v63  }
0x15: {  	_ =	swait.ge [sflag:s6], $0x1000  }
0x16: {  	s30 =	sshrl.u32 s13, $0x3;
	[sflag:s6] =	ssyncset.done $0x0  }
0x17: {  	s31 =	sand.u32 $0x7, s13;
	s15 =	sadd.s32 s5, s30;
	[sflag:s6] =	ssyncadd.s32 $0xFFFFF000  }
0x18: {  	[hbm4b:s15+s31] =	stream.linear.scatter [tilespmem:s14], [sflag:$0x3], $0x1000, $0x38;
	[tilespmem:$0x4000] =	vst v63  }
.LBB2_5:
0x19: {  	s15 =	sadd.s32 $0x20000, s11  }
0x1a: {  	p2 =	sgt.s32 s15, $0x27FFF  }
0x1b: {  	s15 =	smov.u32 @p2 s3;
	p2 =	sne.s32 s12, s9  }
.Ltmp1:
0x1c: {  	p1 =	slt.u32 s12, $0x2;
	(pc) =	sbr.rel @!p2 .LBB2_6-.Ltmp1, $4  }
0x1d: {  	s14 =	simm.s32 @!p1 $0x3  }
0x1e: {  	s16 =	sadd.s32 $0x1, s12;
	_ =	swait.ge @!p1 [sflag:s14], $0x1000  }
0x1f: {  	s13 =	smov.u32 s11;
	p0 =	por !p0, !p0;
	[sflag:s14] =	ssyncset.done @!p1 $0x0  }
0x20: {  	s12 =	smov.u32 s16;
	s11 =	smov.u32 s15;
	[sflag:s14] =	ssyncadd.s32 @!p1 $0xFFFFF000  }
.LBB2_1:
0x21: {  	p1 =	sge.u32 s12, s8  }
0x22: {  	s14 =	sxor.u32 @!p1 $0xFFFFFFFF, s12  }
0x23: {  	s31 =	sadd.s32 $0xFFFFFFFF, s12;
	s15 =	sshrl.u32 @!p1 s11, $0x3;
	s14 =	sshll.u32 @!p1 s14, $0xC  }
0x24: {  	s16 =	sand.u32 @!p1 $0x7, s11;
	s15 =	sadd.s32 @!p1 s4, s15;
	s14 =	sand.u32 @!p1 $0x1000, s14  }
0x25: {  	[tilespmem:s14], [sflag:$0x2] =	stream.linear.gather @!p1 [hbm4b:s15+s16], $0x1000, $0x38;
	[tilespmem:$0x4000] =	vst v63  }
0x26: {  	p1 =	sge.u32 s31, s8  }
.Ltmp2:
0x27: {  	_ = 	snop;
	(pc) =	sbr.rel @p1 .LBB2_5-.Ltmp2, $1  }
0x28: {  	_ =	sdelay $0x3  }
0x29: {  	s14 =	simm.s32 $0x1  }
0x2a: {  	_ =	swait.ge [sflag:s7], $0x1000;
	s14 =	simm.s32 @!p0 $0x0  }
0x2b: {  	[sflag:s7] =	ssyncset.done $0x0;
	s14 =	sshll.u32 s14, $0xC  }
0x2c: {  	[sflag:s7] =	ssyncadd.s32 $0xFFFFF000;
	(ifvalue) =	ssetifvalue $0x7FFFFFFF;
	v0 =	vld.msk [tilespmem:s14+$0x0 ss:$0x1], $0xffff;
	_ =	sdelay $0x4  }
0x2d: {  	s15 =	sadd.s32 $0x10, s14;
	vm1 =	vgt.s32 v0, $0x0  }
0x2e: {  	v2 =	vld.msk [tilespmem:s15+$0x0 ss:$0x1], $0xffff;
	v1 =	vnsel vm1, $0x0, v0  }
0x2f: {  	v1 =	vmin.u32 v1, $0x270FF;
	_ =	sdelay $0x1  }
0x30: {  	s16 =	sshll.u32 s12, $0xC;
	s18 =	simm.s32 $0x20  }
0x31: {  	s16 =	sand.u32 $0x1000, s16;
	s17 =	sadd.s32 $0x10, s15;
	s15 =	sor.u32 $0x2000, s14  }
0x32: {  	s14 =	sor.u32 $0x2000, s16;
	s16 =	sadd.s32 $0x10, s15;
	v0 =	vld.msk [tilespmem:s17+$0x0 ss:$0x1], $0xffff;
	vm1 =	vgt.s32 v2, $0x0;
	(ifvalue) =	ssetifvalue $0x7FFFFFFF  }
.LBB2_3:
0x33: {  	[tilespmem:s15], [sflag:$0x1] =	stream.indirect_vreg.gather [hbm4b:s2+s10], $0x1, v1, vm0, $0x4038;
	[tilespmem:$0x4000] =	vst v63  }
0x34: {  	s18 =	sadd.s32 $0x10, s18  }
0x35: {  	v2 =	vnsel vm1, $0x0, v2;
	p1 =	slt.u32 s18, $0xFF0  }
.Ltmp3:
0x36: {  	s15 =	smov.u32 s16;
	v1 =	vmin.u32 v2, $0x270FF;
	(pc) =	sbr.rel @p1 .LBB2_3-.Ltmp3, $3  }
0x37: {  	_ =	sdelay $0x1  }
0x38: {  	s17 =	sadd.s32 $0x10, s17  }
0x39: {  	vm1 =	vgt.s32 v0, $0x0;
	s16 =	sadd.s32 $0x10, s16;
	v2 =	vmov v0;
	(ifvalue) =	ssetifvalue $0x7FFFFFFF;
	v0 =	vld.msk [tilespmem:s17+$0x0 ss:$0x1], $0xffff  }
.Ltmp4:
0x3a: {  	_ = 	snop;
	(pc) =	sbr.rel .LBB2_4-.Ltmp4, $1  }
0x3b: {  	_ =	sdelay $0x3  }
.LBB2_6:
0x3c: {  	_ =	sfence.sel $0x180000  }
0x3d: {  	s2 =	simm.s32 $0x2;
	[bflag:$0x0] =	sbarrier.arrive $0xFFFF  }
0x3e: {  	s30 =	simm.s32 $0x3;
	[sflag:s2] =	ssyncpa.u1 $0x1  }
0x3f: {  	s31 =	simm.s32 $0x1;
	[sflag:s30] =	ssyncpa.u1 $0x1  }
0x40: {  	[sflag:s31] =	ssyncpa.u1 $0x1  }
0x41: {  	p0 =	sne.s32 s1, $0x0;
	_ =	strace $0x9000004A  }
0x42: {  	s0 =	sadd.s32 @!p0 $0x100000, s0;
	[bflag:$0x2] =	sbarrier.arrive $0xFFFF  }
0x43: {  	[sflag:s0] =	ssyncadd.tile.s32 @!p0 $0x1;
	_ =	shalt  }
.Lfunc_end2:
_tile_overlayer_lowered:
.L_overlay_start_2:
0x44: {  	(tag) =	ssettag $0x2  }
0x45: {  	s0 =	rddreg [dreg:$0x0];
	s2 =	stileid.u32  }
0x46: {  	s1 =	rddreg [dreg:$0x1];
	p0 =	sne.s32 s2, $0x0  }
0x47: {  	s3 =	rddreg [dreg:$0x2];
	[bflag:$0x3] =	sbarrier.arrive $0xFFFF;
	s2 =	simm.s32 @!p0 $0x1C01  }
0x48: {  	[timem:s3], [sflag:s2] =	dma.local @!p0 [hbm:s0], s1  }
0x49: {  	s0 =	simm.s32 @!p0 $0x1  }
0x4a: {  	_ =	swait.ge @!p0 [sflag:s0], s1  }
0x4b: {  	s1 =	ssub.s32 @!p0 $0x0, s1;
	[sflag:s0] =	ssyncset.done @!p0 $0x0  }
0x4c: {  	[sflag:s0] =	ssyncadd.s32 @!p0 s1  }
0x4d: {  	[bflag:$0x3] =	sbarrier.arrive $0xFFFF  }
0x4e: {  	_ =	shalt  }

// kernel: gather_offload_async_start
scs
__scs_entry_jumppad:
0x0: {  	(pc) =	sbr.rel $0x88, $3  }
0x1: {  	(tag) =	ssettag $0x0;
	lr =	simm.s32 $0x1  }
0x2: {  	[smem:$0x3F85] =	sst lr;
	_ =	strace $0xD0000000  }
0x3: {  	_ = 	snop  }
0x4: {  	_ = 	snop  }
0x5: {  	_ = 	snop  }
0x6: {  	_ = 	snop  }
0x7: {  	_ = 	snop  }
__scs_overlays_trampoline_lowered:
0x8: {  	[smem:$0x3F94] =	sst s0  }
0x9: {  	[smem:$0x3F95] =	sst s1  }
0xa: {  	[smem:$0x3F96] =	sst s2  }
0xb: {  	[smem:$0x3F97] =	sst s3  }
0xc: {  	[smem:$0x3F98] =	sst s4  }
0xd: {  	[smem:$0x3F99] =	sst s5  }
0xe: {  	[smem:$0x3F9A] =	sst s6  }
0xf: {  	[smem:$0x3F9B] =	sst s7  }
0x10: {  	[smem:$0x3F9C] =	sst s8  }
0x11: {  	[smem:$0x3F9D] =	sst s9;
	s0 =	simm.s32 @!p0 $0x0  }
0x12: {  	s1 =	sld [smem:$0x3F83];
	s0 =	simm.s32 @p0 $0x1  }
0x13: {  	[smem:$0x3F9E] =	sst s0;
	s0 =	simm.s32 @!p1 $0x0  }
0x14: {  	s2 =	sld [smem:$0x3F82];
	s0 =	simm.s32 @p1 $0x1  }
0x15: {  	[smem:$0x3F9F] =	sst s0;
	s0 =	simm.s32 @!p2 $0x0  }
0x16: {  	s3 =	sld [smem:$0x3FDB];
	s0 =	simm.s32 @p2 $0x1  }
0x17: {  	s4 =	simm.s32 $0x1BF5;
	[smem:$0x3FA1] =	sst s0  }
0x18: {  	s0 =	sld [smem:$0x3F84];
	_ =	swait.ge [sflag:s4], $0x0  }
0x19: {  	s7 =	sld [smem:$0x3F85]  }
0x1a: {  	s8 =	sadd.s32 $0xFFFFE003, lr  }
0x1b: {  	s9 =	sadd.s32 $0xFFFFFEF7, lr;
	s5 =	simm.s32 $0xFFFFFFFF;
	p2 =	slt.u32 s8, $0xFFFFF086  }
0x1c: {  	p1 =	slt.u32 s9, $0xF7A;
	s5 =	simm.s32 @!p2 $0x0  }
0x1d: {  	s5 =	simm.s32 @p1 $0x1;
	p0 =	seq.s32 s7, s2  }
0x1e: {  	s7 =	smul.u32 @!p0 $0xF7A, s2;
	p2 =	seq.s32 @!p0 s5, $0x0  }
0x1f: {  	s9 =	smul.u32 $0xF7A, s1;
	s8 =	simm.s32 @!p0 $0x1BF5;
	p2 =	por !p2, p0  }
0x20: {  	[sflag:s8] =	ssyncset.s32 @!p0 $0xFFFFF086;
	s6 =	sadd.s32 @!p0 s3, s7;
	s7 =	simm.s32 @!p0 $0x108  }
0x21: {  	s3 =	sadd.s32 s3, s9;
	s6 =	sadd.s32 @!p0 $0x88, s6;
	s7 =	simm.s32 @p2 $0x1082  }
0x22: {  	[simem:s7], [sflag:s8] =	dma.local @!p0 [hbm:s6], $0xF7A  }
0x23: {  	s9 =	sor.u32 $0xD0000000, s2;
	s6 =	simm.s32 $0x108;
	_ =	swait.ge @!p0 [sflag:s8], $0x0  }
0x24: {  	s3 =	sadd.s32 $0x88, s3;
	s6 =	simm.s32 @!p1 $0x1082;
	[sflag:s4] =	ssyncset.s32 $0xFFFFF086  }
0x25: {  	[simem:s6], [sflag:s4] =	dma.local [hbm:s3], $0xF7A  }
0x26: {  	[smem:$0x3F85] =	sst s1;
	(tag) =	ssettag s2;
	_ =	strace s9  }
0x27: {  	s1 =	sld [smem:$0x3F95]  }
0x28: {  	s2 =	sld [smem:$0x3F96]  }
0x29: {  	s4 =	sld [smem:$0x3F98]  }
0x2a: {  	p0 =	seq.s32 s5, $0x0;
	s5 =	sld [smem:$0x3F99]  }
0x2b: {  	s6 =	sld [smem:$0x3F9A]  }
0x2c: {  	s7 =	sld [smem:$0x3F9B]  }
0x2d: {  	s3 =	simm.s32 $0x108;
	s8 =	sld [smem:$0x3F9C]  }
0x2e: {  	s3 =	simm.s32 @!p0 $0x1082;
	s9 =	sld [smem:$0x3F9D]  }
0x2f: {  	lr =	sadd.s32 s0, s3;
	s0 =	sld [smem:$0x3F94]  }
0x30: {  	s3 =	sld [smem:$0x3F97]  }
0x31: {  	[smem:$0x3FA0] =	sst s10  }
0x32: {  	s10 =	sld [smem:$0x3F9E];
	_ =	sdelay $0x3  }
0x33: {  	p0 =	seq.s32 s10, $0x1;
	s10 =	sld [smem:$0x3FA0];
	_ =	sdelay $0x3  }
0x34: {  	[smem:$0x3FA0] =	sst s10  }
0x35: {  	s10 =	sld [smem:$0x3F9F];
	_ =	sdelay $0x3  }
0x36: {  	p1 =	seq.s32 s10, $0x1;
	s10 =	sld [smem:$0x3FA0];
	_ =	sdelay $0x3  }
0x37: {  	[smem:$0x3FA0] =	sst s10  }
0x38: {  	s10 =	sld [smem:$0x3FA1]  }
0x39: {  	_ = 	snop;
	(pc) =	sbr.ind lr, $3  }
0x3a: {  	_ = 	snop  }
0x3b: {  	_ = 	snop  }
0x3c: {  	p2 =	seq.s32 s10, $0x1;
	s10 =	sld [smem:$0x3FA0]  }
0x3d: {  	_ =	shalt  }
0x3e: {  	_ =	shalt  }
0x3f: {  	_ =	shalt  }
0x40: {  	_ =	shalt  }
0x41: {  	_ =	shalt  }
0x42: {  	_ =	shalt  }
0x43: {  	_ =	shalt  }
0x44: {  	_ =	shalt  }
0x45: {  	_ =	shalt  }
0x46: {  	_ =	shalt  }
0x47: {  	_ =	shalt  }
0x48: {  	_ =	shalt  }
0x49: {  	_ =	shalt  }
0x4a: {  	_ =	shalt  }
0x4b: {  	_ =	shalt  }
0x4c: {  	_ =	shalt  }
0x4d: {  	_ =	shalt  }
0x4e: {  	_ =	shalt  }
0x4f: {  	_ =	shalt  }
0x50: {  	_ =	shalt  }
0x51: {  	_ =	shalt  }
0x52: {  	_ =	shalt  }
0x53: {  	_ =	shalt  }
0x54: {  	_ =	shalt  }
0x55: {  	_ =	shalt  }
0x56: {  	_ =	shalt  }
0x57: {  	_ =	shalt  }
0x58: {  	_ =	shalt  }
0x59: {  	_ =	shalt  }
0x5a: {  	_ =	shalt  }
0x5b: {  	_ =	shalt  }
0x5c: {  	_ =	shalt  }
0x5d: {  	_ =	shalt  }
0x5e: {  	_ =	shalt  }
0x5f: {  	_ =	shalt  }
0x60: {  	_ =	shalt  }
0x61: {  	_ =	shalt  }
0x62: {  	_ =	shalt  }
0x63: {  	_ =	shalt  }
0x64: {  	_ =	shalt  }
0x65: {  	_ =	shalt  }
0x66: {  	_ =	shalt  }
0x67: {  	_ =	shalt  }
0x68: {  	_ =	shalt  }
0x69: {  	_ =	shalt  }
0x6a: {  	_ =	shalt  }
0x6b: {  	_ =	shalt  }
0x6c: {  	_ =	shalt  }
0x6d: {  	_ =	shalt  }
0x6e: {  	_ =	shalt  }
0x6f: {  	_ =	shalt  }
0x70: {  	_ =	shalt  }
0x71: {  	_ =	shalt  }
0x72: {  	_ =	shalt  }
0x73: {  	_ =	shalt  }
0x74: {  	_ =	shalt  }
0x75: {  	_ =	shalt  }
0x76: {  	_ =	shalt  }
0x77: {  	_ =	shalt  }
0x78: {  	_ =	shalt  }
0x79: {  	_ =	shalt  }
0x7a: {  	_ =	shalt  }
0x7b: {  	_ =	shalt  }
0x7c: {  	_ =	shalt  }
0x7d: {  	_ =	shalt  }
0x7e: {  	_ =	shalt  }
0x7f: {  	_ =	shalt  }
0x80: {  	_ =	shalt  }
0x81: {  	_ =	shalt  }
0x82: {  	_ =	shalt  }
0x83: {  	_ =	shalt  }
0x84: {  	_ =	shalt  }
0x85: {  	_ =	shalt  }
0x86: {  	_ =	shalt  }
0x87: {  	_ =	shalt  }
.Lfunc_end0:
.L_simem_size_0:
called_computation_lowered:
.L_overlay_start_0:
0x88: {  	s2 =	sld [smem:$0x3FD9]  }
0x89: {  	s3 =	sld [smem:$0x3FFE];
	_ =	sdelay $0x1  }
0x8a: {  	s1 =	srdreg.scid  }
0x8b: {  	s0 =	sand.u32 $0x1, s1  }
0x8c: {  	s17 =	sshll.u32 s0, $0xA;
	s2 =	sadd.s32 s3, s2  }
0x8d: {  	s2 =	sadd.s32 s2, s17  }
0x8e: {  	[smem:$0x3FAC] =	sst s2  }
0x8f: {  	_ = 	snop  }
0x90: {  	(tm) =	ssettm $0x1  }
0x91: {  	s18 =	sld [smem:$0x3FFB];
	_ =	sdelay $0x3  }
0x92: {  	_ =	strace s18  }
0x93: {  	s2 =	sld [smem:$0x3FFC];
	_ =	sdelay $0x3  }
0x94: {  	_ =	strace s2  }
0x95: {  	s2 =	sld [smem:$0x3FFD];
	_ =	sdelay $0x3  }
0x96: {  	_ =	strace s2  }
0x97: {  	_ =	strace $0x8FFFFFFF  }
0x98: {  	s19 =	sld [smem:$0x3FDB];
	_ =	sdelay $0x1  }
0x99: {  	s20 =	simm.s32 $_scs_section_size  }
0x9a: {  	s4 =	simm.s32 $_size__tile_overlayer_lowered;
	s5 =	simm.s32 $_tile_overlayer_lowered  }
0x9b: {  	s6 =	simm.s32 $0x1BFF;
	s21 =	sshll.u32 s5, $0x1;
	s3 =	sadd.s32 s20, s19  }
0x9c: {  	s22 =	simm.s32 $0x0;
	s4 =	sshll.u32 s4, $0x1;
	s5 =	sadd.s32 s21, s3  }
0x9d: {  	[timem:s22], [sflag:s6] =	dma.local [hbm:s5], s4  }
0x9e: {  	_ =	swait.ge [sflag:s6], s4  }
0x9f: {  	s4 =	ssub.s32 $0x0, s4;
	[sflag:s6] =	ssyncset.done $0x0  }
0xa0: {  	[sflag:s6] =	ssyncadd.s32 s4;
	_ =	sdelay $0x1  }
0xa1: {  	s23 =	simm.s32 $0x1B8B  }
0xa2: {  	_ =	swait.ge [sflag:s23], $0x1  }
0xa3: {  	[sflag:s23] =	ssyncset.done $0x0  }
0xa4: {  	[sflag:s23] =	ssyncadd.s32 $0xFFFFFFFF  }
0xa5: {  	s4 =	sld [smem:$0x0]  }
0xa6: {  	s5 =	sand.u32 $0xFFFFFFFE, s1  }
0xa7: {  	p0 =	sne.s32 s1, s5  }
0xa8: {  	s5 =	sshll.u32 @p0 s5, $0xE  }
0xa9: {  	s5 =	sadd.s32 @p0 $0x11B8D, s5;
	s6 =	sshll.u32 @p0 s4, $0x11  }
0xaa: {  	s5 =	sor.u32 @p0 s6, s5  }
0xab: {  	[sflag:s5] =	ssyncadd.remote.s32 @p0 $0x1;
	_ =	sdelay $0x1  }
0xac: {  	s5 =	simm.s32 @p0 $0x1B8D  }
0xad: {  	_ =	swait.eq @p0 [sflag:s5], $0x1  }
0xae: {  	[sflag:s5] =	ssyncadd.s32 @p0 $0xFFFFFFFF  }
0xaf: {  	s6 =	sshll.u32 @!p0 s1, $0xE  }
0xb0: {  	s6 =	sor.u32 @!p0 $0x4000, s6;
	s5 =	simm.s32 @!p0 $0x1B8D  }
0xb1: {  	s4 =	sshll.u32 @!p0 s4, $0x11;
	s6 =	sadd.s32 @!p0 $0x11B8D, s6;
	_ =	swait.eq @!p0 [sflag:s5], $0x1  }
0xb2: {  	s4 =	sor.u32 @!p0 s4, s6;
	[sflag:s5] =	ssyncadd.s32 @!p0 $0xFFFFFFFF  }
0xb3: {  	s25 =	simm.s32 $0x1B8E;
	s24 =	sld [smem:$0x3FFE];
	[sflag:s4] =	ssyncadd.remote.s32 @!p0 $0x1  }
0xb4: {  	s26 =	simm.s32 $execute0_lowered;
	[smem:$0x3FD2] =	sst s25  }
0xb5: {  	s5 =	sshll.u32 s26, $0x1;
	_ =	strace $0x8000004C;
	[dreg:$0x1] =	wrdreg $0xFFFFFFFF  }
0xb6: {  	s28 =	simm.s32 $_size_execute0_lowered;
	s3 =	sadd.s32 s3, s5;
	[dreg:$0x0] =	wrdreg $0x0  }
0xb7: {  	s5 =	sshll.u32 s28, $0x1;
	[dreg:$0x2] =	wrdreg s3  }
0xb8: {  	[dreg:$0x3] =	wrdreg s5  }
0xb9: {  	[dreg:$0x4] =	wrdreg $0xC0  }
0xba: {  	_ =	task [dreg:s22], $0x5FFFF  }
0xbb: {  	[dreg:$0x1] =	wrdreg $0xFFFFFFFF  }
0xbc: {  	[dreg:$0x0] =	wrdreg $0x60  }
0xbd: {  	[dreg:$0x2] =	wrdreg s24  }
0xbe: {  	[dreg:$0x3] =	wrdreg $0x9  }
0xbf: {  	_ =	task.clear_ibuf [dreg:s22], $0x4FFFF;
	_ =	strace $0x9000004C  }
0xc0: {  	s29 =	simm.s32 $0x9;
	_ =	strace $0x8000004E  }
0xc1: {  	_ =	swait.ge [sflag:s29], $0x1  }
0xc2: {  	[sflag:s29] =	ssyncadd.s32 $0xFFFFFFFF  }
0xc3: {  	_ =	strace $0x9000004E  }
0xc4: {  	_ =	sfence  }
0xc5: {  	s30 =	sld [smem:$0x0];
	_ =	sdelay $0x2  }
0xc6: {  	s31 =	sshll.u32 s1, $0xD;
	s1 =	sshrl.u32 s1, $0x2  }
0xc7: {  	s4 =	sand.u32 $0x4000, s31;
	s1 =	sadd.s32 s1, s30  }
0xc8: {  	s0 =	sor.u32 s4, s0;
	s1 =	sshll.u32 s1, $0x11  }
0xc9: {  	s0 =	sor.u32 s1, s0  }
0xca: {  	s0 =	sadd.s32 $0x8F2B, s0  }
0xcb: {  	[sflag:s0] =	ssyncadd.remote.s32 $0x1  }
0xcc: {  	_ =	sfence.sel $0xFFFF  }
0xcd: {  	[dreg:$0x0] =	wrdreg $0xFFFFFFFF;
	(pc) =	sbr.abs _section_cstart, $3  }
0xce: {  	[dreg:$0x1] =	wrdreg $0xFFFFFFFF  }
0xcf: {  	_ =	task.clear_ibuf [dreg:s22], $0x2FFFF;
	_ =	strace $0x9FFFFFFF  }
0xd0: {  	(tm) =	ssettm $0x7FFFFFFF  }
0xd1: {  	_ =	shalt  }
tec
execute0_lowered:
.L_overlay_start_1:
0x0: {  	(tag) =	ssettag $0x1  }
0x1: {  	s7 =	rddreg [dreg:$0x0]  }
0x2: {  	s1 =	srdreg.scid;
	s0 =	rddreg [dreg:$0x1]  }
0x3: {  	_ =	strace $0x8000004D;
	s3 =	simm.s32 $0x1;
	s5 =	simm.s32 $0x2  }
0x4: {  	s9 =	simm.s32 $0x3;
	s11 =	simm.s32 $0x0;
	s2 =	sshll.u32 s1, $0x4  }
.Ltmp0:
0x5: {  	s1 =	stileid.u32;
	s4 =	sand.u32 $0x10, s2;
	(pc) =	sbr.rel .LBB2_1-.Ltmp0, $4  }
0x6: {  	p0 =	por $0x0, $0x0;
	[sflag:s3] =	ssyncpa.u1 $0x0;
	s4 =	sor.u32 s1, s4  }
0x7: {  	s6 =	sadd.s32 $0x28F600, s7;
	[sflag:s5] =	ssyncpa.u1 $0x0;
	s4 =	smul.u32 $0x1400, s4  }
0x8: {  	s2 =	sadd.s32 $0x5600, s7;
	s7 =	sadd.s32 $0x294600, s7;
	[sflag:s9] =	ssyncpa.u1 $0x0  }
0x9: {  	vm0 =	vmmov $0xff;
	vm1 =	vcmask $0x3F20;
	s9 =	simm.s32 $0x0;
	s8 =	sadd.s32 $0x1400, s4;
	s10 =	smov.u32 s4  }
.LBB2_6:
0xa: {  	[hbm:s15] =	stream.linear.scatter [tilespmem:s12], [sflag:$0x3], $0x400, $0x38;
	[tilespmem:$0x10200] =	vst v63  }
.LBB2_7:
0xb: {  	p1 =	slt.u32 s9, $0x2;
	s11 =	sadd.s32 $0x100, s10  }
0xc: {  	s13 =	smov.u32 s4;
	s9 =	sadd.s32 $0x1, s9;
	p2 =	slt.s32 s11, s8  }
0xd: {  	s13 =	smov.u32 @p2 s11;
	p2 =	sne.s32 s9, $0x16  }
.Ltmp1:
0xe: {  	_ = 	snop;
	(pc) =	sbr.rel @!p2 .LBB2_8-.Ltmp1, $4  }
0xf: {  	s12 =	simm.s32 @!p1 $0x3  }
0x10: {  	_ =	swait.ge @!p1 [sflag:s12], $0x8000  }
0x11: {  	p0 =	por !p0, !p0;
	[sflag:s12] =	ssyncset.done @!p1 $0x0  }
0x12: {  	s11 =	smov.u32 s10;
	s10 =	smov.u32 s13;
	[sflag:s12] =	ssyncadd.s32 @!p1 $0xFFFF8000  }
.LBB2_1:
0x13: {  	p1 =	sgt.u32 s9, $0x13  }
0x14: {  	s12 =	sxor.u32 @!p1 $0xFFFFFFFF, s9  }
0x15: {  	s31 =	sadd.s32 $0xFFFFFFFF, s9;
	s13 =	sshrl.u32 @!p1 s10, $0x3;
	s12 =	sshll.u32 @!p1 s12, $0x8  }
0x16: {  	s14 =	sand.u32 @!p1 $0x7, s10;
	s13 =	sadd.s32 @!p1 s6, s13;
	s12 =	sand.u32 @!p1 $0x100, s12  }
0x17: {  	[tilespmem:s12], [sflag:$0x2] =	stream.linear.gather @!p1 [hbm4b:s13+s14], $0x100, $0x38;
	[tilespmem:$0x10200] =	vst v63  }
0x18: {  	p1 =	sgt.u32 s31, $0x13  }
.Ltmp2:
0x19: {  	_ = 	snop;
	(pc) =	sbr.rel @p1 .LBB2_7-.Ltmp2, $1  }
0x1a: {  	_ =	sdelay $0x3  }
0x1b: {  	s12 =	simm.s32 $0x1  }
0x1c: {  	_ =	swait.ge [sflag:s5], $0x100;
	s12 =	simm.s32 @!p0 $0x0  }
0x1d: {  	[sflag:s5] =	ssyncset.done $0x0;
	s14 =	sshll.u32 s12, $0x8  }
0x1e: {  	[sflag:s5] =	ssyncadd.s32 $0xFFFFFF00;
	s13 =	sadd.s32 $0x0, s14  }
0x1f: {  	v0 =	vld.msk [tilespmem:s13+$0x0 ss:$0x1], $0xffff;
	_ =	sdelay $0x4  }
0x20: {  	vm2 =	vgt.s32 v0, $0x0  }
0x21: {  	v0 =	vnsel vm2, $0x0, v0  }
0x22: {  	v0 =	vmin.u32 v0, $0x270FF  }
0x23: {  	v0 =	vshll.u32 v0, $0x4;
	_ =	sdelay $0x2  }
0x24: {  	s12 =	sshll.u32 s12, $0xF  }
0x25: {  	s12 =	sor.u32 $0x200, s12  }
0x26: {  	[tilespmem:s12], [sflag:$0x1] =	stream.indirect_vreg.gather [hbm:s2], $0x80, v0, vm0, $0x38;
	[tilespmem:$0x10200] =	vst v63  }
0x27: {  	s15 =	sadd.s32 $0x10, s14;
	s13 =	sadd.s32 $0x400, s12  }
0x28: {  	[tilespmem:s13], [sflag:$0x1] =	stream.indirect_vreg.gather [hbm:s2], $0x80, v0, vm1, $0x38;
	[tilespmem:$0x10200] =	vst v63  }
0x29: {  	s16 =	simm.s32 $0x80;
	v0 =	vld.msk [tilespmem:s15+$0x0 ss:$0x1], $0xffff;
	s15 =	smov.u32 s12  }
.LBB2_3:
0x2a: {  	p1 =	sne.s32 s16, $0x3C0;
	_ =	sdelay $0x4  }
0x2b: {  	vm2 =	vgt.s32 v0, $0x0  }
0x2c: {  	v0 =	vnsel vm2, $0x0, v0  }
0x2d: {  	v0 =	vmin.u32 v0, $0x270FF  }
0x2e: {  	v0 =	vshll.u32 v0, $0x4;
	_ =	sdelay $0x3  }
.Ltmp3:
0x2f: {  	s17 =	sshra.s32 s16, $0x2;
	s15 =	sadd.s32 $0x800, s15;
	(pc) =	sbr.rel @p1 .LBB2_3-.Ltmp3, $4  }
0x30: {  	[tilespmem:s15], [sflag:$0x1] =	stream.indirect_vreg.gather [hbm:s2], $0x80, v0, vm0, $0x38;
	[tilespmem:$0x10200] =	vst v63  }
0x31: {  	s17 =	sadd.s32 s17, s14;
	s18 =	sadd.s32 $0x400, s15  }
0x32: {  	[tilespmem:s18], [sflag:$0x1] =	stream.indirect_vreg.gather [hbm:s2], $0x80, v0, vm1, $0x38;
	[tilespmem:$0x10200] =	vst v63  }
0x33: {  	s16 =	sadd.s32 $0x40, s16;
	v0 =	vld.msk [tilespmem:s17+$0x0 ss:$0x1], $0xffff  }
0x34: {  	_ =	sdelay $0x3  }
0x35: {  	vm2 =	vgt.s32 v0, $0x0  }
0x36: {  	v0 =	vnsel vm2, $0x0, v0  }
0x37: {  	v0 =	vmin.u32 v0, $0x270FF  }
0x38: {  	v0 =	vshll.u32 v0, $0x4;
	_ =	sdelay $0x3  }
0x39: {  	s14 =	sadd.s32 $0x800, s15  }
0x3a: {  	[tilespmem:s14], [sflag:$0x1] =	stream.indirect_vreg.gather [hbm:s2], $0x80, v0, vm0, $0x38;
	[tilespmem:$0x10200] =	vst v63  }
0x3b: {  	s14 =	sadd.s32 $0x400, s14  }
0x3c: {  	[tilespmem:s14], [sflag:$0x1] =	stream.indirect_vreg.gather [hbm:s2], $0x80, v0, vm1, $0x38;
	[tilespmem:$0x10200] =	vst v63  }
0x3d: {  	s11 =	sshll.u32 s11, $0x4;
	_ =	swait.ge [sflag:s3], $0x8000  }
0x3e: {  	s11 =	sadd.s32 s11, s7;
	[sflag:s3] =	ssyncset.done $0x0  }
0x3f: {  	s15 =	sadd.s32 $0x0, s11;
	s14 =	simm.s32 $0x80;
	[sflag:s3] =	ssyncadd.s32 $0xFFFF8000  }
.LBB2_5:
0x40: {  	[hbm:s15] =	stream.linear.scatter [tilespmem:s12], [sflag:$0x3], $0x400, $0x38;
	[tilespmem:$0x10200] =	vst v63  }
0x41: {  	s15 =	smov.u32 s14;
	s12 =	smov.u32 s13;
	p1 =	sne.s32 s14, $0xF80  }
.Ltmp4:
0x42: {  	s14 =	sadd.s32 $0x80, s14;
	(pc) =	sbr.rel @p1 .LBB2_5-.Ltmp4, $2  }
0x43: {  	_ =	sdelay $0x2  }
0x44: {  	s13 =	sadd.s32 $0x400, s13;
	s15 =	sadd.s32 s15, s11  }
.Ltmp5:
0x45: {  	_ = 	snop;
	(pc) =	sbr.rel .LBB2_6-.Ltmp5, $1  }
0x46: {  	_ =	sdelay $0x3  }
.LBB2_8:
0x47: {  	_ =	sfence.sel $0x180000  }
0x48: {  	s2 =	simm.s32 $0x2;
	[bflag:$0x0] =	sbarrier.arrive $0xFFFF  }
0x49: {  	s30 =	simm.s32 $0x3;
	[sflag:s2] =	ssyncpa.u1 $0x1  }
0x4a: {  	s31 =	simm.s32 $0x1;
	[sflag:s30] =	ssyncpa.u1 $0x1  }
0x4b: {  	[sflag:s31] =	ssyncpa.u1 $0x1  }
0x4c: {  	p0 =	sne.s32 s1, $0x0;
	_ =	strace $0x9000004D  }
0x4d: {  	s0 =	sadd.s32 @!p0 $0x100000, s0;
	[bflag:$0x2] =	sbarrier.arrive $0xFFFF  }
0x4e: {  	[sflag:s0] =	ssyncadd.tile.s32 @!p0 $0x1;
	_ =	shalt  }
.Lfunc_end2:
_tile_overlayer_lowered:
.L_overlay_start_2:
0x4f: {  	(tag) =	ssettag $0x2  }
0x50: {  	s0 =	rddreg [dreg:$0x0];
	s2 =	stileid.u32  }
0x51: {  	s1 =	rddreg [dreg:$0x1];
	p0 =	sne.s32 s2, $0x0  }
0x52: {  	s3 =	rddreg [dreg:$0x2];
	[bflag:$0x3] =	sbarrier.arrive $0xFFFF;
	s2 =	simm.s32 @!p0 $0x1C01  }
0x53: {  	[timem:s3], [sflag:s2] =	dma.local @!p0 [hbm:s0], s1  }
0x54: {  	s0 =	simm.s32 @!p0 $0x1  }
0x55: {  	_ =	swait.ge @!p0 [sflag:s0], s1  }
0x56: {  	s1 =	ssub.s32 @!p0 $0x0, s1;
	[sflag:s0] =	ssyncset.done @!p0 $0x0  }
0x57: {  	[sflag:s0] =	ssyncadd.s32 @!p0 s1  }
0x58: {  	[bflag:$0x3] =	sbarrier.arrive $0xFFFF  }
0x59: {  	_ =	shalt  }

// kernel: kernel.10.cloned.1.call-start
scs
__scs_entry_jumppad:
0x0: {  	(pc) =	sbr.rel $0x88, $3  }
0x1: {  	(tag) =	ssettag $0x0;
	lr =	simm.s32 $0x1  }
0x2: {  	[smem:$0x3F85] =	sst lr;
	_ =	strace $0xD0000000  }
0x3: {  	_ = 	snop  }
0x4: {  	_ = 	snop  }
0x5: {  	_ = 	snop  }
0x6: {  	_ = 	snop  }
0x7: {  	_ = 	snop  }
__scs_overlays_trampoline_lowered:
0x8: {  	[smem:$0x3F94] =	sst s0  }
0x9: {  	[smem:$0x3F95] =	sst s1  }
0xa: {  	[smem:$0x3F96] =	sst s2  }
0xb: {  	[smem:$0x3F97] =	sst s3  }
0xc: {  	[smem:$0x3F98] =	sst s4  }
0xd: {  	[smem:$0x3F99] =	sst s5  }
0xe: {  	[smem:$0x3F9A] =	sst s6  }
0xf: {  	[smem:$0x3F9B] =	sst s7  }
0x10: {  	[smem:$0x3F9C] =	sst s8  }
0x11: {  	[smem:$0x3F9D] =	sst s9;
	s0 =	simm.s32 @!p0 $0x0  }
0x12: {  	s1 =	sld [smem:$0x3F83];
	s0 =	simm.s32 @p0 $0x1  }
0x13: {  	[smem:$0x3F9E] =	sst s0;
	s0 =	simm.s32 @!p1 $0x0  }
0x14: {  	s2 =	sld [smem:$0x3F82];
	s0 =	simm.s32 @p1 $0x1  }
0x15: {  	[smem:$0x3F9F] =	sst s0;
	s0 =	simm.s32 @!p2 $0x0  }
0x16: {  	s3 =	sld [smem:$0x3FDB];
	s0 =	simm.s32 @p2 $0x1  }
0x17: {  	s4 =	simm.s32 $0x1BF5;
	[smem:$0x3FA1] =	sst s0  }
0x18: {  	s0 =	sld [smem:$0x3F84];
	_ =	swait.ge [sflag:s4], $0x0  }
0x19: {  	s7 =	sld [smem:$0x3F85]  }
0x1a: {  	s8 =	sadd.s32 $0xFFFFE003, lr  }
0x1b: {  	s9 =	sadd.s32 $0xFFFFFEF7, lr;
	s5 =	simm.s32 $0xFFFFFFFF;
	p2 =	slt.u32 s8, $0xFFFFF086  }
0x1c: {  	p1 =	slt.u32 s9, $0xF7A;
	s5 =	simm.s32 @!p2 $0x0  }
0x1d: {  	s5 =	simm.s32 @p1 $0x1;
	p0 =	seq.s32 s7, s2  }
0x1e: {  	s7 =	smul.u32 @!p0 $0xF7A, s2;
	p2 =	seq.s32 @!p0 s5, $0x0  }
0x1f: {  	s9 =	smul.u32 $0xF7A, s1;
	s8 =	simm.s32 @!p0 $0x1BF5;
	p2 =	por !p2, p0  }
0x20: {  	[sflag:s8] =	ssyncset.s32 @!p0 $0xFFFFF086;
	s6 =	sadd.s32 @!p0 s3, s7;
	s7 =	simm.s32 @!p0 $0x108  }
0x21: {  	s3 =	sadd.s32 s3, s9;
	s6 =	sadd.s32 @!p0 $0x88, s6;
	s7 =	simm.s32 @p2 $0x1082  }
0x22: {  	[simem:s7], [sflag:s8] =	dma.local @!p0 [hbm:s6], $0xF7A  }
0x23: {  	s9 =	sor.u32 $0xD0000000, s2;
	s6 =	simm.s32 $0x108;
	_ =	swait.ge @!p0 [sflag:s8], $0x0  }
0x24: {  	s3 =	sadd.s32 $0x88, s3;
	s6 =	simm.s32 @!p1 $0x1082;
	[sflag:s4] =	ssyncset.s32 $0xFFFFF086  }
0x25: {  	[simem:s6], [sflag:s4] =	dma.local [hbm:s3], $0xF7A  }
0x26: {  	[smem:$0x3F85] =	sst s1;
	(tag) =	ssettag s2;
	_ =	strace s9  }
0x27: {  	s1 =	sld [smem:$0x3F95]  }
0x28: {  	s2 =	sld [smem:$0x3F96]  }
0x29: {  	s4 =	sld [smem:$0x3F98]  }
0x2a: {  	p0 =	seq.s32 s5, $0x0;
	s5 =	sld [smem:$0x3F99]  }
0x2b: {  	s6 =	sld [smem:$0x3F9A]  }
0x2c: {  	s7 =	sld [smem:$0x3F9B]  }
0x2d: {  	s3 =	simm.s32 $0x108;
	s8 =	sld [smem:$0x3F9C]  }
0x2e: {  	s3 =	simm.s32 @!p0 $0x1082;
	s9 =	sld [smem:$0x3F9D]  }
0x2f: {  	lr =	sadd.s32 s0, s3;
	s0 =	sld [smem:$0x3F94]  }
0x30: {  	s3 =	sld [smem:$0x3F97]  }
0x31: {  	[smem:$0x3FA0] =	sst s10  }
0x32: {  	s10 =	sld [smem:$0x3F9E];
	_ =	sdelay $0x3  }
0x33: {  	p0 =	seq.s32 s10, $0x1;
	s10 =	sld [smem:$0x3FA0];
	_ =	sdelay $0x3  }
0x34: {  	[smem:$0x3FA0] =	sst s10  }
0x35: {  	s10 =	sld [smem:$0x3F9F];
	_ =	sdelay $0x3  }
0x36: {  	p1 =	seq.s32 s10, $0x1;
	s10 =	sld [smem:$0x3FA0];
	_ =	sdelay $0x3  }
0x37: {  	[smem:$0x3FA0] =	sst s10  }
0x38: {  	s10 =	sld [smem:$0x3FA1]  }
0x39: {  	_ = 	snop;
	(pc) =	sbr.ind lr, $3  }
0x3a: {  	_ = 	snop  }
0x3b: {  	_ = 	snop  }
0x3c: {  	p2 =	seq.s32 s10, $0x1;
	s10 =	sld [smem:$0x3FA0]  }
0x3d: {  	_ =	shalt  }
0x3e: {  	_ =	shalt  }
0x3f: {  	_ =	shalt  }
0x40: {  	_ =	shalt  }
0x41: {  	_ =	shalt  }
0x42: {  	_ =	shalt  }
0x43: {  	_ =	shalt  }
0x44: {  	_ =	shalt  }
0x45: {  	_ =	shalt  }
0x46: {  	_ =	shalt  }
0x47: {  	_ =	shalt  }
0x48: {  	_ =	shalt  }
0x49: {  	_ =	shalt  }
0x4a: {  	_ =	shalt  }
0x4b: {  	_ =	shalt  }
0x4c: {  	_ =	shalt  }
0x4d: {  	_ =	shalt  }
0x4e: {  	_ =	shalt  }
0x4f: {  	_ =	shalt  }
0x50: {  	_ =	shalt  }
0x51: {  	_ =	shalt  }
0x52: {  	_ =	shalt  }
0x53: {  	_ =	shalt  }
0x54: {  	_ =	shalt  }
0x55: {  	_ =	shalt  }
0x56: {  	_ =	shalt  }
0x57: {  	_ =	shalt  }
0x58: {  	_ =	shalt  }
0x59: {  	_ =	shalt  }
0x5a: {  	_ =	shalt  }
0x5b: {  	_ =	shalt  }
0x5c: {  	_ =	shalt  }
0x5d: {  	_ =	shalt  }
0x5e: {  	_ =	shalt  }
0x5f: {  	_ =	shalt  }
0x60: {  	_ =	shalt  }
0x61: {  	_ =	shalt  }
0x62: {  	_ =	shalt  }
0x63: {  	_ =	shalt  }
0x64: {  	_ =	shalt  }
0x65: {  	_ =	shalt  }
0x66: {  	_ =	shalt  }
0x67: {  	_ =	shalt  }
0x68: {  	_ =	shalt  }
0x69: {  	_ =	shalt  }
0x6a: {  	_ =	shalt  }
0x6b: {  	_ =	shalt  }
0x6c: {  	_ =	shalt  }
0x6d: {  	_ =	shalt  }
0x6e: {  	_ =	shalt  }
0x6f: {  	_ =	shalt  }
0x70: {  	_ =	shalt  }
0x71: {  	_ =	shalt  }
0x72: {  	_ =	shalt  }
0x73: {  	_ =	shalt  }
0x74: {  	_ =	shalt  }
0x75: {  	_ =	shalt  }
0x76: {  	_ =	shalt  }
0x77: {  	_ =	shalt  }
0x78: {  	_ =	shalt  }
0x79: {  	_ =	shalt  }
0x7a: {  	_ =	shalt  }
0x7b: {  	_ =	shalt  }
0x7c: {  	_ =	shalt  }
0x7d: {  	_ =	shalt  }
0x7e: {  	_ =	shalt  }
0x7f: {  	_ =	shalt  }
0x80: {  	_ =	shalt  }
0x81: {  	_ =	shalt  }
0x82: {  	_ =	shalt  }
0x83: {  	_ =	shalt  }
0x84: {  	_ =	shalt  }
0x85: {  	_ =	shalt  }
0x86: {  	_ =	shalt  }
0x87: {  	_ =	shalt  }
.Lfunc_end0:
.L_simem_size_0:
called_computation.3_lowered:
.L_overlay_start_0:
0x88: {  	s2 =	sld [smem:$0x3FD9]  }
0x89: {  	s3 =	sld [smem:$0x3FFE];
	_ =	sdelay $0x1  }
0x8a: {  	s1 =	srdreg.scid  }
0x8b: {  	s0 =	sand.u32 $0x1, s1  }
0x8c: {  	s17 =	sshll.u32 s0, $0xA;
	s2 =	sadd.s32 s3, s2  }
0x8d: {  	s2 =	sadd.s32 s2, s17  }
0x8e: {  	[smem:$0x3FAC] =	sst s2  }
0x8f: {  	_ = 	snop  }
0x90: {  	(tm) =	ssettm $0x1  }
0x91: {  	s18 =	sld [smem:$0x3FFB];
	_ =	sdelay $0x3  }
0x92: {  	_ =	strace s18  }
0x93: {  	s2 =	sld [smem:$0x3FFC];
	_ =	sdelay $0x3  }
0x94: {  	_ =	strace s2  }
0x95: {  	s2 =	sld [smem:$0x3FFD];
	_ =	sdelay $0x3  }
0x96: {  	_ =	strace s2  }
0x97: {  	_ =	strace $0x8FFFFFFF  }
0x98: {  	s19 =	sld [smem:$0x3FDB];
	_ =	sdelay $0x1  }
0x99: {  	s20 =	simm.s32 $_scs_section_size  }
0x9a: {  	s4 =	simm.s32 $_size__tile_overlayer_lowered;
	s5 =	simm.s32 $_tile_overlayer_lowered  }
0x9b: {  	s6 =	simm.s32 $0x1BFF;
	s21 =	sshll.u32 s5, $0x1;
	s3 =	sadd.s32 s20, s19  }
0x9c: {  	s22 =	simm.s32 $0x0;
	s4 =	sshll.u32 s4, $0x1;
	s5 =	sadd.s32 s21, s3  }
0x9d: {  	[timem:s22], [sflag:s6] =	dma.local [hbm:s5], s4  }
0x9e: {  	_ =	swait.ge [sflag:s6], s4  }
0x9f: {  	s4 =	ssub.s32 $0x0, s4;
	[sflag:s6] =	ssyncset.done $0x0  }
0xa0: {  	[sflag:s6] =	ssyncadd.s32 s4;
	_ =	sdelay $0x1  }
0xa1: {  	s23 =	simm.s32 $0x1B8B  }
0xa2: {  	_ =	swait.ge [sflag:s23], $0x1  }
0xa3: {  	[sflag:s23] =	ssyncset.done $0x0  }
0xa4: {  	[sflag:s23] =	ssyncadd.s32 $0xFFFFFFFF  }
0xa5: {  	s4 =	sld [smem:$0x0]  }
0xa6: {  	s5 =	sand.u32 $0xFFFFFFFE, s1  }
0xa7: {  	p0 =	sne.s32 s1, s5  }
0xa8: {  	s5 =	sshll.u32 @p0 s5, $0xE  }
0xa9: {  	s5 =	sadd.s32 @p0 $0x11B8D, s5;
	s6 =	sshll.u32 @p0 s4, $0x11  }
0xaa: {  	s5 =	sor.u32 @p0 s6, s5  }
0xab: {  	[sflag:s5] =	ssyncadd.remote.s32 @p0 $0x1;
	_ =	sdelay $0x1  }
0xac: {  	s5 =	simm.s32 @p0 $0x1B8D  }
0xad: {  	_ =	swait.eq @p0 [sflag:s5], $0x1  }
0xae: {  	[sflag:s5] =	ssyncadd.s32 @p0 $0xFFFFFFFF  }
0xaf: {  	s6 =	sshll.u32 @!p0 s1, $0xE  }
0xb0: {  	s6 =	sor.u32 @!p0 $0x4000, s6;
	s5 =	simm.s32 @!p0 $0x1B8D  }
0xb1: {  	s4 =	sshll.u32 @!p0 s4, $0x11;
	s6 =	sadd.s32 @!p0 $0x11B8D, s6;
	_ =	swait.eq @!p0 [sflag:s5], $0x1  }
0xb2: {  	s4 =	sor.u32 @!p0 s4, s6;
	[sflag:s5] =	ssyncadd.s32 @!p0 $0xFFFFFFFF  }
0xb3: {  	s25 =	simm.s32 $0x1B8E;
	s24 =	sld [smem:$0x3FFE];
	[sflag:s4] =	ssyncadd.remote.s32 @!p0 $0x1  }
0xb4: {  	s26 =	simm.s32 $execute0_lowered;
	[smem:$0x3FD2] =	sst s25  }
0xb5: {  	s5 =	sshll.u32 s26, $0x1;
	_ =	strace $0x8000004F;
	[dreg:$0x1] =	wrdreg $0xFFFFFFFF  }
0xb6: {  	s28 =	simm.s32 $_size_execute0_lowered;
	s3 =	sadd.s32 s3, s5;
	[dreg:$0x0] =	wrdreg $0x0  }
0xb7: {  	s5 =	sshll.u32 s28, $0x1;
	[dreg:$0x2] =	wrdreg s3  }
0xb8: {  	[dreg:$0x3] =	wrdreg s5  }
0xb9: {  	[dreg:$0x4] =	wrdreg $0xC0  }
0xba: {  	_ =	task [dreg:s22], $0x5FFFF  }
0xbb: {  	[dreg:$0x1] =	wrdreg $0xFFFFFFFF  }
0xbc: {  	[dreg:$0x0] =	wrdreg $0x60  }
0xbd: {  	[dreg:$0x2] =	wrdreg s24  }
0xbe: {  	[dreg:$0x3] =	wrdreg $0x197200  }
0xbf: {  	[dreg:$0x4] =	wrdreg $0x1BE300  }
0xc0: {  	[dreg:$0x5] =	wrdreg $0xA  }
0xc1: {  	_ =	task.clear_ibuf [dreg:s22], $0x6FFFF;
	_ =	strace $0x9000004F  }
0xc2: {  	s29 =	simm.s32 $0xA;
	_ =	strace $0x80000051  }
0xc3: {  	_ =	swait.ge [sflag:s29], $0x1  }
0xc4: {  	[sflag:s29] =	ssyncadd.s32 $0xFFFFFFFF  }
0xc5: {  	_ =	strace $0x90000051  }
0xc6: {  	_ =	sfence  }
0xc7: {  	s30 =	sld [smem:$0x0];
	_ =	sdelay $0x2  }
0xc8: {  	s31 =	sshll.u32 s1, $0xD;
	s1 =	sshrl.u32 s1, $0x2  }
0xc9: {  	s4 =	sand.u32 $0x4000, s31;
	s1 =	sadd.s32 s1, s30  }
0xca: {  	s0 =	sor.u32 s4, s0;
	s1 =	sshll.u32 s1, $0x11  }
0xcb: {  	s0 =	sor.u32 s1, s0  }
0xcc: {  	s0 =	sadd.s32 $0x8F2B, s0  }
0xcd: {  	[sflag:s0] =	ssyncadd.remote.s32 $0x1  }
0xce: {  	_ =	sfence.sel $0xFFFF  }
0xcf: {  	[dreg:$0x0] =	wrdreg $0xFFFFFFFF;
	(pc) =	sbr.abs _section_cstart, $3  }
0xd0: {  	[dreg:$0x1] =	wrdreg $0xFFFFFFFF  }
0xd1: {  	_ =	task.clear_ibuf [dreg:s22], $0x2FFFF;
	_ =	strace $0x9FFFFFFF  }
0xd2: {  	(tm) =	ssettm $0x7FFFFFFF  }
0xd3: {  	_ =	shalt  }
tec
execute0_lowered:
.L_overlay_start_1:
0x0: {  	(tag) =	ssettag $0x1  }
0x1: {  	s1 =	rddreg [dreg:$0x0]  }
0x2: {  	s0 =	rddreg [dreg:$0x1];
	s3 =	srdreg.scid  }
0x3: {  	s12 =	stileid.u32;
	s2 =	rddreg [dreg:$0x2]  }
0x4: {  	s15 =	simm.s32 $0x80;
	s16 =	simm.s32 $0x16800;
	s14 =	simm.s32 $0x2400  }
0x5: {  	s17 =	simm.s32 $0x2480;
	s18 =	simm.s32 $0x2500;
	s19 =	simm.s32 $0x2580  }
0x6: {  	s20 =	simm.s32 $0x2600;
	s21 =	simm.s32 $0x2680;
	s22 =	simm.s32 $0x2700  }
0x7: {  	s23 =	simm.s32 $0x2780;
	s24 =	simm.s32 $0x1;
	s25 =	simm.s32 $0x2800  }
0x8: {  	s26 =	simm.s32 $0x2;
	s28 =	simm.s32 $0x0;
	s5 =	sand.u32 $0x1, s3  }
0x9: {  	s4 =	sshll.u32 s12, $0x1;
	s3 =	simm.s32 $0x0;
	s10 =	smul.u32 $0x9C80, s12  }
0xa: {  	p0 =	sne.s32 s12, $0x0;
	s4 =	sor.u32 s5, s4;
	s8 =	smul.u32 $0x4E20, s5  }
0xb: {  	s12 =	simm.s32 $0x1400;
	[smem:$0x7FF] =	sst s3;
	s6 =	smul.u32 $0x280, s4  }
0xc: {  	s5 =	ssub.s32 $0x2, s5;
	_ =	strace $0x80000050;
	s7 =	smul.u32 $0x2800, s4  }
0xd: {  	s4 =	sadd.s32 $0x514600, s1;
	s9 =	sshrl.u32 s5, $0x1;
	s31 =	sshrl.u32 s10, $0x2  }
0xe: {  	s13 =	ssub.s32 s5, s9;
	s6 =	sadd.s32 s6, s1;
	s11 =	sadd.s32 s7, s1  }
0xf: {  	s1 =	sadd.s32 s8, s1;
	s7 =	sadd.s32 s31, s2;
	s10 =	smax.u32 s13, $0x1  }
0x10: {  	s13 =	sshrl.u32 @!p0 s0, $0x3;
	s5 =	sadd.s32 $0x285600, s6;
	s6 =	sadd.s32 $0x28A600, s6  }
0x11: {  	v0 =	vimm.f32 $1.000000000e+00;
	v1 =	vimm.f32 $0.0e+00;
	s8 =	sadd.s32 $0x519600, s11;
	s9 =	sadd.s32 $0x276600, s1;
	s11 =	simm.s32 $0x3  }
.LBB2_1:
0x12: {  	[tilespmem:s3], [sflag:$0x3] =	stream.linear.gather [hbm4b:s5+s3], $0x1400, $0x38;
	[tilespmem:$0x1E550] =	vst v63  }
0x13: {  	_ =	swait.ge [sflag:s11], $0x1400  }
0x14: {  	[sflag:s11] =	ssyncset.done $0x0  }
0x15: {  	[sflag:s11] =	ssyncadd.s32 $0xFFFFEC00  }
0x16: {  	[tilespmem:s12], [sflag:$0x3] =	stream.linear.gather [hbm4b:s6+s3], $0x1400, $0x38;
	[tilespmem:$0x1E550] =	vst v63  }
0x17: {  	_ =	swait.ge [sflag:s11], $0x1400  }
0x18: {  	[sflag:s11] =	ssyncset.done $0x0  }
0x19: {  	s29 =	simm.s32 $0x40;
	s1 =	simm.s32 $0x0;
	[sflag:s11] =	ssyncadd.s32 $0xFFFFEC00  }
.LBB2_2:
0x1a: {  	p1 =	sne.s32 s29, $0x1FC0;
	[tilespmem:s1+$0x16800] =	vst v0;
	s1 =	smov.u32 s29;
	s29 =	sadd.s32 $0x40, s29  }
.Ltmp0:
0x1b: {  	(pc) =	sbr.rel @p1 .LBB2_2-.Ltmp0, $2  }
0x1c: {  	_ =	sdelay $0x2  }
0x1d: {  	s1 =	sshra.s32 s1, $0x2  }
0x1e: {  	[tilespmem:s1+$0x16800] =	vst v0;
	s1 =	simm.s32 @!p0 $0x1C03  }
0x1f: {  	[spmem:s13], [sflag:s1] =	dma.local @!p0 [hbm:s4], $0x4E20  }
0x20: {  	s1 =	simm.s32 @!p0 $0x3  }
0x21: {  	_ =	swait.ge @!p0 [sflag:s1], $0x4E20  }
0x22: {  	[sflag:s1] =	ssyncset.done @!p0 $0x0  }
0x23: {  	s29 =	simm.s32 $0x40;
	[sflag:s1] =	ssyncadd.s32 @!p0 $0xFFFFB1E0;
	s1 =	simm.s32 $0x0  }
.LBB2_4:
0x24: {  	p1 =	sne.s32 s29, $0x9C40;
	[tilespmem:s1+$0x17000] =	vst v1;
	s1 =	smov.u32 s29;
	s29 =	sadd.s32 $0x40, s29  }
.Ltmp1:
0x25: {  	(pc) =	sbr.rel @p1 .LBB2_4-.Ltmp1, $2  }
0x26: {  	_ =	sdelay $0x2  }
0x27: {  	s1 =	sshra.s32 s1, $0x2  }
0x28: {  	[tilespmem:s1+$0x17000] =	vst v1;
	s1 =	simm.s32 $0x17000  }
0x29: {  	[spmem:s7] =	stream.linear.scatter [tilespmem:s1], [sflag:$0x3], $0x2720, $0x38;
	[tilespmem:$0x1E550] =	vst v63  }
0x2a: {  	_ =	swait.ge [sflag:s11], $0x2720  }
0x2b: {  	[sflag:s11] =	ssyncset.done $0x0  }
0x2c: {  	s29 =	simm.s32 $0x2800;
	s30 =	simm.s32 $0x200;
	[sflag:s11] =	ssyncadd.s32 $0xFFFFD8E0  }
0x2d: {  	s31 =	simm.s32 $0x3000;
	s1 =	simm.s32 $0x0;
	[bflag:$0x0] =	sbarrier.arrive $0xFFFF  }
.LBB2_6:
0x2e: {  	[tilespmem:s29], [sflag:$0x1] =	stream.indirect.gather [spmem:s0], $0x10, s1, s15, $0xb8;
	[tilespmem:$0x1E550] =	vst v63  }
0x2f: {  	s1 =	smov.u32 s30;
	s29 =	smov.u32 s31;
	p1 =	sne.s32 s30, $0x4E00  }
.Ltmp2:
0x30: {  	s30 =	sadd.s32 $0x200, s30;
	(pc) =	sbr.rel @p1 .LBB2_6-.Ltmp2, $2  }
0x31: {  	_ =	sdelay $0x2  }
0x32: {  	s31 =	sadd.s32 $0x800, s31;
	s1 =	sshra.s32 s1, $0x2  }
0x33: {  	[tilespmem:s29], [sflag:$0x1] =	stream.indirect.gather [spmem:s0], $0x10, s1, s15, $0xb8;
	[tilespmem:$0x1E550] =	vst v63  }
0x34: {  	_ = 	snop  }
0x35: {  	[spmem:s2] =	stream.indirect.scatter.add.f32 [tilespmem:s16], [sflag:$0x2], $0x10, s12, s15, $0xb8;
	[tilespmem:$0x1E550] =	vst v63  }
0x36: {  	s31 =	simm.s32 $0x1480  }
0x37: {  	[spmem:s2] =	stream.indirect.scatter.add.f32 [tilespmem:s16], [sflag:$0x2], $0x10, s31, s15, $0xb8;
	[tilespmem:$0x1E550] =	vst v63  }
0x38: {  	s30 =	simm.s32 $0x1500  }
0x39: {  	[spmem:s2] =	stream.indirect.scatter.add.f32 [tilespmem:s16], [sflag:$0x2], $0x10, s30, s15, $0xb8;
	[tilespmem:$0x1E550] =	vst v63  }
0x3a: {  	s31 =	simm.s32 $0x1580  }
0x3b: {  	[spmem:s2] =	stream.indirect.scatter.add.f32 [tilespmem:s16], [sflag:$0x2], $0x10, s31, s15, $0xb8;
	[tilespmem:$0x1E550] =	vst v63  }
0x3c: {  	s30 =	simm.s32 $0x1600  }
0x3d: {  	[spmem:s2] =	stream.indirect.scatter.add.f32 [tilespmem:s16], [sflag:$0x2], $0x10, s30, s15, $0xb8;
	[tilespmem:$0x1E550] =	vst v63  }
0x3e: {  	s31 =	simm.s32 $0x1680  }
0x3f: {  	[spmem:s2] =	stream.indirect.scatter.add.f32 [tilespmem:s16], [sflag:$0x2], $0x10, s31, s15, $0xb8;
	[tilespmem:$0x1E550] =	vst v63  }
0x40: {  	s30 =	simm.s32 $0x1700  }
0x41: {  	[spmem:s2] =	stream.indirect.scatter.add.f32 [tilespmem:s16], [sflag:$0x2], $0x10, s30, s15, $0xb8;
	[tilespmem:$0x1E550] =	vst v63  }
0x42: {  	s31 =	simm.s32 $0x1780  }
0x43: {  	[spmem:s2] =	stream.indirect.scatter.add.f32 [tilespmem:s16], [sflag:$0x2], $0x10, s31, s15, $0xb8;
	[tilespmem:$0x1E550] =	vst v63  }
0x44: {  	s30 =	simm.s32 $0x1800  }
0x45: {  	[spmem:s2] =	stream.indirect.scatter.add.f32 [tilespmem:s16], [sflag:$0x2], $0x10, s30, s15, $0xb8;
	[tilespmem:$0x1E550] =	vst v63  }
0x46: {  	s31 =	simm.s32 $0x1880  }
0x47: {  	[spmem:s2] =	stream.indirect.scatter.add.f32 [tilespmem:s16], [sflag:$0x2], $0x10, s31, s15, $0xb8;
	[tilespmem:$0x1E550] =	vst v63  }
0x48: {  	s30 =	simm.s32 $0x1900  }
0x49: {  	[spmem:s2] =	stream.indirect.scatter.add.f32 [tilespmem:s16], [sflag:$0x2], $0x10, s30, s15, $0xb8;
	[tilespmem:$0x1E550] =	vst v63  }
0x4a: {  	s31 =	simm.s32 $0x1980  }
0x4b: {  	[spmem:s2] =	stream.indirect.scatter.add.f32 [tilespmem:s16], [sflag:$0x2], $0x10, s31, s15, $0xb8;
	[tilespmem:$0x1E550] =	vst v63  }
0x4c: {  	s30 =	simm.s32 $0x1A00  }
0x4d: {  	[spmem:s2] =	stream.indirect.scatter.add.f32 [tilespmem:s16], [sflag:$0x2], $0x10, s30, s15, $0xb8;
	[tilespmem:$0x1E550] =	vst v63  }
0x4e: {  	s31 =	simm.s32 $0x1A80  }
0x4f: {  	[spmem:s2] =	stream.indirect.scatter.add.f32 [tilespmem:s16], [sflag:$0x2], $0x10, s31, s15, $0xb8;
	[tilespmem:$0x1E550] =	vst v63  }
0x50: {  	s30 =	simm.s32 $0x1B00  }
0x51: {  	[spmem:s2] =	stream.indirect.scatter.add.f32 [tilespmem:s16], [sflag:$0x2], $0x10, s30, s15, $0xb8;
	[tilespmem:$0x1E550] =	vst v63  }
0x52: {  	s31 =	simm.s32 $0x1B80  }
0x53: {  	[spmem:s2] =	stream.indirect.scatter.add.f32 [tilespmem:s16], [sflag:$0x2], $0x10, s31, s15, $0xb8;
	[tilespmem:$0x1E550] =	vst v63  }
0x54: {  	s30 =	simm.s32 $0x1C00  }
0x55: {  	[spmem:s2] =	stream.indirect.scatter.add.f32 [tilespmem:s16], [sflag:$0x2], $0x10, s30, s15, $0xb8;
	[tilespmem:$0x1E550] =	vst v63  }
0x56: {  	s31 =	simm.s32 $0x1C80  }
0x57: {  	[spmem:s2] =	stream.indirect.scatter.add.f32 [tilespmem:s16], [sflag:$0x2], $0x10, s31, s15, $0xb8;
	[tilespmem:$0x1E550] =	vst v63  }
0x58: {  	s30 =	simm.s32 $0x1D00  }
0x59: {  	[spmem:s2] =	stream.indirect.scatter.add.f32 [tilespmem:s16], [sflag:$0x2], $0x10, s30, s15, $0xb8;
	[tilespmem:$0x1E550] =	vst v63  }
0x5a: {  	s31 =	simm.s32 $0x1D80  }
0x5b: {  	[spmem:s2] =	stream.indirect.scatter.add.f32 [tilespmem:s16], [sflag:$0x2], $0x10, s31, s15, $0xb8;
	[tilespmem:$0x1E550] =	vst v63  }
0x5c: {  	s30 =	simm.s32 $0x1E00  }
0x5d: {  	[spmem:s2] =	stream.indirect.scatter.add.f32 [tilespmem:s16], [sflag:$0x2], $0x10, s30, s15, $0xb8;
	[tilespmem:$0x1E550] =	vst v63  }
0x5e: {  	s31 =	simm.s32 $0x1E80  }
0x5f: {  	[spmem:s2] =	stream.indirect.scatter.add.f32 [tilespmem:s16], [sflag:$0x2], $0x10, s31, s15, $0xb8;
	[tilespmem:$0x1E550] =	vst v63  }
0x60: {  	s30 =	simm.s32 $0x1F00  }
0x61: {  	[spmem:s2] =	stream.indirect.scatter.add.f32 [tilespmem:s16], [sflag:$0x2], $0x10, s30, s15, $0xb8;
	[tilespmem:$0x1E550] =	vst v63  }
0x62: {  	s31 =	simm.s32 $0x1F80  }
0x63: {  	[spmem:s2] =	stream.indirect.scatter.add.f32 [tilespmem:s16], [sflag:$0x2], $0x10, s31, s15, $0xb8;
	[tilespmem:$0x1E550] =	vst v63  }
0x64: {  	s30 =	simm.s32 $0x2000  }
0x65: {  	[spmem:s2] =	stream.indirect.scatter.add.f32 [tilespmem:s16], [sflag:$0x2], $0x10, s30, s15, $0xb8;
	[tilespmem:$0x1E550] =	vst v63  }
0x66: {  	s31 =	simm.s32 $0x2080  }
0x67: {  	[spmem:s2] =	stream.indirect.scatter.add.f32 [tilespmem:s16], [sflag:$0x2], $0x10, s31, s15, $0xb8;
	[tilespmem:$0x1E550] =	vst v63  }
0x68: {  	s30 =	simm.s32 $0x2100  }
0x69: {  	[spmem:s2] =	stream.indirect.scatter.add.f32 [tilespmem:s16], [sflag:$0x2], $0x10, s30, s15, $0xb8;
	[tilespmem:$0x1E550] =	vst v63  }
0x6a: {  	s31 =	simm.s32 $0x2180  }
0x6b: {  	[spmem:s2] =	stream.indirect.scatter.add.f32 [tilespmem:s16], [sflag:$0x2], $0x10, s31, s15, $0xb8;
	[tilespmem:$0x1E550] =	vst v63  }
0x6c: {  	s30 =	simm.s32 $0x2200  }
0x6d: {  	[spmem:s2] =	stream.indirect.scatter.add.f32 [tilespmem:s16], [sflag:$0x2], $0x10, s30, s15, $0xb8;
	[tilespmem:$0x1E550] =	vst v63  }
0x6e: {  	s31 =	simm.s32 $0x2280  }
0x6f: {  	[spmem:s2] =	stream.indirect.scatter.add.f32 [tilespmem:s16], [sflag:$0x2], $0x10, s31, s15, $0xb8;
	[tilespmem:$0x1E550] =	vst v63  }
0x70: {  	s30 =	simm.s32 $0x2300  }
0x71: {  	[spmem:s2] =	stream.indirect.scatter.add.f32 [tilespmem:s16], [sflag:$0x2], $0x10, s30, s15, $0xb8;
	[tilespmem:$0x1E550] =	vst v63  }
0x72: {  	s31 =	simm.s32 $0x2380  }
0x73: {  	[spmem:s2] =	stream.indirect.scatter.add.f32 [tilespmem:s16], [sflag:$0x2], $0x10, s31, s15, $0xb8;
	[tilespmem:$0x1E550] =	vst v63  }
0x74: {  	_ = 	snop  }
0x75: {  	[spmem:s2] =	stream.indirect.scatter.add.f32 [tilespmem:s16], [sflag:$0x2], $0x10, s14, s15, $0xb8;
	[tilespmem:$0x1E550] =	vst v63  }
0x76: {  	_ = 	snop  }
0x77: {  	[spmem:s2] =	stream.indirect.scatter.add.f32 [tilespmem:s16], [sflag:$0x2], $0x10, s17, s15, $0xb8;
	[tilespmem:$0x1E550] =	vst v63  }
0x78: {  	_ = 	snop  }
0x79: {  	[spmem:s2] =	stream.indirect.scatter.add.f32 [tilespmem:s16], [sflag:$0x2], $0x10, s18, s15, $0xb8;
	[tilespmem:$0x1E550] =	vst v63  }
0x7a: {  	_ = 	snop  }
0x7b: {  	[spmem:s2] =	stream.indirect.scatter.add.f32 [tilespmem:s16], [sflag:$0x2], $0x10, s19, s15, $0xb8;
	[tilespmem:$0x1E550] =	vst v63  }
0x7c: {  	_ = 	snop  }
0x7d: {  	[spmem:s2] =	stream.indirect.scatter.add.f32 [tilespmem:s16], [sflag:$0x2], $0x10, s20, s15, $0xb8;
	[tilespmem:$0x1E550] =	vst v63  }
0x7e: {  	_ = 	snop  }
0x7f: {  	[spmem:s2] =	stream.indirect.scatter.add.f32 [tilespmem:s16], [sflag:$0x2], $0x10, s21, s15, $0xb8;
	[tilespmem:$0x1E550] =	vst v63  }
0x80: {  	_ = 	snop  }
0x81: {  	[spmem:s2] =	stream.indirect.scatter.add.f32 [tilespmem:s16], [sflag:$0x2], $0x10, s22, s15, $0xb8;
	[tilespmem:$0x1E550] =	vst v63  }
0x82: {  	_ = 	snop  }
0x83: {  	[spmem:s2] =	stream.indirect.scatter.add.f32 [tilespmem:s16], [sflag:$0x2], $0x10, s23, s15, $0xb8;
	[tilespmem:$0x1E550] =	vst v63  }
0x84: {  	_ =	swait.ge [sflag:s24], $0x800  }
0x85: {  	s29 =	simm.s32 $0x27;
	[sflag:s24] =	ssyncset.done $0x0  }
.LBB2_8:
0x86: {  	p1 =	sne.s32 s29, $0x1;
	s29 =	sadd.s32 $0xFFFFFFFF, s29;
	[sflag:s24] =	ssyncadd.s32 $0xFFFFF800  }
.Ltmp3:
0x87: {  	(pc) =	sbr.rel @p1 .LBB2_8-.Ltmp3, $3  }
0x88: {  	_ =	sdelay $0x1  }
0x89: {  	_ =	swait.ge [sflag:s24], $0x800  }
0x8a: {  	[sflag:s24] =	ssyncset.done $0x0  }
0x8b: {  	[sflag:s24] =	ssyncadd.s32 $0xFFFFF800  }
0x8c: {  	[hbm4b:s8+s3] =	stream.linear.scatter [tilespmem:s25], [sflag:$0x3], $0x14000, $0x38;
	[tilespmem:$0x1E550] =	vst v63  }
0x8d: {  	_ =	swait.ge [sflag:s11], $0x14000  }
0x8e: {  	[sflag:s11] =	ssyncset.done $0x0  }
0x8f: {  	[sflag:s11] =	ssyncadd.s32 $0xFFFEC000  }
0x90: {  	_ =	swait.ge [sflag:s26], $0x800  }
0x91: {  	s29 =	simm.s32 $0x27;
	[sflag:s26] =	ssyncset.done $0x0  }
.LBB2_10:
0x92: {  	p1 =	sne.s32 s29, $0x1;
	s29 =	sadd.s32 $0xFFFFFFFF, s29;
	[sflag:s26] =	ssyncadd.s32 $0xFFFFF800  }
.Ltmp4:
0x93: {  	(pc) =	sbr.rel @p1 .LBB2_10-.Ltmp4, $3  }
0x94: {  	_ =	sdelay $0x1  }
0x95: {  	_ =	swait.ge [sflag:s26], $0x800  }
0x96: {  	[sflag:s26] =	ssyncset.done $0x0  }
0x97: {  	[sflag:s26] =	ssyncadd.s32 $0xFFFFF800;
	s1 =	sshrl.u32 @!p0 s2, $0x3;
	s28 =	sadd.s32 $0x1, s28  }
0x98: {  	s29 =	simm.s32 @!p0 $0x1C03;
	[bflag:$0x0] =	sbarrier.arrive $0xFFFF;
	p1 =	sne.s32 s28, s10  }
0x99: {  	[hbm:s9], [sflag:s29] =	dma.local @!p0 [spmem:s1], $0x4E20  }
.Ltmp5:
0x9a: {  	_ = 	snop;
	(pc) =	sbr.rel @p1 .LBB2_1-.Ltmp5, $4  }
0x9b: {  	s1 =	simm.s32 @!p0 $0x3  }
0x9c: {  	_ =	swait.ge @!p0 [sflag:s1], $0x4E20  }
0x9d: {  	[sflag:s1] =	ssyncset.done @!p0 $0x0  }
0x9e: {  	[sflag:s1] =	ssyncadd.s32 @!p0 $0xFFFFB1E0  }
0x9f: {  	_ =	sfence.sel $0x180000  }
0xa0: {  	[bflag:$0x0] =	sbarrier.arrive $0xFFFF  }
0xa1: {  	_ =	strace $0x90000050  }
0xa2: {  	[bflag:$0x2] =	sbarrier.arrive $0xFFFF  }
0xa3: {  	s0 =	rddreg [dreg:$0x3]  }
0xa4: {  	s0 =	sadd.s32 @!p0 $0x100000, s0  }
0xa5: {  	[sflag:s0] =	ssyncadd.tile.s32 @!p0 $0x1;
	_ =	shalt  }
.Lfunc_end2:
_tile_overlayer_lowered:
.L_overlay_start_2:
0xa6: {  	(tag) =	ssettag $0x2  }
0xa7: {  	s0 =	rddreg [dreg:$0x0];
	s2 =	stileid.u32  }
0xa8: {  	s1 =	rddreg [dreg:$0x1];
	p0 =	sne.s32 s2, $0x0  }
0xa9: {  	s3 =	rddreg [dreg:$0x2];
	[bflag:$0x3] =	sbarrier.arrive $0xFFFF;
	s2 =	simm.s32 @!p0 $0x1C03  }
0xaa: {  	[timem:s3], [sflag:s2] =	dma.local @!p0 [hbm:s0], s1  }
0xab: {  	s0 =	simm.s32 @!p0 $0x3  }
0xac: {  	_ =	swait.ge @!p0 [sflag:s0], s1  }
0xad: {  	s1 =	ssub.s32 @!p0 $0x0, s1;
	[sflag:s0] =	ssyncset.done @!p0 $0x0  }
0xae: {  	[sflag:s0] =	ssyncadd.s32 @!p0 s1  }
0xaf: {  	[bflag:$0x3] =	sbarrier.arrive $0xFFFF  }
0xb0: {  	_ =	shalt  }

// kernel: kernel.13.cloned.1.call-start
scs
__scs_entry_jumppad:
0x0: {  	(pc) =	sbr.rel $0x88, $3  }
0x1: {  	(tag) =	ssettag $0x0;
	lr =	simm.s32 $0x1  }
0x2: {  	[smem:$0x3F85] =	sst lr;
	_ =	strace $0xD0000000  }
0x3: {  	_ = 	snop  }
0x4: {  	_ = 	snop  }
0x5: {  	_ = 	snop  }
0x6: {  	_ = 	snop  }
0x7: {  	_ = 	snop  }
__scs_overlays_trampoline_lowered:
0x8: {  	[smem:$0x3F94] =	sst s0  }
0x9: {  	[smem:$0x3F95] =	sst s1  }
0xa: {  	[smem:$0x3F96] =	sst s2  }
0xb: {  	[smem:$0x3F97] =	sst s3  }
0xc: {  	[smem:$0x3F98] =	sst s4  }
0xd: {  	[smem:$0x3F99] =	sst s5  }
0xe: {  	[smem:$0x3F9A] =	sst s6  }
0xf: {  	[smem:$0x3F9B] =	sst s7  }
0x10: {  	[smem:$0x3F9C] =	sst s8  }
0x11: {  	[smem:$0x3F9D] =	sst s9;
	s0 =	simm.s32 @!p0 $0x0  }
0x12: {  	s1 =	sld [smem:$0x3F83];
	s0 =	simm.s32 @p0 $0x1  }
0x13: {  	[smem:$0x3F9E] =	sst s0;
	s0 =	simm.s32 @!p1 $0x0  }
0x14: {  	s2 =	sld [smem:$0x3F82];
	s0 =	simm.s32 @p1 $0x1  }
0x15: {  	[smem:$0x3F9F] =	sst s0;
	s0 =	simm.s32 @!p2 $0x0  }
0x16: {  	s3 =	sld [smem:$0x3FDB];
	s0 =	simm.s32 @p2 $0x1  }
0x17: {  	s4 =	simm.s32 $0x1BF5;
	[smem:$0x3FA1] =	sst s0  }
0x18: {  	s0 =	sld [smem:$0x3F84];
	_ =	swait.ge [sflag:s4], $0x0  }
0x19: {  	s7 =	sld [smem:$0x3F85]  }
0x1a: {  	s8 =	sadd.s32 $0xFFFFE003, lr  }
0x1b: {  	s9 =	sadd.s32 $0xFFFFFEF7, lr;
	s5 =	simm.s32 $0xFFFFFFFF;
	p2 =	slt.u32 s8, $0xFFFFF086  }
0x1c: {  	p1 =	slt.u32 s9, $0xF7A;
	s5 =	simm.s32 @!p2 $0x0  }
0x1d: {  	s5 =	simm.s32 @p1 $0x1;
	p0 =	seq.s32 s7, s2  }
0x1e: {  	s7 =	smul.u32 @!p0 $0xF7A, s2;
	p2 =	seq.s32 @!p0 s5, $0x0  }
0x1f: {  	s9 =	smul.u32 $0xF7A, s1;
	s8 =	simm.s32 @!p0 $0x1BF5;
	p2 =	por !p2, p0  }
0x20: {  	[sflag:s8] =	ssyncset.s32 @!p0 $0xFFFFF086;
	s6 =	sadd.s32 @!p0 s3, s7;
	s7 =	simm.s32 @!p0 $0x108  }
0x21: {  	s3 =	sadd.s32 s3, s9;
	s6 =	sadd.s32 @!p0 $0x88, s6;
	s7 =	simm.s32 @p2 $0x1082  }
0x22: {  	[simem:s7], [sflag:s8] =	dma.local @!p0 [hbm:s6], $0xF7A  }
0x23: {  	s9 =	sor.u32 $0xD0000000, s2;
	s6 =	simm.s32 $0x108;
	_ =	swait.ge @!p0 [sflag:s8], $0x0  }
0x24: {  	s3 =	sadd.s32 $0x88, s3;
	s6 =	simm.s32 @!p1 $0x1082;
	[sflag:s4] =	ssyncset.s32 $0xFFFFF086  }
0x25: {  	[simem:s6], [sflag:s4] =	dma.local [hbm:s3], $0xF7A  }
0x26: {  	[smem:$0x3F85] =	sst s1;
	(tag) =	ssettag s2;
	_ =	strace s9  }
0x27: {  	s1 =	sld [smem:$0x3F95]  }
0x28: {  	s2 =	sld [smem:$0x3F96]  }
0x29: {  	s4 =	sld [smem:$0x3F98]  }
0x2a: {  	p0 =	seq.s32 s5, $0x0;
	s5 =	sld [smem:$0x3F99]  }
0x2b: {  	s6 =	sld [smem:$0x3F9A]  }
0x2c: {  	s7 =	sld [smem:$0x3F9B]  }
0x2d: {  	s3 =	simm.s32 $0x108;
	s8 =	sld [smem:$0x3F9C]  }
0x2e: {  	s3 =	simm.s32 @!p0 $0x1082;
	s9 =	sld [smem:$0x3F9D]  }
0x2f: {  	lr =	sadd.s32 s0, s3;
	s0 =	sld [smem:$0x3F94]  }
0x30: {  	s3 =	sld [smem:$0x3F97]  }
0x31: {  	[smem:$0x3FA0] =	sst s10  }
0x32: {  	s10 =	sld [smem:$0x3F9E];
	_ =	sdelay $0x3  }
0x33: {  	p0 =	seq.s32 s10, $0x1;
	s10 =	sld [smem:$0x3FA0];
	_ =	sdelay $0x3  }
0x34: {  	[smem:$0x3FA0] =	sst s10  }
0x35: {  	s10 =	sld [smem:$0x3F9F];
	_ =	sdelay $0x3  }
0x36: {  	p1 =	seq.s32 s10, $0x1;
	s10 =	sld [smem:$0x3FA0];
	_ =	sdelay $0x3  }
0x37: {  	[smem:$0x3FA0] =	sst s10  }
0x38: {  	s10 =	sld [smem:$0x3FA1]  }
0x39: {  	_ = 	snop;
	(pc) =	sbr.ind lr, $3  }
0x3a: {  	_ = 	snop  }
0x3b: {  	_ = 	snop  }
0x3c: {  	p2 =	seq.s32 s10, $0x1;
	s10 =	sld [smem:$0x3FA0]  }
0x3d: {  	_ =	shalt  }
0x3e: {  	_ =	shalt  }
0x3f: {  	_ =	shalt  }
0x40: {  	_ =	shalt  }
0x41: {  	_ =	shalt  }
0x42: {  	_ =	shalt  }
0x43: {  	_ =	shalt  }
0x44: {  	_ =	shalt  }
0x45: {  	_ =	shalt  }
0x46: {  	_ =	shalt  }
0x47: {  	_ =	shalt  }
0x48: {  	_ =	shalt  }
0x49: {  	_ =	shalt  }
0x4a: {  	_ =	shalt  }
0x4b: {  	_ =	shalt  }
0x4c: {  	_ =	shalt  }
0x4d: {  	_ =	shalt  }
0x4e: {  	_ =	shalt  }
0x4f: {  	_ =	shalt  }
0x50: {  	_ =	shalt  }
0x51: {  	_ =	shalt  }
0x52: {  	_ =	shalt  }
0x53: {  	_ =	shalt  }
0x54: {  	_ =	shalt  }
0x55: {  	_ =	shalt  }
0x56: {  	_ =	shalt  }
0x57: {  	_ =	shalt  }
0x58: {  	_ =	shalt  }
0x59: {  	_ =	shalt  }
0x5a: {  	_ =	shalt  }
0x5b: {  	_ =	shalt  }
0x5c: {  	_ =	shalt  }
0x5d: {  	_ =	shalt  }
0x5e: {  	_ =	shalt  }
0x5f: {  	_ =	shalt  }
0x60: {  	_ =	shalt  }
0x61: {  	_ =	shalt  }
0x62: {  	_ =	shalt  }
0x63: {  	_ =	shalt  }
0x64: {  	_ =	shalt  }
0x65: {  	_ =	shalt  }
0x66: {  	_ =	shalt  }
0x67: {  	_ =	shalt  }
0x68: {  	_ =	shalt  }
0x69: {  	_ =	shalt  }
0x6a: {  	_ =	shalt  }
0x6b: {  	_ =	shalt  }
0x6c: {  	_ =	shalt  }
0x6d: {  	_ =	shalt  }
0x6e: {  	_ =	shalt  }
0x6f: {  	_ =	shalt  }
0x70: {  	_ =	shalt  }
0x71: {  	_ =	shalt  }
0x72: {  	_ =	shalt  }
0x73: {  	_ =	shalt  }
0x74: {  	_ =	shalt  }
0x75: {  	_ =	shalt  }
0x76: {  	_ =	shalt  }
0x77: {  	_ =	shalt  }
0x78: {  	_ =	shalt  }
0x79: {  	_ =	shalt  }
0x7a: {  	_ =	shalt  }
0x7b: {  	_ =	shalt  }
0x7c: {  	_ =	shalt  }
0x7d: {  	_ =	shalt  }
0x7e: {  	_ =	shalt  }
0x7f: {  	_ =	shalt  }
0x80: {  	_ =	shalt  }
0x81: {  	_ =	shalt  }
0x82: {  	_ =	shalt  }
0x83: {  	_ =	shalt  }
0x84: {  	_ =	shalt  }
0x85: {  	_ =	shalt  }
0x86: {  	_ =	shalt  }
0x87: {  	_ =	shalt  }
.Lfunc_end0:
.L_simem_size_0:
called_computation.4_lowered:
.L_overlay_start_0:
0x88: {  	s2 =	sld [smem:$0x3FD9]  }
0x89: {  	s3 =	sld [smem:$0x3FFE];
	_ =	sdelay $0x1  }
0x8a: {  	s1 =	srdreg.scid  }
0x8b: {  	s0 =	sand.u32 $0x1, s1  }
0x8c: {  	s16 =	sshll.u32 s0, $0xA;
	s2 =	sadd.s32 s3, s2  }
0x8d: {  	s2 =	sadd.s32 s2, s16  }
0x8e: {  	[smem:$0x3FAC] =	sst s2  }
0x8f: {  	_ = 	snop  }
0x90: {  	(tm) =	ssettm $0x1  }
0x91: {  	s17 =	sld [smem:$0x3FFB];
	_ =	sdelay $0x3  }
0x92: {  	_ =	strace s17  }
0x93: {  	s2 =	sld [smem:$0x3FFC];
	_ =	sdelay $0x3  }
0x94: {  	_ =	strace s2  }
0x95: {  	s2 =	sld [smem:$0x3FFD];
	_ =	sdelay $0x3  }
0x96: {  	_ =	strace s2  }
0x97: {  	_ =	strace $0x8FFFFFFF  }
0x98: {  	s18 =	sld [smem:$0x3FDB];
	_ =	sdelay $0x1  }
0x99: {  	s19 =	simm.s32 $_scs_section_size  }
0x9a: {  	s4 =	simm.s32 $_size__tile_overlayer_lowered;
	s5 =	simm.s32 $_tile_overlayer_lowered  }
0x9b: {  	s22 =	simm.s32 $0x1BFF;
	s21 =	sshll.u32 s5, $0x1;
	s2 =	sadd.s32 s19, s18  }
0x9c: {  	s6 =	simm.s32 $0x0;
	s20 =	sshll.u32 s4, $0x1;
	s4 =	sadd.s32 s21, s2  }
0x9d: {  	[timem:s6], [sflag:s22] =	dma.local [hbm:s4], s20  }
0x9e: {  	_ =	swait.ge [sflag:s22], s20  }
0x9f: {  	s3 =	ssub.s32 $0x0, s20;
	[sflag:s22] =	ssyncset.done $0x0  }
0xa0: {  	[sflag:s22] =	ssyncadd.s32 s3;
	_ =	sdelay $0x1  }
0xa1: {  	s23 =	simm.s32 $0x1B8B  }
0xa2: {  	_ =	swait.ge [sflag:s23], $0x1  }
0xa3: {  	[sflag:s23] =	ssyncset.done $0x0  }
0xa4: {  	s25 =	simm.s32 $0x1B8E;
	s24 =	sld [smem:$0x3FFE];
	[sflag:s23] =	ssyncadd.s32 $0xFFFFFFFF  }
0xa5: {  	s26 =	simm.s32 $execute0_lowered;
	[smem:$0x3FD2] =	sst s25  }
0xa6: {  	s4 =	sshll.u32 s26, $0x1;
	_ =	strace $0x80000052;
	[dreg:$0x1] =	wrdreg $0xFFFFFFFF  }
0xa7: {  	s28 =	simm.s32 $_size_execute0_lowered;
	s2 =	sadd.s32 s2, s4;
	[dreg:$0x0] =	wrdreg $0x0  }
0xa8: {  	s4 =	sshll.u32 s28, $0x1;
	[dreg:$0x2] =	wrdreg s2  }
0xa9: {  	[dreg:$0x3] =	wrdreg s4  }
0xaa: {  	[dreg:$0x4] =	wrdreg $0xC0  }
0xab: {  	_ =	task [dreg:s6], $0x5FFFF  }
0xac: {  	[dreg:$0x1] =	wrdreg $0xFFFFFFFF  }
0xad: {  	[dreg:$0x0] =	wrdreg $0x60  }
0xae: {  	[dreg:$0x2] =	wrdreg s24  }
0xaf: {  	[dreg:$0x3] =	wrdreg $0x17B200  }
0xb0: {  	[dreg:$0x4] =	wrdreg $0x9  }
0xb1: {  	_ =	task.clear_ibuf [dreg:s6], $0x5FFFF;
	_ =	strace $0x90000052  }
0xb2: {  	s29 =	simm.s32 $0x9;
	_ =	strace $0x80000054  }
0xb3: {  	_ =	swait.ge [sflag:s29], $0x1  }
0xb4: {  	[sflag:s29] =	ssyncadd.s32 $0xFFFFFFFF  }
0xb5: {  	_ =	strace $0x90000054  }
0xb6: {  	_ =	sfence  }
0xb7: {  	s30 =	sld [smem:$0x0];
	_ =	sdelay $0x2  }
0xb8: {  	s31 =	sshll.u32 s1, $0xD;
	s1 =	sshrl.u32 s1, $0x2  }
0xb9: {  	s3 =	sand.u32 $0x4000, s31;
	s1 =	sadd.s32 s1, s30  }
0xba: {  	s0 =	sor.u32 s3, s0;
	s1 =	sshll.u32 s1, $0x11  }
0xbb: {  	s0 =	sor.u32 s1, s0  }
0xbc: {  	s0 =	sadd.s32 $0x8F2B, s0  }
0xbd: {  	[sflag:s0] =	ssyncadd.remote.s32 $0x1  }
0xbe: {  	_ =	sfence.sel $0xFFFF  }
0xbf: {  	[dreg:$0x0] =	wrdreg $0xFFFFFFFF;
	(pc) =	sbr.abs _section_cstart, $3  }
0xc0: {  	[dreg:$0x1] =	wrdreg $0xFFFFFFFF  }
0xc1: {  	_ =	task.clear_ibuf [dreg:s6], $0x2FFFF;
	_ =	strace $0x9FFFFFFF  }
0xc2: {  	(tm) =	ssettm $0x7FFFFFFF  }
0xc3: {  	_ =	shalt  }
tec
execute0_lowered:
.L_overlay_start_1:
0x0: {  	(tag) =	ssettag $0x1  }
0x1: {  	s0 =	srdreg.scid;
	s3 =	rddreg [dreg:$0x0]  }
0x2: {  	s12 =	stileid.u32;
	s1 =	rddreg [dreg:$0x1];
	s2 =	simm.s32 $0x0  }
0x3: {  	s10 =	simm.s32 $0x15400;
	s11 =	simm.s32 $0x1;
	s14 =	simm.s32 $0x0  }
0x4: {  	s4 =	sand.u32 $0x1, s0;
	s29 =	sshll.u32 s12, $0x1;
	s0 =	rddreg [dreg:$0x2]  }
0x5: {  	[smem:$0x7FF] =	sst s2;
	s8 =	smul.u32 $0x9C80, s12;
	p0 =	sne.s32 s12, $0x0  }
0x6: {  	s12 =	simm.s32 $0x80;
	s5 =	sor.u32 s4, s29;
	s7 =	smul.u32 $0x4E20, s4  }
0x7: {  	_ =	strace $0x80000053;
	s4 =	ssub.s32 $0x2, s4;
	s6 =	smul.u32 $0x2800, s5  }
0x8: {  	s13 =	sshrl.u32 @!p0 s1, $0x3;
	s5 =	smul.u32 $0x280, s5;
	s30 =	sshrl.u32 s4, $0x1  }
0x9: {  	s31 =	sshrl.u32 s8, $0x2;
	s8 =	simm.s32 $0x2;
	s7 =	sadd.s32 s7, s3  }
0xa: {  	s9 =	ssub.s32 s4, s30;
	s6 =	sadd.s32 s6, s3;
	s5 =	sadd.s32 s5, s3  }
0xb: {  	s3 =	sadd.s32 $0x28A600, s5;
	s4 =	sadd.s32 $0x5600, s6;
	s5 =	sadd.s32 s31, s1  }
0xc: {  	v0 =	vimm.f32 $0.0e+00;
	s6 =	sadd.s32 $0x55600, s7;
	s7 =	smax.u32 s9, $0x1;
	s9 =	simm.s32 $0x1400  }
.LBB2_1:
0xd: {  	[tilespmem:s2], [sflag:$0x2] =	stream.linear.gather [hbm4b:s3+s2], $0x1400, $0x38;
	[tilespmem:$0x1A240] =	vst v63  }
0xe: {  	_ =	swait.ge [sflag:s8], $0x1400  }
0xf: {  	[sflag:s8] =	ssyncset.done $0x0  }
0x10: {  	s15 =	simm.s32 $0x40;
	s16 =	simm.s32 $0x0;
	[sflag:s8] =	ssyncadd.s32 $0xFFFFEC00  }
0x11: {  	[tilespmem:s9], [sflag:$0x1] =	stream.linear.gather [hbm4b:s4+s2], $0x14000, $0x38;
	[tilespmem:$0x1A240] =	vst v63  }
.LBB2_2:
0x12: {  	p1 =	sne.s32 s15, $0x9C40;
	[tilespmem:s16+$0x15400] =	vst v0;
	s16 =	smov.u32 s15;
	s15 =	sadd.s32 $0x40, s15  }
.Ltmp0:
0x13: {  	(pc) =	sbr.rel @p1 .LBB2_2-.Ltmp0, $2  }
0x14: {  	_ =	sdelay $0x2  }
0x15: {  	s16 =	sshra.s32 s16, $0x2  }
0x16: {  	[tilespmem:s16+$0x15400] =	vst v0  }
0x17: {  	[spmem:s5] =	stream.linear.scatter [tilespmem:s10], [sflag:$0x2], $0x2720, $0x38;
	[tilespmem:$0x1A240] =	vst v63  }
0x18: {  	_ =	swait.ge [sflag:s8], $0x2720  }
0x19: {  	[sflag:s8] =	ssyncset.done $0x0  }
0x1a: {  	[sflag:s8] =	ssyncadd.s32 $0xFFFFD8E0  }
0x1b: {  	[bflag:$0x0] =	sbarrier.arrive $0xFFFF  }
0x1c: {  	_ =	swait.ge [sflag:s11], $0x14000  }
0x1d: {  	[sflag:s11] =	ssyncset.done $0x0  }
0x1e: {  	s15 =	simm.s32 $0x0;
	s16 =	simm.s32 $0x1400;
	[sflag:s11] =	ssyncadd.s32 $0xFFFEC000  }
.LBB2_4:
0x1f: {  	p1 =	sne.s32 s15, $0x4E00  }
.Ltmp1:
0x20: {  	_ = 	snop;
	(pc) =	sbr.rel @p1 .LBB2_4-.Ltmp1, $4  }
0x21: {  	_ = 	snop  }
0x22: {  	s17 =	sshra.s32 s15, $0x2  }
0x23: {  	[spmem:s1] =	stream.indirect.scatter.add.f32 [tilespmem:s16], [sflag:$0x1], $0x10, s17, s12, $0xb8;
	[tilespmem:$0x1A240] =	vst v63  }
0x24: {  	s15 =	sadd.s32 $0x200, s15;
	s16 =	sadd.s32 $0x800, s16  }
0x25: {  	_ =	swait.ge [sflag:s11], $0x800  }
0x26: {  	s15 =	simm.s32 $0x27;
	[sflag:s11] =	ssyncset.done $0x0  }
.LBB2_6:
0x27: {  	p1 =	sne.s32 s15, $0x1;
	s15 =	sadd.s32 $0xFFFFFFFF, s15;
	[sflag:s11] =	ssyncadd.s32 $0xFFFFF800  }
.Ltmp2:
0x28: {  	(pc) =	sbr.rel @p1 .LBB2_6-.Ltmp2, $3  }
0x29: {  	_ =	sdelay $0x1  }
0x2a: {  	_ =	swait.ge [sflag:s11], $0x800  }
0x2b: {  	[sflag:s11] =	ssyncset.done $0x0  }
0x2c: {  	[sflag:s11] =	ssyncadd.s32 $0xFFFFF800;
	s14 =	sadd.s32 $0x1, s14  }
0x2d: {  	s15 =	simm.s32 @!p0 $0x1C02;
	[bflag:$0x0] =	sbarrier.arrive $0xFFFF;
	p1 =	sne.s32 s14, s7  }
0x2e: {  	[hbm:s6], [sflag:s15] =	dma.local @!p0 [spmem:s13], $0x4E20  }
.Ltmp3:
0x2f: {  	_ = 	snop;
	(pc) =	sbr.rel @p1 .LBB2_1-.Ltmp3, $4  }
0x30: {  	s15 =	simm.s32 @!p0 $0x2  }
0x31: {  	_ =	swait.ge @!p0 [sflag:s15], $0x4E20  }
0x32: {  	[sflag:s15] =	ssyncset.done @!p0 $0x0  }
0x33: {  	[sflag:s15] =	ssyncadd.s32 @!p0 $0xFFFFB1E0  }
0x34: {  	_ =	sfence.sel $0x180000  }
0x35: {  	[bflag:$0x0] =	sbarrier.arrive $0xFFFF  }
0x36: {  	_ =	strace $0x90000053  }
0x37: {  	s0 =	sadd.s32 @!p0 $0x100000, s0;
	[bflag:$0x2] =	sbarrier.arrive $0xFFFF  }
0x38: {  	[sflag:s0] =	ssyncadd.tile.s32 @!p0 $0x1;
	_ =	shalt  }
.Lfunc_end2:
_tile_overlayer_lowered:
.L_overlay_start_2:
0x39: {  	(tag) =	ssettag $0x2  }
0x3a: {  	s0 =	rddreg [dreg:$0x0];
	s2 =	stileid.u32  }
0x3b: {  	s1 =	rddreg [dreg:$0x1];
	p0 =	sne.s32 s2, $0x0  }
0x3c: {  	s3 =	rddreg [dreg:$0x2];
	[bflag:$0x3] =	sbarrier.arrive $0xFFFF;
	s2 =	simm.s32 @!p0 $0x1C02  }
0x3d: {  	[timem:s3], [sflag:s2] =	dma.local @!p0 [hbm:s0], s1  }
0x3e: {  	s0 =	simm.s32 @!p0 $0x2  }
0x3f: {  	_ =	swait.ge @!p0 [sflag:s0], s1  }
0x40: {  	s1 =	ssub.s32 @!p0 $0x0, s1;
	[sflag:s0] =	ssyncset.done @!p0 $0x0  }
0x41: {  	[sflag:s0] =	ssyncadd.s32 @!p0 s1  }
0x42: {  	[bflag:$0x3] =	sbarrier.arrive $0xFFFF  }
0x43: {  	_ =	shalt  }

// kernel: kernel.16.cloned.1.call-start
scs
__scs_entry_jumppad:
0x0: {  	(pc) =	sbr.rel $0x88, $3  }
0x1: {  	(tag) =	ssettag $0x0;
	lr =	simm.s32 $0x1  }
0x2: {  	[smem:$0x3F85] =	sst lr;
	_ =	strace $0xD0000000  }
0x3: {  	_ = 	snop  }
0x4: {  	_ = 	snop  }
0x5: {  	_ = 	snop  }
0x6: {  	_ = 	snop  }
0x7: {  	_ = 	snop  }
__scs_overlays_trampoline_lowered:
0x8: {  	[smem:$0x3F94] =	sst s0  }
0x9: {  	[smem:$0x3F95] =	sst s1  }
0xa: {  	[smem:$0x3F96] =	sst s2  }
0xb: {  	[smem:$0x3F97] =	sst s3  }
0xc: {  	[smem:$0x3F98] =	sst s4  }
0xd: {  	[smem:$0x3F99] =	sst s5  }
0xe: {  	[smem:$0x3F9A] =	sst s6  }
0xf: {  	[smem:$0x3F9B] =	sst s7  }
0x10: {  	[smem:$0x3F9C] =	sst s8  }
0x11: {  	[smem:$0x3F9D] =	sst s9;
	s0 =	simm.s32 @!p0 $0x0  }
0x12: {  	s1 =	sld [smem:$0x3F83];
	s0 =	simm.s32 @p0 $0x1  }
0x13: {  	[smem:$0x3F9E] =	sst s0;
	s0 =	simm.s32 @!p1 $0x0  }
0x14: {  	s2 =	sld [smem:$0x3F82];
	s0 =	simm.s32 @p1 $0x1  }
0x15: {  	[smem:$0x3F9F] =	sst s0;
	s0 =	simm.s32 @!p2 $0x0  }
0x16: {  	s3 =	sld [smem:$0x3FDB];
	s0 =	simm.s32 @p2 $0x1  }
0x17: {  	s4 =	simm.s32 $0x1BF5;
	[smem:$0x3FA1] =	sst s0  }
0x18: {  	s0 =	sld [smem:$0x3F84];
	_ =	swait.ge [sflag:s4], $0x0  }
0x19: {  	s7 =	sld [smem:$0x3F85]  }
0x1a: {  	s8 =	sadd.s32 $0xFFFFE003, lr  }
0x1b: {  	s9 =	sadd.s32 $0xFFFFFEF7, lr;
	s5 =	simm.s32 $0xFFFFFFFF;
	p2 =	slt.u32 s8, $0xFFFFF086  }
0x1c: {  	p1 =	slt.u32 s9, $0xF7A;
	s5 =	simm.s32 @!p2 $0x0  }
0x1d: {  	s5 =	simm.s32 @p1 $0x1;
	p0 =	seq.s32 s7, s2  }
0x1e: {  	s7 =	smul.u32 @!p0 $0xF7A, s2;
	p2 =	seq.s32 @!p0 s5, $0x0  }
0x1f: {  	s9 =	smul.u32 $0xF7A, s1;
	s8 =	simm.s32 @!p0 $0x1BF5;
	p2 =	por !p2, p0  }
0x20: {  	[sflag:s8] =	ssyncset.s32 @!p0 $0xFFFFF086;
	s6 =	sadd.s32 @!p0 s3, s7;
	s7 =	simm.s32 @!p0 $0x108  }
0x21: {  	s3 =	sadd.s32 s3, s9;
	s6 =	sadd.s32 @!p0 $0x88, s6;
	s7 =	simm.s32 @p2 $0x1082  }
0x22: {  	[simem:s7], [sflag:s8] =	dma.local @!p0 [hbm:s6], $0xF7A  }
0x23: {  	s9 =	sor.u32 $0xD0000000, s2;
	s6 =	simm.s32 $0x108;
	_ =	swait.ge @!p0 [sflag:s8], $0x0  }
0x24: {  	s3 =	sadd.s32 $0x88, s3;
	s6 =	simm.s32 @!p1 $0x1082;
	[sflag:s4] =	ssyncset.s32 $0xFFFFF086  }
0x25: {  	[simem:s6], [sflag:s4] =	dma.local [hbm:s3], $0xF7A  }
0x26: {  	[smem:$0x3F85] =	sst s1;
	(tag) =	ssettag s2;
	_ =	strace s9  }
0x27: {  	s1 =	sld [smem:$0x3F95]  }
0x28: {  	s2 =	sld [smem:$0x3F96]  }
0x29: {  	s4 =	sld [smem:$0x3F98]  }
0x2a: {  	p0 =	seq.s32 s5, $0x0;
	s5 =	sld [smem:$0x3F99]  }
0x2b: {  	s6 =	sld [smem:$0x3F9A]  }
0x2c: {  	s7 =	sld [smem:$0x3F9B]  }
0x2d: {  	s3 =	simm.s32 $0x108;
	s8 =	sld [smem:$0x3F9C]  }
0x2e: {  	s3 =	simm.s32 @!p0 $0x1082;
	s9 =	sld [smem:$0x3F9D]  }
0x2f: {  	lr =	sadd.s32 s0, s3;
	s0 =	sld [smem:$0x3F94]  }
0x30: {  	s3 =	sld [smem:$0x3F97]  }
0x31: {  	[smem:$0x3FA0] =	sst s10  }
0x32: {  	s10 =	sld [smem:$0x3F9E];
	_ =	sdelay $0x3  }
0x33: {  	p0 =	seq.s32 s10, $0x1;
	s10 =	sld [smem:$0x3FA0];
	_ =	sdelay $0x3  }
0x34: {  	[smem:$0x3FA0] =	sst s10  }
0x35: {  	s10 =	sld [smem:$0x3F9F];
	_ =	sdelay $0x3  }
0x36: {  	p1 =	seq.s32 s10, $0x1;
	s10 =	sld [smem:$0x3FA0];
	_ =	sdelay $0x3  }
0x37: {  	[smem:$0x3FA0] =	sst s10  }
0x38: {  	s10 =	sld [smem:$0x3FA1]  }
0x39: {  	_ = 	snop;
	(pc) =	sbr.ind lr, $3  }
0x3a: {  	_ = 	snop  }
0x3b: {  	_ = 	snop  }
0x3c: {  	p2 =	seq.s32 s10, $0x1;
	s10 =	sld [smem:$0x3FA0]  }
0x3d: {  	_ =	shalt  }
0x3e: {  	_ =	shalt  }
0x3f: {  	_ =	shalt  }
0x40: {  	_ =	shalt  }
0x41: {  	_ =	shalt  }
0x42: {  	_ =	shalt  }
0x43: {  	_ =	shalt  }
0x44: {  	_ =	shalt  }
0x45: {  	_ =	shalt  }
0x46: {  	_ =	shalt  }
0x47: {  	_ =	shalt  }
0x48: {  	_ =	shalt  }
0x49: {  	_ =	shalt  }
0x4a: {  	_ =	shalt  }
0x4b: {  	_ =	shalt  }
0x4c: {  	_ =	shalt  }
0x4d: {  	_ =	shalt  }
0x4e: {  	_ =	shalt  }
0x4f: {  	_ =	shalt  }
0x50: {  	_ =	shalt  }
0x51: {  	_ =	shalt  }
0x52: {  	_ =	shalt  }
0x53: {  	_ =	shalt  }
0x54: {  	_ =	shalt  }
0x55: {  	_ =	shalt  }
0x56: {  	_ =	shalt  }
0x57: {  	_ =	shalt  }
0x58: {  	_ =	shalt  }
0x59: {  	_ =	shalt  }
0x5a: {  	_ =	shalt  }
0x5b: {  	_ =	shalt  }
0x5c: {  	_ =	shalt  }
0x5d: {  	_ =	shalt  }
0x5e: {  	_ =	shalt  }
0x5f: {  	_ =	shalt  }
0x60: {  	_ =	shalt  }
0x61: {  	_ =	shalt  }
0x62: {  	_ =	shalt  }
0x63: {  	_ =	shalt  }
0x64: {  	_ =	shalt  }
0x65: {  	_ =	shalt  }
0x66: {  	_ =	shalt  }
0x67: {  	_ =	shalt  }
0x68: {  	_ =	shalt  }
0x69: {  	_ =	shalt  }
0x6a: {  	_ =	shalt  }
0x6b: {  	_ =	shalt  }
0x6c: {  	_ =	shalt  }
0x6d: {  	_ =	shalt  }
0x6e: {  	_ =	shalt  }
0x6f: {  	_ =	shalt  }
0x70: {  	_ =	shalt  }
0x71: {  	_ =	shalt  }
0x72: {  	_ =	shalt  }
0x73: {  	_ =	shalt  }
0x74: {  	_ =	shalt  }
0x75: {  	_ =	shalt  }
0x76: {  	_ =	shalt  }
0x77: {  	_ =	shalt  }
0x78: {  	_ =	shalt  }
0x79: {  	_ =	shalt  }
0x7a: {  	_ =	shalt  }
0x7b: {  	_ =	shalt  }
0x7c: {  	_ =	shalt  }
0x7d: {  	_ =	shalt  }
0x7e: {  	_ =	shalt  }
0x7f: {  	_ =	shalt  }
0x80: {  	_ =	shalt  }
0x81: {  	_ =	shalt  }
0x82: {  	_ =	shalt  }
0x83: {  	_ =	shalt  }
0x84: {  	_ =	shalt  }
0x85: {  	_ =	shalt  }
0x86: {  	_ =	shalt  }
0x87: {  	_ =	shalt  }
.Lfunc_end0:
.L_simem_size_0:
called_computation.5_lowered:
.L_overlay_start_0:
0x88: {  	s2 =	sld [smem:$0x3FD9]  }
0x89: {  	s3 =	sld [smem:$0x3FFE];
	_ =	sdelay $0x1  }
0x8a: {  	s1 =	srdreg.scid  }
0x8b: {  	s0 =	sand.u32 $0x1, s1  }
0x8c: {  	s16 =	sshll.u32 s0, $0xA;
	s2 =	sadd.s32 s3, s2  }
0x8d: {  	s2 =	sadd.s32 s2, s16  }
0x8e: {  	[smem:$0x3FAC] =	sst s2  }
0x8f: {  	_ = 	snop  }
0x90: {  	(tm) =	ssettm $0x1  }
0x91: {  	s17 =	sld [smem:$0x3FFB];
	_ =	sdelay $0x3  }
0x92: {  	_ =	strace s17  }
0x93: {  	s2 =	sld [smem:$0x3FFC];
	_ =	sdelay $0x3  }
0x94: {  	_ =	strace s2  }
0x95: {  	s2 =	sld [smem:$0x3FFD];
	_ =	sdelay $0x3  }
0x96: {  	_ =	strace s2  }
0x97: {  	_ =	strace $0x8FFFFFFF  }
0x98: {  	s18 =	sld [smem:$0x3FDB];
	_ =	sdelay $0x1  }
0x99: {  	s19 =	simm.s32 $_scs_section_size  }
0x9a: {  	s4 =	simm.s32 $_size__tile_overlayer_lowered;
	s5 =	simm.s32 $_tile_overlayer_lowered  }
0x9b: {  	s22 =	simm.s32 $0x1BFF;
	s21 =	sshll.u32 s5, $0x1;
	s2 =	sadd.s32 s19, s18  }
0x9c: {  	s6 =	simm.s32 $0x0;
	s20 =	sshll.u32 s4, $0x1;
	s4 =	sadd.s32 s21, s2  }
0x9d: {  	[timem:s6], [sflag:s22] =	dma.local [hbm:s4], s20  }
0x9e: {  	_ =	swait.ge [sflag:s22], s20  }
0x9f: {  	s3 =	ssub.s32 $0x0, s20;
	[sflag:s22] =	ssyncset.done $0x0  }
0xa0: {  	[sflag:s22] =	ssyncadd.s32 s3;
	_ =	sdelay $0x1  }
0xa1: {  	s23 =	simm.s32 $0x1B8B  }
0xa2: {  	_ =	swait.ge [sflag:s23], $0x1  }
0xa3: {  	[sflag:s23] =	ssyncset.done $0x0  }
0xa4: {  	s25 =	simm.s32 $0x1B8E;
	s24 =	sld [smem:$0x3FFE];
	[sflag:s23] =	ssyncadd.s32 $0xFFFFFFFF  }
0xa5: {  	s26 =	simm.s32 $execute0_lowered;
	[smem:$0x3FD2] =	sst s25  }
0xa6: {  	s4 =	sshll.u32 s26, $0x1;
	_ =	strace $0x80000055;
	[dreg:$0x1] =	wrdreg $0xFFFFFFFF  }
0xa7: {  	s28 =	simm.s32 $_size_execute0_lowered;
	s2 =	sadd.s32 s2, s4;
	[dreg:$0x0] =	wrdreg $0x0  }
0xa8: {  	s4 =	sshll.u32 s28, $0x1;
	[dreg:$0x2] =	wrdreg s2  }
0xa9: {  	[dreg:$0x3] =	wrdreg s4  }
0xaa: {  	[dreg:$0x4] =	wrdreg $0xC0  }
0xab: {  	_ =	task [dreg:s6], $0x5FFFF  }
0xac: {  	[dreg:$0x1] =	wrdreg $0xFFFFFFFF  }
0xad: {  	[dreg:$0x0] =	wrdreg $0x60  }
0xae: {  	[dreg:$0x2] =	wrdreg s24  }
0xaf: {  	[dreg:$0x3] =	wrdreg $0x154000  }
0xb0: {  	[dreg:$0x4] =	wrdreg $0x9  }
0xb1: {  	_ =	task.clear_ibuf [dreg:s6], $0x5FFFF;
	_ =	strace $0x90000055  }
0xb2: {  	s29 =	simm.s32 $0x9;
	_ =	strace $0x80000057  }
0xb3: {  	_ =	swait.ge [sflag:s29], $0x1  }
0xb4: {  	[sflag:s29] =	ssyncadd.s32 $0xFFFFFFFF  }
0xb5: {  	_ =	strace $0x90000057  }
0xb6: {  	_ =	sfence  }
0xb7: {  	s30 =	sld [smem:$0x0];
	_ =	sdelay $0x2  }
0xb8: {  	s31 =	sshll.u32 s1, $0xD;
	s1 =	sshrl.u32 s1, $0x2  }
0xb9: {  	s3 =	sand.u32 $0x4000, s31;
	s1 =	sadd.s32 s1, s30  }
0xba: {  	s0 =	sor.u32 s3, s0;
	s1 =	sshll.u32 s1, $0x11  }
0xbb: {  	s0 =	sor.u32 s1, s0  }
0xbc: {  	s0 =	sadd.s32 $0x8F2B, s0  }
0xbd: {  	[sflag:s0] =	ssyncadd.remote.s32 $0x1  }
0xbe: {  	_ =	sfence.sel $0xFFFF  }
0xbf: {  	[dreg:$0x0] =	wrdreg $0xFFFFFFFF;
	(pc) =	sbr.abs _section_cstart, $3  }
0xc0: {  	[dreg:$0x1] =	wrdreg $0xFFFFFFFF  }
0xc1: {  	_ =	task.clear_ibuf [dreg:s6], $0x2FFFF;
	_ =	strace $0x9FFFFFFF  }
0xc2: {  	(tm) =	ssettm $0x7FFFFFFF  }
0xc3: {  	_ =	shalt  }
tec
execute0_lowered:
.L_overlay_start_1:
0x0: {  	(tag) =	ssettag $0x1  }
0x1: {  	s4 =	rddreg [dreg:$0x0];
	s0 =	srdreg.scid  }
0x2: {  	s7 =	stileid.u32;
	s1 =	rddreg [dreg:$0x1];
	s2 =	simm.s32 $0x0  }
0x3: {  	s10 =	simm.s32 $0x1;
	s11 =	simm.s32 $0x1400;
	s12 =	simm.s32 $0x0  }
0x4: {  	s3 =	sand.u32 $0x1, s0;
	s5 =	sshll.u32 s7, $0x1;
	s0 =	rddreg [dreg:$0x2]  }
0x5: {  	[smem:$0x7FF] =	sst s2;
	p0 =	sne.s32 s7, $0x0;
	s5 =	sor.u32 s3, s5  }
0x6: {  	s7 =	simm.s32 $0x2;
	s8 =	ssub.s32 $0x2, s3;
	s6 =	smul.u32 $0x280, s5  }
0x7: {  	_ =	strace $0x80000056;
	s5 =	smul.u32 $0x2800, s5;
	s9 =	sshrl.u32 s8, $0x1  }
0x8: {  	s3 =	sadd.s32 $0x5600, s4;
	s8 =	ssub.s32 s8, s9;
	s6 =	sadd.s32 s6, s4  }
0x9: {  	s9 =	simm.s32 $0x80;
	s5 =	sadd.s32 s5, s4;
	s4 =	sadd.s32 $0x285600, s6  }
0xa: {  	s5 =	sadd.s32 $0xA600, s5;
	s6 =	smax.u32 s8, $0x1;
	s8 =	sshrl.u32 @!p0 s1, $0x3  }
.LBB2_1:
0xb: {  	[tilespmem:s2], [sflag:$0x2] =	stream.linear.gather [hbm4b:s4+s2], $0x1400, $0x38;
	[tilespmem:$0x17B10] =	vst v63  }
0xc: {  	_ =	swait.ge [sflag:s7], $0x1400  }
0xd: {  	[sflag:s7] =	ssyncset.done $0x0  }
0xe: {  	s13 =	simm.s32 @!p0 $0x1C02;
	[sflag:s7] =	ssyncadd.s32 $0xFFFFEC00  }
0xf: {  	[spmem:s8], [sflag:s13] =	dma.local @!p0 [hbm:s3], $0x4E20  }
0x10: {  	s13 =	simm.s32 @!p0 $0x2  }
0x11: {  	_ =	swait.ge @!p0 [sflag:s13], $0x4E20  }
0x12: {  	[sflag:s13] =	ssyncset.done @!p0 $0x0  }
0x13: {  	[sflag:s13] =	ssyncadd.s32 @!p0 $0xFFFFB1E0  }
0x14: {  	s14 =	simm.s32 $0x0;
	s13 =	simm.s32 $0x1400;
	[bflag:$0x0] =	sbarrier.arrive $0xFFFF  }
.LBB2_2:
0x15: {  	p1 =	sne.s32 s14, $0x4E00  }
.Ltmp0:
0x16: {  	_ = 	snop;
	(pc) =	sbr.rel @p1 .LBB2_2-.Ltmp0, $4  }
0x17: {  	_ = 	snop  }
0x18: {  	s15 =	sshra.s32 s14, $0x2  }
0x19: {  	[tilespmem:s13], [sflag:$0x1] =	stream.indirect.gather [spmem:s1], $0x10, s15, s9, $0xb8;
	[tilespmem:$0x17B10] =	vst v63  }
0x1a: {  	s14 =	sadd.s32 $0x200, s14;
	s13 =	sadd.s32 $0x800, s13  }
0x1b: {  	_ =	swait.ge [sflag:s10], $0x800  }
0x1c: {  	s13 =	simm.s32 $0x27;
	[sflag:s10] =	ssyncset.done $0x0  }
.LBB2_4:
0x1d: {  	p1 =	sne.s32 s13, $0x1;
	s13 =	sadd.s32 $0xFFFFFFFF, s13;
	[sflag:s10] =	ssyncadd.s32 $0xFFFFF800  }
.Ltmp1:
0x1e: {  	(pc) =	sbr.rel @p1 .LBB2_4-.Ltmp1, $3  }
0x1f: {  	_ =	sdelay $0x1  }
0x20: {  	_ =	swait.ge [sflag:s10], $0x800  }
0x21: {  	[sflag:s10] =	ssyncset.done $0x0  }
0x22: {  	s12 =	sadd.s32 $0x1, s12  }
0x23: {  	p1 =	sne.s32 s12, s6  }
.Ltmp2:
0x24: {  	[sflag:s10] =	ssyncadd.s32 $0xFFFFF800;
	(pc) =	sbr.rel @p1 .LBB2_1-.Ltmp2, $4  }
0x25: {  	[hbm4b:s5+s2] =	stream.linear.scatter [tilespmem:s11], [sflag:$0x2], $0x14000, $0x38;
	[tilespmem:$0x17B10] =	vst v63  }
0x26: {  	_ =	swait.ge [sflag:s7], $0x14000  }
0x27: {  	[sflag:s7] =	ssyncset.done $0x0  }
0x28: {  	[sflag:s7] =	ssyncadd.s32 $0xFFFEC000  }
0x29: {  	_ =	sfence.sel $0x180000  }
0x2a: {  	[bflag:$0x0] =	sbarrier.arrive $0xFFFF  }
0x2b: {  	_ =	strace $0x90000056  }
0x2c: {  	s0 =	sadd.s32 @!p0 $0x100000, s0;
	[bflag:$0x2] =	sbarrier.arrive $0xFFFF  }
0x2d: {  	[sflag:s0] =	ssyncadd.tile.s32 @!p0 $0x1;
	_ =	shalt  }
.Lfunc_end2:
_tile_overlayer_lowered:
.L_overlay_start_2:
0x2e: {  	(tag) =	ssettag $0x2  }
0x2f: {  	s0 =	rddreg [dreg:$0x0];
	s2 =	stileid.u32  }
0x30: {  	s1 =	rddreg [dreg:$0x1];
	p0 =	sne.s32 s2, $0x0  }
0x31: {  	s3 =	rddreg [dreg:$0x2];
	[bflag:$0x3] =	sbarrier.arrive $0xFFFF;
	s2 =	simm.s32 @!p0 $0x1C02  }
0x32: {  	[timem:s3], [sflag:s2] =	dma.local @!p0 [hbm:s0], s1  }
0x33: {  	s0 =	simm.s32 @!p0 $0x2  }
0x34: {  	_ =	swait.ge @!p0 [sflag:s0], s1  }
0x35: {  	s1 =	ssub.s32 @!p0 $0x0, s1;
	[sflag:s0] =	ssyncset.done @!p0 $0x0  }
0x36: {  	[sflag:s0] =	ssyncadd.s32 @!p0 s1  }
0x37: {  	[bflag:$0x3] =	sbarrier.arrive $0xFFFF  }
0x38: {  	_ =	shalt  }

// kernel: kernel.19.cloned.1.call-start
scs
__scs_entry_jumppad:
0x0: {  	(pc) =	sbr.rel $0x88, $3  }
0x1: {  	(tag) =	ssettag $0x0;
	lr =	simm.s32 $0x1  }
0x2: {  	[smem:$0x3F85] =	sst lr;
	_ =	strace $0xD0000000  }
0x3: {  	_ = 	snop  }
0x4: {  	_ = 	snop  }
0x5: {  	_ = 	snop  }
0x6: {  	_ = 	snop  }
0x7: {  	_ = 	snop  }
__scs_overlays_trampoline_lowered:
0x8: {  	[smem:$0x3F94] =	sst s0  }
0x9: {  	[smem:$0x3F95] =	sst s1  }
0xa: {  	[smem:$0x3F96] =	sst s2  }
0xb: {  	[smem:$0x3F97] =	sst s3  }
0xc: {  	[smem:$0x3F98] =	sst s4  }
0xd: {  	[smem:$0x3F99] =	sst s5  }
0xe: {  	[smem:$0x3F9A] =	sst s6  }
0xf: {  	[smem:$0x3F9B] =	sst s7  }
0x10: {  	[smem:$0x3F9C] =	sst s8  }
0x11: {  	[smem:$0x3F9D] =	sst s9;
	s0 =	simm.s32 @!p0 $0x0  }
0x12: {  	s1 =	sld [smem:$0x3F83];
	s0 =	simm.s32 @p0 $0x1  }
0x13: {  	[smem:$0x3F9E] =	sst s0;
	s0 =	simm.s32 @!p1 $0x0  }
0x14: {  	s2 =	sld [smem:$0x3F82];
	s0 =	simm.s32 @p1 $0x1  }
0x15: {  	[smem:$0x3F9F] =	sst s0;
	s0 =	simm.s32 @!p2 $0x0  }
0x16: {  	s3 =	sld [smem:$0x3FDB];
	s0 =	simm.s32 @p2 $0x1  }
0x17: {  	s4 =	simm.s32 $0x1BF5;
	[smem:$0x3FA1] =	sst s0  }
0x18: {  	s0 =	sld [smem:$0x3F84];
	_ =	swait.ge [sflag:s4], $0x0  }
0x19: {  	s7 =	sld [smem:$0x3F85]  }
0x1a: {  	s8 =	sadd.s32 $0xFFFFE003, lr  }
0x1b: {  	s9 =	sadd.s32 $0xFFFFFEF7, lr;
	s5 =	simm.s32 $0xFFFFFFFF;
	p2 =	slt.u32 s8, $0xFFFFF086  }
0x1c: {  	p1 =	slt.u32 s9, $0xF7A;
	s5 =	simm.s32 @!p2 $0x0  }
0x1d: {  	s5 =	simm.s32 @p1 $0x1;
	p0 =	seq.s32 s7, s2  }
0x1e: {  	s7 =	smul.u32 @!p0 $0xF7A, s2;
	p2 =	seq.s32 @!p0 s5, $0x0  }
0x1f: {  	s9 =	smul.u32 $0xF7A, s1;
	s8 =	simm.s32 @!p0 $0x1BF5;
	p2 =	por !p2, p0  }
0x20: {  	[sflag:s8] =	ssyncset.s32 @!p0 $0xFFFFF086;
	s6 =	sadd.s32 @!p0 s3, s7;
	s7 =	simm.s32 @!p0 $0x108  }
0x21: {  	s3 =	sadd.s32 s3, s9;
	s6 =	sadd.s32 @!p0 $0x88, s6;
	s7 =	simm.s32 @p2 $0x1082  }
0x22: {  	[simem:s7], [sflag:s8] =	dma.local @!p0 [hbm:s6], $0xF7A  }
0x23: {  	s9 =	sor.u32 $0xD0000000, s2;
	s6 =	simm.s32 $0x108;
	_ =	swait.ge @!p0 [sflag:s8], $0x0  }
0x24: {  	s3 =	sadd.s32 $0x88, s3;
	s6 =	simm.s32 @!p1 $0x1082;
	[sflag:s4] =	ssyncset.s32 $0xFFFFF086  }
0x25: {  	[simem:s6], [sflag:s4] =	dma.local [hbm:s3], $0xF7A  }
0x26: {  	[smem:$0x3F85] =	sst s1;
	(tag) =	ssettag s2;
	_ =	strace s9  }
0x27: {  	s1 =	sld [smem:$0x3F95]  }
0x28: {  	s2 =	sld [smem:$0x3F96]  }
0x29: {  	s4 =	sld [smem:$0x3F98]  }
0x2a: {  	p0 =	seq.s32 s5, $0x0;
	s5 =	sld [smem:$0x3F99]  }
0x2b: {  	s6 =	sld [smem:$0x3F9A]  }
0x2c: {  	s7 =	sld [smem:$0x3F9B]  }
0x2d: {  	s3 =	simm.s32 $0x108;
	s8 =	sld [smem:$0x3F9C]  }
0x2e: {  	s3 =	simm.s32 @!p0 $0x1082;
	s9 =	sld [smem:$0x3F9D]  }
0x2f: {  	lr =	sadd.s32 s0, s3;
	s0 =	sld [smem:$0x3F94]  }
0x30: {  	s3 =	sld [smem:$0x3F97]  }
0x31: {  	[smem:$0x3FA0] =	sst s10  }
0x32: {  	s10 =	sld [smem:$0x3F9E];
	_ =	sdelay $0x3  }
0x33: {  	p0 =	seq.s32 s10, $0x1;
	s10 =	sld [smem:$0x3FA0];
	_ =	sdelay $0x3  }
0x34: {  	[smem:$0x3FA0] =	sst s10  }
0x35: {  	s10 =	sld [smem:$0x3F9F];
	_ =	sdelay $0x3  }
0x36: {  	p1 =	seq.s32 s10, $0x1;
	s10 =	sld [smem:$0x3FA0];
	_ =	sdelay $0x3  }
0x37: {  	[smem:$0x3FA0] =	sst s10  }
0x38: {  	s10 =	sld [smem:$0x3FA1]  }
0x39: {  	_ = 	snop;
	(pc) =	sbr.ind lr, $3  }
0x3a: {  	_ = 	snop  }
0x3b: {  	_ = 	snop  }
0x3c: {  	p2 =	seq.s32 s10, $0x1;
	s10 =	sld [smem:$0x3FA0]  }
0x3d: {  	_ =	shalt  }
0x3e: {  	_ =	shalt  }
0x3f: {  	_ =	shalt  }
0x40: {  	_ =	shalt  }
0x41: {  	_ =	shalt  }
0x42: {  	_ =	shalt  }
0x43: {  	_ =	shalt  }
0x44: {  	_ =	shalt  }
0x45: {  	_ =	shalt  }
0x46: {  	_ =	shalt  }
0x47: {  	_ =	shalt  }
0x48: {  	_ =	shalt  }
0x49: {  	_ =	shalt  }
0x4a: {  	_ =	shalt  }
0x4b: {  	_ =	shalt  }
0x4c: {  	_ =	shalt  }
0x4d: {  	_ =	shalt  }
0x4e: {  	_ =	shalt  }
0x4f: {  	_ =	shalt  }
0x50: {  	_ =	shalt  }
0x51: {  	_ =	shalt  }
0x52: {  	_ =	shalt  }
0x53: {  	_ =	shalt  }
0x54: {  	_ =	shalt  }
0x55: {  	_ =	shalt  }
0x56: {  	_ =	shalt  }
0x57: {  	_ =	shalt  }
0x58: {  	_ =	shalt  }
0x59: {  	_ =	shalt  }
0x5a: {  	_ =	shalt  }
0x5b: {  	_ =	shalt  }
0x5c: {  	_ =	shalt  }
0x5d: {  	_ =	shalt  }
0x5e: {  	_ =	shalt  }
0x5f: {  	_ =	shalt  }
0x60: {  	_ =	shalt  }
0x61: {  	_ =	shalt  }
0x62: {  	_ =	shalt  }
0x63: {  	_ =	shalt  }
0x64: {  	_ =	shalt  }
0x65: {  	_ =	shalt  }
0x66: {  	_ =	shalt  }
0x67: {  	_ =	shalt  }
0x68: {  	_ =	shalt  }
0x69: {  	_ =	shalt  }
0x6a: {  	_ =	shalt  }
0x6b: {  	_ =	shalt  }
0x6c: {  	_ =	shalt  }
0x6d: {  	_ =	shalt  }
0x6e: {  	_ =	shalt  }
0x6f: {  	_ =	shalt  }
0x70: {  	_ =	shalt  }
0x71: {  	_ =	shalt  }
0x72: {  	_ =	shalt  }
0x73: {  	_ =	shalt  }
0x74: {  	_ =	shalt  }
0x75: {  	_ =	shalt  }
0x76: {  	_ =	shalt  }
0x77: {  	_ =	shalt  }
0x78: {  	_ =	shalt  }
0x79: {  	_ =	shalt  }
0x7a: {  	_ =	shalt  }
0x7b: {  	_ =	shalt  }
0x7c: {  	_ =	shalt  }
0x7d: {  	_ =	shalt  }
0x7e: {  	_ =	shalt  }
0x7f: {  	_ =	shalt  }
0x80: {  	_ =	shalt  }
0x81: {  	_ =	shalt  }
0x82: {  	_ =	shalt  }
0x83: {  	_ =	shalt  }
0x84: {  	_ =	shalt  }
0x85: {  	_ =	shalt  }
0x86: {  	_ =	shalt  }
0x87: {  	_ =	shalt  }
.Lfunc_end0:
.L_simem_size_0:
called_computation.6_lowered:
.L_overlay_start_0:
0x88: {  	s2 =	sld [smem:$0x3FD9]  }
0x89: {  	s3 =	sld [smem:$0x3FFE];
	_ =	sdelay $0x1  }
0x8a: {  	s1 =	srdreg.scid  }
0x8b: {  	s0 =	sand.u32 $0x1, s1  }
0x8c: {  	s16 =	sshll.u32 s0, $0xA;
	s2 =	sadd.s32 s3, s2  }
0x8d: {  	s2 =	sadd.s32 s2, s16  }
0x8e: {  	[smem:$0x3FAC] =	sst s2  }
0x8f: {  	_ = 	snop  }
0x90: {  	(tm) =	ssettm $0x1  }
0x91: {  	s17 =	sld [smem:$0x3FFB];
	_ =	sdelay $0x3  }
0x92: {  	_ =	strace s17  }
0x93: {  	s2 =	sld [smem:$0x3FFC];
	_ =	sdelay $0x3  }
0x94: {  	_ =	strace s2  }
0x95: {  	s2 =	sld [smem:$0x3FFD];
	_ =	sdelay $0x3  }
0x96: {  	_ =	strace s2  }
0x97: {  	_ =	strace $0x8FFFFFFF  }
0x98: {  	s18 =	sld [smem:$0x3FDB];
	_ =	sdelay $0x1  }
0x99: {  	s19 =	simm.s32 $_scs_section_size  }
0x9a: {  	s4 =	simm.s32 $_size__tile_overlayer_lowered;
	s5 =	simm.s32 $_tile_overlayer_lowered  }
0x9b: {  	s22 =	simm.s32 $0x1BFF;
	s21 =	sshll.u32 s5, $0x1;
	s2 =	sadd.s32 s19, s18  }
0x9c: {  	s6 =	simm.s32 $0x0;
	s20 =	sshll.u32 s4, $0x1;
	s4 =	sadd.s32 s21, s2  }
0x9d: {  	[timem:s6], [sflag:s22] =	dma.local [hbm:s4], s20  }
0x9e: {  	_ =	swait.ge [sflag:s22], s20  }
0x9f: {  	s3 =	ssub.s32 $0x0, s20;
	[sflag:s22] =	ssyncset.done $0x0  }
0xa0: {  	[sflag:s22] =	ssyncadd.s32 s3;
	_ =	sdelay $0x1  }
0xa1: {  	s23 =	simm.s32 $0x1B8B  }
0xa2: {  	_ =	swait.ge [sflag:s23], $0x1  }
0xa3: {  	[sflag:s23] =	ssyncset.done $0x0  }
0xa4: {  	s25 =	simm.s32 $0x1B8E;
	s24 =	sld [smem:$0x3FFE];
	[sflag:s23] =	ssyncadd.s32 $0xFFFFFFFF  }
0xa5: {  	s26 =	simm.s32 $execute0_lowered;
	[smem:$0x3FD2] =	sst s25  }
0xa6: {  	s4 =	sshll.u32 s26, $0x1;
	_ =	strace $0x80000058;
	[dreg:$0x1] =	wrdreg $0xFFFFFFFF  }
0xa7: {  	s28 =	simm.s32 $_size_execute0_lowered;
	s2 =	sadd.s32 s2, s4;
	[dreg:$0x0] =	wrdreg $0x0  }
0xa8: {  	s4 =	sshll.u32 s28, $0x1;
	[dreg:$0x2] =	wrdreg s2  }
0xa9: {  	[dreg:$0x3] =	wrdreg s4  }
0xaa: {  	[dreg:$0x4] =	wrdreg $0xC0  }
0xab: {  	_ =	task [dreg:s6], $0x5FFFF  }
0xac: {  	[dreg:$0x1] =	wrdreg $0xFFFFFFFF  }
0xad: {  	[dreg:$0x0] =	wrdreg $0x60  }
0xae: {  	[dreg:$0x2] =	wrdreg s24  }
0xaf: {  	[dreg:$0x3] =	wrdreg $0x17B200  }
0xb0: {  	[dreg:$0x4] =	wrdreg $0x9  }
0xb1: {  	_ =	task.clear_ibuf [dreg:s6], $0x5FFFF;
	_ =	strace $0x90000058  }
0xb2: {  	s29 =	simm.s32 $0x9;
	_ =	strace $0x8000005A  }
0xb3: {  	_ =	swait.ge [sflag:s29], $0x1  }
0xb4: {  	[sflag:s29] =	ssyncadd.s32 $0xFFFFFFFF  }
0xb5: {  	_ =	strace $0x9000005A  }
0xb6: {  	_ =	sfence  }
0xb7: {  	s30 =	sld [smem:$0x0];
	_ =	sdelay $0x2  }
0xb8: {  	s31 =	sshll.u32 s1, $0xD;
	s1 =	sshrl.u32 s1, $0x2  }
0xb9: {  	s3 =	sand.u32 $0x4000, s31;
	s1 =	sadd.s32 s1, s30  }
0xba: {  	s0 =	sor.u32 s3, s0;
	s1 =	sshll.u32 s1, $0x11  }
0xbb: {  	s0 =	sor.u32 s1, s0  }
0xbc: {  	s0 =	sadd.s32 $0x8F2B, s0  }
0xbd: {  	[sflag:s0] =	ssyncadd.remote.s32 $0x1  }
0xbe: {  	_ =	sfence.sel $0xFFFF  }
0xbf: {  	[dreg:$0x0] =	wrdreg $0xFFFFFFFF;
	(pc) =	sbr.abs _section_cstart, $3  }
0xc0: {  	[dreg:$0x1] =	wrdreg $0xFFFFFFFF  }
0xc1: {  	_ =	task.clear_ibuf [dreg:s6], $0x2FFFF;
	_ =	strace $0x9FFFFFFF  }
0xc2: {  	(tm) =	ssettm $0x7FFFFFFF  }
0xc3: {  	_ =	shalt  }
tec
execute0_lowered:
.L_overlay_start_1:
0x0: {  	(tag) =	ssettag $0x1  }
0x1: {  	s0 =	srdreg.scid;
	s3 =	rddreg [dreg:$0x0]  }
0x2: {  	s12 =	stileid.u32;
	s1 =	rddreg [dreg:$0x1];
	s2 =	simm.s32 $0x0  }
0x3: {  	s10 =	simm.s32 $0x15400;
	s11 =	simm.s32 $0x1;
	s14 =	simm.s32 $0x0  }
0x4: {  	s4 =	sand.u32 $0x1, s0;
	s29 =	sshll.u32 s12, $0x1;
	s0 =	rddreg [dreg:$0x2]  }
0x5: {  	[smem:$0x7FF] =	sst s2;
	s8 =	smul.u32 $0x9C80, s12;
	p0 =	sne.s32 s12, $0x0  }
0x6: {  	s12 =	simm.s32 $0x80;
	s5 =	sor.u32 s4, s29;
	s7 =	smul.u32 $0x4E20, s4  }
0x7: {  	_ =	strace $0x80000059;
	s4 =	ssub.s32 $0x2, s4;
	s6 =	smul.u32 $0x2800, s5  }
0x8: {  	s13 =	sshrl.u32 @!p0 s1, $0x3;
	s5 =	smul.u32 $0x280, s5;
	s30 =	sshrl.u32 s4, $0x1  }
0x9: {  	s31 =	sshrl.u32 s8, $0x2;
	s8 =	simm.s32 $0x2;
	s7 =	sadd.s32 s7, s3  }
0xa: {  	s9 =	ssub.s32 s4, s30;
	s6 =	sadd.s32 s6, s3;
	s5 =	sadd.s32 s5, s3  }
0xb: {  	s3 =	sadd.s32 $0x28A600, s5;
	s4 =	sadd.s32 $0x5600, s6;
	s5 =	sadd.s32 s31, s1  }
0xc: {  	v0 =	vimm.f32 $0.0e+00;
	s6 =	sadd.s32 $0x55600, s7;
	s7 =	smax.u32 s9, $0x1;
	s9 =	simm.s32 $0x1400  }
.LBB2_1:
0xd: {  	[tilespmem:s2], [sflag:$0x2] =	stream.linear.gather [hbm4b:s3+s2], $0x1400, $0x38;
	[tilespmem:$0x1A240] =	vst v63  }
0xe: {  	_ =	swait.ge [sflag:s8], $0x1400  }
0xf: {  	[sflag:s8] =	ssyncset.done $0x0  }
0x10: {  	s15 =	simm.s32 $0x40;
	s16 =	simm.s32 $0x0;
	[sflag:s8] =	ssyncadd.s32 $0xFFFFEC00  }
0x11: {  	[tilespmem:s9], [sflag:$0x1] =	stream.linear.gather [hbm4b:s4+s2], $0x14000, $0x38;
	[tilespmem:$0x1A240] =	vst v63  }
.LBB2_2:
0x12: {  	p1 =	sne.s32 s15, $0x9C40;
	[tilespmem:s16+$0x15400] =	vst v0;
	s16 =	smov.u32 s15;
	s15 =	sadd.s32 $0x40, s15  }
.Ltmp0:
0x13: {  	(pc) =	sbr.rel @p1 .LBB2_2-.Ltmp0, $2  }
0x14: {  	_ =	sdelay $0x2  }
0x15: {  	s16 =	sshra.s32 s16, $0x2  }
0x16: {  	[tilespmem:s16+$0x15400] =	vst v0  }
0x17: {  	[spmem:s5] =	stream.linear.scatter [tilespmem:s10], [sflag:$0x2], $0x2720, $0x38;
	[tilespmem:$0x1A240] =	vst v63  }
0x18: {  	_ =	swait.ge [sflag:s8], $0x2720  }
0x19: {  	[sflag:s8] =	ssyncset.done $0x0  }
0x1a: {  	[sflag:s8] =	ssyncadd.s32 $0xFFFFD8E0  }
0x1b: {  	[bflag:$0x0] =	sbarrier.arrive $0xFFFF  }
0x1c: {  	_ =	swait.ge [sflag:s11], $0x14000  }
0x1d: {  	[sflag:s11] =	ssyncset.done $0x0  }
0x1e: {  	s15 =	simm.s32 $0x0;
	s16 =	simm.s32 $0x1400;
	[sflag:s11] =	ssyncadd.s32 $0xFFFEC000  }
.LBB2_4:
0x1f: {  	p1 =	sne.s32 s15, $0x4E00  }
.Ltmp1:
0x20: {  	_ = 	snop;
	(pc) =	sbr.rel @p1 .LBB2_4-.Ltmp1, $4  }
0x21: {  	_ = 	snop  }
0x22: {  	s17 =	sshra.s32 s15, $0x2  }
0x23: {  	[spmem:s1] =	stream.indirect.scatter.add.f32 [tilespmem:s16], [sflag:$0x1], $0x10, s17, s12, $0xb8;
	[tilespmem:$0x1A240] =	vst v63  }
0x24: {  	s15 =	sadd.s32 $0x200, s15;
	s16 =	sadd.s32 $0x800, s16  }
0x25: {  	_ =	swait.ge [sflag:s11], $0x800  }
0x26: {  	s15 =	simm.s32 $0x27;
	[sflag:s11] =	ssyncset.done $0x0  }
.LBB2_6:
0x27: {  	p1 =	sne.s32 s15, $0x1;
	s15 =	sadd.s32 $0xFFFFFFFF, s15;
	[sflag:s11] =	ssyncadd.s32 $0xFFFFF800  }
.Ltmp2:
0x28: {  	(pc) =	sbr.rel @p1 .LBB2_6-.Ltmp2, $3  }
0x29: {  	_ =	sdelay $0x1  }
0x2a: {  	_ =	swait.ge [sflag:s11], $0x800  }
0x2b: {  	[sflag:s11] =	ssyncset.done $0x0  }
0x2c: {  	[sflag:s11] =	ssyncadd.s32 $0xFFFFF800;
	s14 =	sadd.s32 $0x1, s14  }
0x2d: {  	s15 =	simm.s32 @!p0 $0x1C02;
	[bflag:$0x0] =	sbarrier.arrive $0xFFFF;
	p1 =	sne.s32 s14, s7  }
0x2e: {  	[hbm:s6], [sflag:s15] =	dma.local @!p0 [spmem:s13], $0x4E20  }
.Ltmp3:
0x2f: {  	_ = 	snop;
	(pc) =	sbr.rel @p1 .LBB2_1-.Ltmp3, $4  }
0x30: {  	s15 =	simm.s32 @!p0 $0x2  }
0x31: {  	_ =	swait.ge @!p0 [sflag:s15], $0x4E20  }
0x32: {  	[sflag:s15] =	ssyncset.done @!p0 $0x0  }
0x33: {  	[sflag:s15] =	ssyncadd.s32 @!p0 $0xFFFFB1E0  }
0x34: {  	_ =	sfence.sel $0x180000  }
0x35: {  	[bflag:$0x0] =	sbarrier.arrive $0xFFFF  }
0x36: {  	_ =	strace $0x90000059  }
0x37: {  	s0 =	sadd.s32 @!p0 $0x100000, s0;
	[bflag:$0x2] =	sbarrier.arrive $0xFFFF  }
0x38: {  	[sflag:s0] =	ssyncadd.tile.s32 @!p0 $0x1;
	_ =	shalt  }
.Lfunc_end2:
_tile_overlayer_lowered:
.L_overlay_start_2:
0x39: {  	(tag) =	ssettag $0x2  }
0x3a: {  	s0 =	rddreg [dreg:$0x0];
	s2 =	stileid.u32  }
0x3b: {  	s1 =	rddreg [dreg:$0x1];
	p0 =	sne.s32 s2, $0x0  }
0x3c: {  	s3 =	rddreg [dreg:$0x2];
	[bflag:$0x3] =	sbarrier.arrive $0xFFFF;
	s2 =	simm.s32 @!p0 $0x1C02  }
0x3d: {  	[timem:s3], [sflag:s2] =	dma.local @!p0 [hbm:s0], s1  }
0x3e: {  	s0 =	simm.s32 @!p0 $0x2  }
0x3f: {  	_ =	swait.ge @!p0 [sflag:s0], s1  }
0x40: {  	s1 =	ssub.s32 @!p0 $0x0, s1;
	[sflag:s0] =	ssyncset.done @!p0 $0x0  }
0x41: {  	[sflag:s0] =	ssyncadd.s32 @!p0 s1  }
0x42: {  	[bflag:$0x3] =	sbarrier.arrive $0xFFFF  }
0x43: {  	_ =	shalt  }

</sc_bundles>
